<compile_context>
chip_gen: v7x
topology: tpu7x:2x2x1
jax: 0.10.2.dev20260603
libtpu: 0.0.44.dev20260713+nightly
codegen_flags: <defaults>
</compile_context>

<pallas_src>
import functools

import jax
import jax.numpy as jnp
from jax import lax
from jax.experimental import pallas as pl
from jax.experimental.pallas import tpu as pltpu
from jax.experimental.pallas import tpu_sc as plsc

N_EDGES = 320000
N_NODES = 10000
N_RBF = 6
EMBED = 128
N_SPECIES = 100

SC_CORES = 2
SC_SUBCORES = 16
SC_LANES = 16
NW = SC_CORES * SC_SUBCORES
CHUNK = N_EDGES // NW

GROUP = 128
ROWS = 125
BLK = ROWS * GROUP
N_GROUPS = N_EDGES // GROUP
GRID = N_EDGES // BLK

@functools.cache
def _make_sc_type_gather():
    mesh = plsc.VectorSubcoreMesh(
        core_axis_name="c", subcore_axis_name="s",
        num_cores=SC_CORES, num_subcores=SC_SUBCORES)

    @functools.partial(
        pl.kernel,
        out_type=jax.ShapeDtypeStruct((N_EDGES,), jnp.int32),
        mesh=mesh,
        scratch_types=[pltpu.VMEM((N_NODES,), jnp.int32),
                       pltpu.VMEM((CHUNK,), jnp.int32),
                       pltpu.VMEM((CHUNK,), jnp.int32),
                       pltpu.VMEM((CHUNK,), jnp.int32)],
        compiler_params=pltpu.CompilerParams(needs_layout_passes=False),
    )
    def _sc_type_gather(species_hbm, idx_i_hbm, idx_j_hbm, types_hbm,
                        species_v, idx_i_v, idx_j_v, out_v):
        wid = lax.axis_index("s") * SC_CORES + lax.axis_index("c")
        base = wid * CHUNK
        pltpu.sync_copy(species_hbm, species_v)
        pltpu.sync_copy(idx_i_hbm.at[pl.ds(base, CHUNK)], idx_i_v)
        pltpu.sync_copy(idx_j_hbm.at[pl.ds(base, CHUNK)], idx_j_v)

        @plsc.parallel_loop(0, CHUNK, step=SC_LANES, unroll=8)
        def body(k):
            ti = plsc.load_gather(species_v, [idx_i_v[pl.ds(k, SC_LANES)]])
            tj = plsc.load_gather(species_v, [idx_j_v[pl.ds(k, SC_LANES)]])
            out_v[pl.ds(k, SC_LANES)] = ti | (tj << 8)

        pltpu.sync_copy(out_v, types_hbm.at[pl.ds(base, CHUNK)])

    return _sc_type_gather


def _tc_body(t_ref, rbf_ref, Ti_ref, Tj_ref, Wf_ref, b_ref, out_ref):
    cls = lax.broadcasted_iota(jnp.int32, (EMBED, GROUP), 0)
    ohT_i = jnp.concatenate(
        [((t_ref[0, r:r + 1, :] & 0xFF) == cls).astype(jnp.bfloat16)
         for r in range(ROWS)], axis=1)
    ohT_j = jnp.concatenate(
        [((t_ref[0, r:r + 1, :] >> 8) == cls).astype(jnp.bfloat16)
         for r in range(ROWS)], axis=1)
    dnums = (((0,), (0,)), ((), ()))
    acc = lax.dot_general(ohT_i, Ti_ref[...], dnums,
                          preferred_element_type=jnp.float32)
    acc = acc + lax.dot_general(ohT_j, Tj_ref[...], dnums,
                                preferred_element_type=jnp.float32)
    acc = acc + lax.dot_general(rbf_ref[...].astype(jnp.bfloat16),
                                Wf_ref[...], dnums,
                                preferred_element_type=jnp.float32)
    acc = acc + b_ref[...]
    out_ref[...] = acc * jax.nn.sigmoid(acc)


def _tc_fused(types, rbf, Ti, Tj, Wf, b):
    return pl.pallas_call(
        _tc_body,
        grid=(GRID,),
        in_specs=[
            pl.BlockSpec((1, ROWS, GROUP), lambda i: (i, 0, 0)),
            pl.BlockSpec((N_RBF, BLK), lambda i: (0, i)),
            pl.BlockSpec((EMBED, EMBED), lambda i: (0, 0)),
            pl.BlockSpec((EMBED, EMBED), lambda i: (0, 0)),
            pl.BlockSpec((N_RBF, EMBED), lambda i: (0, 0)),
            pl.BlockSpec((1, EMBED), lambda i: (0, 0)),
        ],
        out_specs=pl.BlockSpec((BLK, EMBED), lambda i: (i, 0)),
        out_shape=jax.ShapeDtypeStruct((N_EDGES, EMBED), jnp.float32),
        compiler_params=pltpu.CompilerParams(
            dimension_semantics=("parallel",)),
    )(types, rbf, Ti, Tj, Wf, b)


def kernel(rbf, species, idx_i, idx_j, embedding_vect, W_rbf, W_concat,
           b_concat):
    species = species.astype(jnp.int32)
    idx_i = idx_i.astype(jnp.int32)
    idx_j = idx_j.astype(jnp.int32)

    types = _make_sc_type_gather()(species, idx_i, idx_j)

    half = W_concat.shape[0] // 4
    Ti = jnp.pad(embedding_vect @ W_concat[:half],
                 ((0, EMBED - N_SPECIES), (0, 0))).astype(jnp.bfloat16)
    Tj = jnp.pad(embedding_vect @ W_concat[half:2 * half],
                 ((0, EMBED - N_SPECIES), (0, 0))).astype(jnp.bfloat16)
    Wf = (W_rbf @ W_concat[2 * half:]).astype(jnp.bfloat16)

    return _tc_fused(types.reshape(GRID, ROWS, GROUP),
                     rbf.T, Ti, Tj, Wf, b_concat.reshape(1, EMBED))

# --- scband reference (transcript-rebuilt; emitter-appended) ---
"""Pipeline reference for scband-embedding-block-42004780155367 (READ-ONLY COPY).

The authoritative reference and input builder live on the scoring server;
editing this copy changes nothing except your own understanding.
"""

import jax, jax.numpy as jnp
import numpy as np

N_NODES = 10000
N_EDGES = 320000
N_RBF = 6
EMBED_SIZE = 128
TYPE_EMBED_SIZE = 64  # embed_size / 2
N_SPECIES = 100


def setup_inputs(seed: int = 0) -> dict:
    key = jax.random.key(seed)
    k_rbf, k_sp, k_i, k_j, k_e, k_w1, k_w2, k_b = jax.random.split(key, 8)
    rbf = jax.random.normal(k_rbf, (N_EDGES, N_RBF), dtype=jnp.float32)
    species = jax.random.randint(k_sp, (N_NODES,), 0, N_SPECIES, dtype=jnp.int64)
    idx_i = jax.random.randint(k_i, (N_EDGES,), 0, N_NODES, dtype=jnp.int64)
    idx_j = jax.random.randint(k_j, (N_EDGES,), 0, N_NODES, dtype=jnp.int64)
    # Embedding table: RandomUniform(-sqrt(3), sqrt(3)) as in the haiku module
    s3 = float(np.sqrt(3.0))
    embedding_vect = jax.random.uniform(k_e, (N_SPECIES, TYPE_EMBED_SIZE), minval=-s3, maxval=s3, dtype=jnp.float32)
    # RBF_Dense: Linear(embed_size, with_bias=False): [n_rbf, embed_size]
    W_rbf = jax.random.normal(k_w1, (N_RBF, EMBED_SIZE), dtype=jnp.float32) / np.sqrt(N_RBF)
    # Concat_Dense: Linear(embed_size) with bias; input dim = 2*type_embed + embed_size
    concat_in = 2 * TYPE_EMBED_SIZE + EMBED_SIZE
    W_concat = jax.random.normal(k_w2, (concat_in, EMBED_SIZE), dtype=jnp.float32) / np.sqrt(concat_in)
    b_concat = jnp.zeros((EMBED_SIZE,), dtype=jnp.float32)
    return {
        'rbf': rbf,
        'species': species,
        'idx_i': idx_i,
        'idx_j': idx_j,
        'embedding_vect': embedding_vect,
        'W_rbf': W_rbf,
        'W_concat': W_concat,
        'b_concat': b_concat,
    }


def reference(rbf, species, idx_i, idx_j, embedding_vect, W_rbf, W_concat, b_concat):
    # RBF dense (no bias)
    transformed_rbf = rbf @ W_rbf
    # Gather atom types for both edge endpoints, then gather type embeddings
    type_i = jnp.take(species, idx_i, axis=0)
    type_j = jnp.take(species, idx_j, axis=0)
    h_i = jnp.take(embedding_vect, type_i, axis=0)
    h_j = jnp.take(embedding_vect, type_j, axis=0)
    edge_embedding = jnp.concatenate([h_i, h_j, transformed_rbf], axis=-1)
    # Concat_Dense followed by swish activation
    embedded_messages = jax.nn.swish(edge_embedding @ W_concat + b_concat)
    return embedded_messages

if __name__ == "__main__":
    import jax
    _d = setup_inputs()
    print(jax.jit(kernel)(*tuple(_d.values())))

</pallas_src>

<mosaic_0001>
#map = affine_map<(d0, d1) -> (0)>
module attributes {stable_mosaic.version = 14 : i64} {
  func.func @_sc_type_gather(%arg0: i32, %arg1: i32, %arg2: memref<10000xi32, #tpu.memory_space<hbm>>, %arg3: memref<320000xi32, #tpu.memory_space<hbm>>, %arg4: memref<320000xi32, #tpu.memory_space<hbm>>, %arg5: memref<320000xi32, #tpu.memory_space<hbm>>, %arg6: memref<10000xi32, #tpu.memory_space<vmem>>, %arg7: memref<10000xi32, #tpu.memory_space<vmem>>, %arg8: memref<10000xi32, #tpu.memory_space<vmem>>, %arg9: memref<10000xi32, #tpu.memory_space<vmem>>) attributes {dimension_semantics = [#tpu.dimension_semantics<core_parallel>, #tpu.dimension_semantics<subcore_parallel>], iteration_bounds = array<i64: 2, 16>, scalar_prefetch = 0 : i64, scratch_operands = 4 : i64, tpu.core_type = #tpu.core_type<sc_vector_subcore>, window_params = [{transform_indices = #map}, {transform_indices = #map}, {transform_indices = #map}, {transform_indices = #map}]} {
    %mul3A = arith.constant 2 : i32
    %mul3A_0 = arith.muli %arg1, %mul3A : i32
    %add3A = arith.addi %mul3A_0, %arg0 : i32
    %mul3A_1 = arith.constant 10000 : i32
    %mul3A_2 = arith.muli %add3A, %mul3A_1 : i32
    "tpu.region"() ({
      %run_scoped3A = tpu.sem_alloc : memref<!tpu.dma_semaphore, #tpu.memory_space<semaphore_mem>>
      tpu.enqueue_dma source(%arg2 : memref<10000xi32, #tpu.memory_space<hbm>>) target(%arg6 : memref<10000xi32, #tpu.memory_space<vmem>>) target_semaphore(%run_scoped3A : memref<!tpu.dma_semaphore, #tpu.memory_space<semaphore_mem>>)
      tpu.wait_dma2 semaphore(%run_scoped3A : memref<!tpu.dma_semaphore, #tpu.memory_space<semaphore_mem>>) src(%arg2 : memref<10000xi32, #tpu.memory_space<hbm>>) dst(%arg6 : memref<10000xi32, #tpu.memory_space<vmem>>)
      tpu.yield
    }) : () -> ()
    "tpu.region"() ({
      %run_scoped3A = tpu.sem_alloc : memref<!tpu.dma_semaphore, #tpu.memory_space<semaphore_mem>>
      %dma_start3A = tpu.memref_slice %arg3[%mul3A_2] : memref<320000xi32, #tpu.memory_space<hbm>> -> memref<10000xi32, #tpu.memory_space<hbm>>
      %dma_start3A_5 = tpu.memref_slice %arg3[%mul3A_2] : memref<320000xi32, #tpu.memory_space<hbm>> -> memref<10000xi32, #tpu.memory_space<hbm>>
      tpu.enqueue_dma source(%dma_start3A_5 : memref<10000xi32, #tpu.memory_space<hbm>>) target(%arg7 : memref<10000xi32, #tpu.memory_space<vmem>>) target_semaphore(%run_scoped3A : memref<!tpu.dma_semaphore, #tpu.memory_space<semaphore_mem>>)
      %dma_wait3A = tpu.memref_slice %arg3[%mul3A_2] : memref<320000xi32, #tpu.memory_space<hbm>> -> memref<10000xi32, #tpu.memory_space<hbm>>
      %dma_wait3A_6 = tpu.memref_slice %arg3[%mul3A_2] : memref<320000xi32, #tpu.memory_space<hbm>> -> memref<10000xi32, #tpu.memory_space<hbm>>
      tpu.wait_dma2 semaphore(%run_scoped3A : memref<!tpu.dma_semaphore, #tpu.memory_space<semaphore_mem>>) src(%dma_wait3A_6 : memref<10000xi32, #tpu.memory_space<hbm>>) dst(%arg7 : memref<10000xi32, #tpu.memory_space<vmem>>)
      tpu.yield
    }) : () -> ()
    "tpu.region"() ({
      %run_scoped3A = tpu.sem_alloc : memref<!tpu.dma_semaphore, #tpu.memory_space<semaphore_mem>>
      %dma_start3A = tpu.memref_slice %arg4[%mul3A_2] : memref<320000xi32, #tpu.memory_space<hbm>> -> memref<10000xi32, #tpu.memory_space<hbm>>
      %dma_start3A_5 = tpu.memref_slice %arg4[%mul3A_2] : memref<320000xi32, #tpu.memory_space<hbm>> -> memref<10000xi32, #tpu.memory_space<hbm>>
      tpu.enqueue_dma source(%dma_start3A_5 : memref<10000xi32, #tpu.memory_space<hbm>>) target(%arg8 : memref<10000xi32, #tpu.memory_space<vmem>>) target_semaphore(%run_scoped3A : memref<!tpu.dma_semaphore, #tpu.memory_space<semaphore_mem>>)
      %dma_wait3A = tpu.memref_slice %arg4[%mul3A_2] : memref<320000xi32, #tpu.memory_space<hbm>> -> memref<10000xi32, #tpu.memory_space<hbm>>
      %dma_wait3A_6 = tpu.memref_slice %arg4[%mul3A_2] : memref<320000xi32, #tpu.memory_space<hbm>> -> memref<10000xi32, #tpu.memory_space<hbm>>
      tpu.wait_dma2 semaphore(%run_scoped3A : memref<!tpu.dma_semaphore, #tpu.memory_space<semaphore_mem>>) src(%dma_wait3A_6 : memref<10000xi32, #tpu.memory_space<hbm>>) dst(%arg8 : memref<10000xi32, #tpu.memory_space<vmem>>)
      tpu.yield
    }) : () -> ()
    %parallel_loop3A = arith.constant 0 : i32
    %parallel_loop3A_3 = arith.constant 10000 : i32
    %parallel_loop3A_4 = arith.constant 16 : i32
    scf.for %parallel_loop3A_5 = %parallel_loop3A to %parallel_loop3A_3 step %parallel_loop3A_4  : i32 {
      %parallel_loop3A_6 = arith.index_cast %parallel_loop3A_5 : i32 to index
      %parallel_loop3A_7 = tpu.vector_load %arg7[%parallel_loop3A_6] {strides = array<i32>} : memref<10000xi32, #tpu.memory_space<vmem>>, vector<16xi32>,
      %parallel_loop3A_8 = tpu.vector_load_idx %arg6[%parallel_loop3A_7] : memref<10000xi32, #tpu.memory_space<vmem>>[vector<16xi32>], vector<16xi32>,
      %parallel_loop3A_9 = arith.index_cast %parallel_loop3A_5 : i32 to index
      %parallel_loop3A_10 = tpu.vector_load %arg8[%parallel_loop3A_9] {strides = array<i32>} : memref<10000xi32, #tpu.memory_space<vmem>>, vector<16xi32>,
      %parallel_loop3A_11 = tpu.vector_load_idx %arg6[%parallel_loop3A_10] : memref<10000xi32, #tpu.memory_space<vmem>>[vector<16xi32>], vector<16xi32>,
      %parallel_loop3A_12 = arith.constant 8 : i32
      %parallel_loop3A_13 = vector.broadcast %parallel_loop3A_12 : i32 to vector<16xi32>
      %parallel_loop3A_14 = arith.shli %parallel_loop3A_11, %parallel_loop3A_13 : vector<16xi32>
      %parallel_loop3A_15 = arith.ori %parallel_loop3A_8, %parallel_loop3A_14 : vector<16xi32>
      %parallel_loop3A_16 = arith.index_cast %parallel_loop3A_5 : i32 to index
      %parallel_loop3A_17 = tpu.vector_load %arg9[%parallel_loop3A_16] {strides = array<i32>} : memref<10000xi32, #tpu.memory_space<vmem>>, vector<16xi32>,
      tpu.vector_store %arg9[%parallel_loop3A_16], %parallel_loop3A_15 {strides = array<i32>} : memref<10000xi32, #tpu.memory_space<vmem>>, vector<16xi32>,
    } {sc.loop_unroll_factor = 8 : i64, sc.parallel_access}
    "tpu.region"() ({
      %run_scoped3A = tpu.sem_alloc : memref<!tpu.dma_semaphore, #tpu.memory_space<semaphore_mem>>
      %dma_start3A = tpu.memref_slice %arg5[%mul3A_2] : memref<320000xi32, #tpu.memory_space<hbm>> -> memref<10000xi32, #tpu.memory_space<hbm>>
      %dma_start3A_5 = tpu.memref_slice %arg5[%mul3A_2] : memref<320000xi32, #tpu.memory_space<hbm>> -> memref<10000xi32, #tpu.memory_space<hbm>>
      tpu.enqueue_dma source(%arg9 : memref<10000xi32, #tpu.memory_space<vmem>>) target(%dma_start3A_5 : memref<10000xi32, #tpu.memory_space<hbm>>) target_semaphore(%run_scoped3A : memref<!tpu.dma_semaphore, #tpu.memory_space<semaphore_mem>>)
      %dma_wait3A = tpu.memref_slice %arg5[%mul3A_2] : memref<320000xi32, #tpu.memory_space<hbm>> -> memref<10000xi32, #tpu.memory_space<hbm>>
      %dma_wait3A_6 = tpu.memref_slice %arg5[%mul3A_2] : memref<320000xi32, #tpu.memory_space<hbm>> -> memref<10000xi32, #tpu.memory_space<hbm>>
      tpu.wait_dma2 semaphore(%run_scoped3A : memref<!tpu.dma_semaphore, #tpu.memory_space<semaphore_mem>>) src(%arg9 : memref<10000xi32, #tpu.memory_space<vmem>>) dst(%dma_wait3A_6 : memref<10000xi32, #tpu.memory_space<hbm>>)
      tpu.yield
    }) : () -> ()
    return
  }
}

module attributes {stable_mosaic.version = 14 : i64} {
  func.func @_tc_body(%arg0: i32, %arg1: memref<1x125x128xi32, #tpu.memory_space<vmem>>, %arg2: memref<6x16000xf32, #tpu.memory_space<vmem>>, %arg3: memref<128x128xbf16, #tpu.memory_space<vmem>>, %arg4: memref<128x128xbf16, #tpu.memory_space<vmem>>, %arg5: memref<6x128xbf16, #tpu.memory_space<vmem>>, %arg6: memref<1x128xf32, #tpu.memory_space<vmem>>, %arg7: memref<16000x128xf32, #tpu.memory_space<vmem>>) attributes {dimension_semantics = [#tpu.dimension_semantics<parallel>], iteration_bounds = array<i64: 20>, scalar_prefetch = 0 : i64, scratch_operands = 0 : i64, tpu.core_type = #tpu.core_type<tc>, window_params = [{transform_indices = @transform_0, window_bounds = array<i64: 1, 125, 128>}, {transform_indices = @transform_1, window_bounds = array<i64: 6, 16000>}, {pipeline_mode = #tpu.pipeline_mode<synchronous>, transform_indices = @transform_2, window_bounds = array<i64: 128, 128>}, {pipeline_mode = #tpu.pipeline_mode<synchronous>, transform_indices = @transform_3, window_bounds = array<i64: 128, 128>}, {pipeline_mode = #tpu.pipeline_mode<synchronous>, transform_indices = @transform_4, window_bounds = array<i64: 6, 128>}, {pipeline_mode = #tpu.pipeline_mode<synchronous>, transform_indices = @transform_5, window_bounds = array<i64: 1, 128>}, {transform_indices = @transform_6, window_bounds = array<i64: 16000, 128>}]} {
    %iota3A = tpu.iota {dimensions = array<i32: 0>} : vector<128x128xi32>
    %get3A = arith.constant 0 : index
    %get3A_0 = arith.constant 0 : index
    %get3A_1 = arith.constant 0 : index
    %get3A_2 = vector.load %arg1[%get3A, %get3A_0, %get3A_1] : memref<1x125x128xi32, #tpu.memory_space<vmem>>, vector<1x1x128xi32>
    %get3A_3 = vector.shape_cast %get3A_2 : vector<1x1x128xi32> to vector<1x128xi32>
    %and3A = arith.constant 255 : i32
    %and3A_4 = vector.broadcast %and3A : i32 to vector<1x128xi32>
    %and3A_5 = arith.andi %get3A_3, %and3A_4 : vector<1x128xi32>
    %eq3A = vector.broadcast %and3A_5 : vector<1x128xi32> to vector<128x128xi32>
    %eq3A_6 = arith.cmpi eq, %eq3A, %iota3A : vector<128x128xi32>
    %convert_element_type3A = arith.extui %eq3A_6 : vector<128x128xi1> to vector<128x128xi32>
    %convert_element_type3A_7 = arith.sitofp %convert_element_type3A : vector<128x128xi32> to vector<128x128xf32>
    %convert_element_type3A_8 = arith.truncf %convert_element_type3A_7 : vector<128x128xf32> to vector<128x128xbf16>
    %get3A_9 = arith.constant 0 : index
    %get3A_10 = arith.constant 1 : index
    %get3A_11 = arith.constant 0 : index
    %get3A_12 = vector.load %arg1[%get3A_9, %get3A_10, %get3A_11] : memref<1x125x128xi32, #tpu.memory_space<vmem>>, vector<1x1x128xi32>
    %get3A_13 = vector.shape_cast %get3A_12 : vector<1x1x128xi32> to vector<1x128xi32>
    %and3A_14 = arith.constant 255 : i32
    %and3A_15 = vector.broadcast %and3A_14 : i32 to vector<1x128xi32>
    %and3A_16 = arith.andi %get3A_13, %and3A_15 : vector<1x128xi32>
    %eq3A_17 = vector.broadcast %and3A_16 : vector<1x128xi32> to vector<128x128xi32>
    %eq3A_18 = arith.cmpi eq, %eq3A_17, %iota3A : vector<128x128xi32>
    %convert_element_type3A_19 = arith.extui %eq3A_18 : vector<128x128xi1> to vector<128x128xi32>
    %convert_element_type3A_20 = arith.sitofp %convert_element_type3A_19 : vector<128x128xi32> to vector<128x128xf32>
    %convert_element_type3A_21 = arith.truncf %convert_element_type3A_20 : vector<128x128xf32> to vector<128x128xbf16>
    %get3A_22 = arith.constant 0 : index
    %get3A_23 = arith.constant 2 : index
    %get3A_24 = arith.constant 0 : index
    %get3A_25 = vector.load %arg1[%get3A_22, %get3A_23, %get3A_24] : memref<1x125x128xi32, #tpu.memory_space<vmem>>, vector<1x1x128xi32>
    %get3A_26 = vector.shape_cast %get3A_25 : vector<1x1x128xi32> to vector<1x128xi32>
    %and3A_27 = arith.constant 255 : i32
    %and3A_28 = vector.broadcast %and3A_27 : i32 to vector<1x128xi32>
    %and3A_29 = arith.andi %get3A_26, %and3A_28 : vector<1x128xi32>
    %eq3A_30 = vector.broadcast %and3A_29 : vector<1x128xi32> to vector<128x128xi32>
    %eq3A_31 = arith.cmpi eq, %eq3A_30, %iota3A : vector<128x128xi32>
    %convert_element_type3A_32 = arith.extui %eq3A_31 : vector<128x128xi1> to vector<128x128xi32>
    %convert_element_type3A_33 = arith.sitofp %convert_element_type3A_32 : vector<128x128xi32> to vector<128x128xf32>
    %convert_element_type3A_34 = arith.truncf %convert_element_type3A_33 : vector<128x128xf32> to vector<128x128xbf16>
    %get3A_35 = arith.constant 0 : index
    %get3A_36 = arith.constant 3 : index
    %get3A_37 = arith.constant 0 : index
    %get3A_38 = vector.load %arg1[%get3A_35, %get3A_36, %get3A_37] : memref<1x125x128xi32, #tpu.memory_space<vmem>>, vector<1x1x128xi32>
    %get3A_39 = vector.shape_cast %get3A_38 : vector<1x1x128xi32> to vector<1x128xi32>
    %and3A_40 = arith.constant 255 : i32
    %and3A_41 = vector.broadcast %and3A_40 : i32 to vector<1x128xi32>
    %and3A_42 = arith.andi %get3A_39, %and3A_41 : vector<1x128xi32>
    %eq3A_43 = vector.broadcast %and3A_42 : vector<1x128xi32> to vector<128x128xi32>
    %eq3A_44 = arith.cmpi eq, %eq3A_43, %iota3A : vector<128x128xi32>
    %convert_element_type3A_45 = arith.extui %eq3A_44 : vector<128x128xi1> to vector<128x128xi32>
    %convert_element_type3A_46 = arith.sitofp %convert_element_type3A_45 : vector<128x128xi32> to vector<128x128xf32>
    %convert_element_type3A_47 = arith.truncf %convert_element_type3A_46 : vector<128x128xf32> to vector<128x128xbf16>
    %get3A_48 = arith.constant 0 : index
    %get3A_49 = arith.constant 4 : index
    %get3A_50 = arith.constant 0 : index
    %get3A_51 = vector.load %arg1[%get3A_48, %get3A_49, %get3A_50] : memref<1x125x128xi32, #tpu.memory_space<vmem>>, vector<1x1x128xi32>
    %get3A_52 = vector.shape_cast %get3A_51 : vector<1x1x128xi32> to vector<1x128xi32>
    %and3A_53 = arith.constant 255 : i32
    %and3A_54 = vector.broadcast %and3A_53 : i32 to vector<1x128xi32>
    %and3A_55 = arith.andi %get3A_52, %and3A_54 : vector<1x128xi32>
    %eq3A_56 = vector.broadcast %and3A_55 : vector<1x128xi32> to vector<128x128xi32>
    %eq3A_57 = arith.cmpi eq, %eq3A_56, %iota3A : vector<128x128xi32>
    %convert_element_type3A_58 = arith.extui %eq3A_57 : vector<128x128xi1> to vector<128x128xi32>
    %convert_element_type3A_59 = arith.sitofp %convert_element_type3A_58 : vector<128x128xi32> to vector<128x128xf32>
    %convert_element_type3A_60 = arith.truncf %convert_element_type3A_59 : vector<128x128xf32> to vector<128x128xbf16>
    %get3A_61 = arith.constant 0 : index
    %get3A_62 = arith.constant 5 : index
    %get3A_63 = arith.constant 0 : index
    %get3A_64 = vector.load %arg1[%get3A_61, %get3A_62, %get3A_63] : memref<1x125x128xi32, #tpu.memory_space<vmem>>, vector<1x1x128xi32>
    %get3A_65 = vector.shape_cast %get3A_64 : vector<1x1x128xi32> to vector<1x128xi32>
    %and3A_66 = arith.constant 255 : i32
    %and3A_67 = vector.broadcast %and3A_66 : i32 to vector<1x128xi32>
    %and3A_68 = arith.andi %get3A_65, %and3A_67 : vector<1x128xi32>
    %eq3A_69 = vector.broadcast %and3A_68 : vector<1x128xi32> to vector<128x128xi32>
    %eq3A_70 = arith.cmpi eq, %eq3A_69, %iota3A : vector<128x128xi32>
    %convert_element_type3A_71 = arith.extui %eq3A_70 : vector<128x128xi1> to vector<128x128xi32>
    %convert_element_type3A_72 = arith.sitofp %convert_element_type3A_71 : vector<128x128xi32> to vector<128x128xf32>
    %convert_element_type3A_73 = arith.truncf %convert_element_type3A_72 : vector<128x128xf32> to vector<128x128xbf16>
    %get3A_74 = arith.constant 0 : index
    %get3A_75 = arith.constant 6 : index
    %get3A_76 = arith.constant 0 : index
    %get3A_77 = vector.load %arg1[%get3A_74, %get3A_75, %get3A_76] : memref<1x125x128xi32, #tpu.memory_space<vmem>>, vector<1x1x128xi32>
    %get3A_78 = vector.shape_cast %get3A_77 : vector<1x1x128xi32> to vector<1x128xi32>
    %and3A_79 = arith.constant 255 : i32
    %and3A_80 = vector.broadcast %and3A_79 : i32 to vector<1x128xi32>
    %and3A_81 = arith.andi %get3A_78, %and3A_80 : vector<1x128xi32>
    %eq3A_82 = vector.broadcast %and3A_81 : vector<1x128xi32> to vector<128x128xi32>
    %eq3A_83 = arith.cmpi eq, %eq3A_82, %iota3A : vector<128x128xi32>
    %convert_element_type3A_84 = arith.extui %eq3A_83 : vector<128x128xi1> to vector<128x128xi32>
    %convert_element_type3A_85 = arith.sitofp %convert_element_type3A_84 : vector<128x128xi32> to vector<128x128xf32>
    %convert_element_type3A_86 = arith.truncf %convert_element_type3A_85 : vector<128x128xf32> to vector<128x128xbf16>
    %get3A_87 = arith.constant 0 : index
    %get3A_88 = arith.constant 7 : index
    %get3A_89 = arith.constant 0 : index
    %get3A_90 = vector.load %arg1[%get3A_87, %get3A_88, %get3A_89] : memref<1x125x128xi32, #tpu.memory_space<vmem>>, vector<1x1x128xi32>
    %get3A_91 = vector.shape_cast %get3A_90 : vector<1x1x128xi32> to vector<1x128xi32>
    %and3A_92 = arith.constant 255 : i32
    %and3A_93 = vector.broadcast %and3A_92 : i32 to vector<1x128xi32>
    %and3A_94 = arith.andi %get3A_91, %and3A_93 : vector<1x128xi32>
    %eq3A_95 = vector.broadcast %and3A_94 : vector<1x128xi32> to vector<128x128xi32>
    %eq3A_96 = arith.cmpi eq, %eq3A_95, %iota3A : vector<128x128xi32>
    %convert_element_type3A_97 = arith.extui %eq3A_96 : vector<128x128xi1> to vector<128x128xi32>
    %convert_element_type3A_98 = arith.sitofp %convert_element_type3A_97 : vector<128x128xi32> to vector<128x128xf32>
    %convert_element_type3A_99 = arith.truncf %convert_element_type3A_98 : vector<128x128xf32> to vector<128x128xbf16>
    %get3A_100 = arith.constant 0 : index
    %get3A_101 = arith.constant 8 : index
    %get3A_102 = arith.constant 0 : index
    %get3A_103 = vector.load %arg1[%get3A_100, %get3A_101, %get3A_102] : memref<1x125x128xi32, #tpu.memory_space<vmem>>, vector<1x1x128xi32>
    %get3A_104 = vector.shape_cast %get3A_103 : vector<1x1x128xi32> to vector<1x128xi32>
    %and3A_105 = arith.constant 255 : i32
    %and3A_106 = vector.broadcast %and3A_105 : i32 to vector<1x128xi32>
    %and3A_107 = arith.andi %get3A_104, %and3A_106 : vector<1x128xi32>
    %eq3A_108 = vector.broadcast %and3A_107 : vector<1x128xi32> to vector<128x128xi32>
    %eq3A_109 = arith.cmpi eq, %eq3A_108, %iota3A : vector<128x128xi32>
    %convert_element_type3A_110 = arith.extui %eq3A_109 : vector<128x128xi1> to vector<128x128xi32>
    %convert_element_type3A_111 = arith.sitofp %convert_element_type3A_110 : vector<128x128xi32> to vector<128x128xf32>
    %convert_element_type3A_112 = arith.truncf %convert_element_type3A_111 : vector<128x128xf32> to vector<128x128xbf16>
    %get3A_113 = arith.constant 0 : index
    %get3A_114 = arith.constant 9 : index
    %get3A_115 = arith.constant 0 : index
    %get3A_116 = vector.load %arg1[%get3A_113, %get3A_114, %get3A_115] : memref<1x125x128xi32, #tpu.memory_space<vmem>>, vector<1x1x128xi32>
    %get3A_117 = vector.shape_cast %get3A_116 : vector<1x1x128xi32> to vector<1x128xi32>
    %and3A_118 = arith.constant 255 : i32
    %and3A_119 = vector.broadcast %and3A_118 : i32 to vector<1x128xi32>
    %and3A_120 = arith.andi %get3A_117, %and3A_119 : vector<1x128xi32>
    %eq3A_121 = vector.broadcast %and3A_120 : vector<1x128xi32> to vector<128x128xi32>
    %eq3A_122 = arith.cmpi eq, %eq3A_121, %iota3A : vector<128x128xi32>
    %convert_element_type3A_123 = arith.extui %eq3A_122 : vector<128x128xi1> to vector<128x128xi32>
    %convert_element_type3A_124 = arith.sitofp %convert_element_type3A_123 : vector<128x128xi32> to vector<128x128xf32>
    %convert_element_type3A_125 = arith.truncf %convert_element_type3A_124 : vector<128x128xf32> to vector<128x128xbf16>
    %get3A_126 = arith.constant 0 : index
    %get3A_127 = arith.constant 10 : index
    %get3A_128 = arith.constant 0 : index
    %get3A_129 = vector.load %arg1[%get3A_126, %get3A_127, %get3A_128] : memref<1x125x128xi32, #tpu.memory_space<vmem>>, vector<1x1x128xi32>
    %get3A_130 = vector.shape_cast %get3A_129 : vector<1x1x128xi32> to vector<1x128xi32>
    %and3A_131 = arith.constant 255 : i32
    %and3A_132 = vector.broadcast %and3A_131 : i32 to vector<1x128xi32>
    %and3A_133 = arith.andi %get3A_130, %and3A_132 : vector<1x128xi32>
    %eq3A_134 = vector.broadcast %and3A_133 : vector<1x128xi32> to vector<128x128xi32>
    %eq3A_135 = arith.cmpi eq, %eq3A_134, %iota3A : vector<128x128xi32>
    %convert_element_type3A_136 = arith.extui %eq3A_135 : vector<128x128xi1> to vector<128x128xi32>
    %convert_element_type3A_137 = arith.sitofp %convert_element_type3A_136 : vector<128x128xi32> to vector<128x128xf32>
    %convert_element_type3A_138 = arith.truncf %convert_element_type3A_137 : vector<128x128xf32> to vector<128x128xbf16>
    %get3A_139 = arith.constant 0 : index
    %get3A_140 = arith.constant 11 : index
    %get3A_141 = arith.constant 0 : index
    %get3A_142 = vector.load %arg1[%get3A_139, %get3A_140, %get3A_141] : memref<1x125x128xi32, #tpu.memory_space<vmem>>, vector<1x1x128xi32>
    %get3A_143 = vector.shape_cast %get3A_142 : vector<1x1x128xi32> to vector<1x128xi32>
    %and3A_144 = arith.constant 255 : i32
    %and3A_145 = vector.broadcast %and3A_144 : i32 to vector<1x128xi32>
    %and3A_146 = arith.andi %get3A_143, %and3A_145 : vector<1x128xi32>
    %eq3A_147 = vector.broadcast %and3A_146 : vector<1x128xi32> to vector<128x128xi32>
    %eq3A_148 = arith.cmpi eq, %eq3A_147, %iota3A : vector<128x128xi32>
    %convert_element_type3A_149 = arith.extui %eq3A_148 : vector<128x128xi1> to vector<128x128xi32>
    %convert_element_type3A_150 = arith.sitofp %convert_element_type3A_149 : vector<128x128xi32> to vector<128x128xf32>
    %convert_element_type3A_151 = arith.truncf %convert_element_type3A_150 : vector<128x128xf32> to vector<128x128xbf16>
    %get3A_152 = arith.constant 0 : index
    %get3A_153 = arith.constant 12 : index
    %get3A_154 = arith.constant 0 : index
    %get3A_155 = vector.load %arg1[%get3A_152, %get3A_153, %get3A_154] : memref<1x125x128xi32, #tpu.memory_space<vmem>>, vector<1x1x128xi32>
    %get3A_156 = vector.shape_cast %get3A_155 : vector<1x1x128xi32> to vector<1x128xi32>
    %and3A_157 = arith.constant 255 : i32
    %and3A_158 = vector.broadcast %and3A_157 : i32 to vector<1x128xi32>
    %and3A_159 = arith.andi %get3A_156, %and3A_158 : vector<1x128xi32>
    %eq3A_160 = vector.broadcast %and3A_159 : vector<1x128xi32> to vector<128x128xi32>
    %eq3A_161 = arith.cmpi eq, %eq3A_160, %iota3A : vector<128x128xi32>
    %convert_element_type3A_162 = arith.extui %eq3A_161 : vector<128x128xi1> to vector<128x128xi32>
    %convert_element_type3A_163 = arith.sitofp %convert_element_type3A_162 : vector<128x128xi32> to vector<128x128xf32>
    %convert_element_type3A_164 = arith.truncf %convert_element_type3A_163 : vector<128x128xf32> to vector<128x128xbf16>
    %get3A_165 = arith.constant 0 : index
    %get3A_166 = arith.constant 13 : index
    %get3A_167 = arith.constant 0 : index
    %get3A_168 = vector.load %arg1[%get3A_165, %get3A_166, %get3A_167] : memref<1x125x128xi32, #tpu.memory_space<vmem>>, vector<1x1x128xi32>
    %get3A_169 = vector.shape_cast %get3A_168 : vector<1x1x128xi32> to vector<1x128xi32>
    %and3A_170 = arith.constant 255 : i32
    %and3A_171 = vector.broadcast %and3A_170 : i32 to vector<1x128xi32>
    %and3A_172 = arith.andi %get3A_169, %and3A_171 : vector<1x128xi32>
    %eq3A_173 = vector.broadcast %and3A_172 : vector<1x128xi32> to vector<128x128xi32>
    %eq3A_174 = arith.cmpi eq, %eq3A_173, %iota3A : vector<128x128xi32>
    %convert_element_type3A_175 = arith.extui %eq3A_174 : vector<128x128xi1> to vector<128x128xi32>
    %convert_element_type3A_176 = arith.sitofp %convert_element_type3A_175 : vector<128x128xi32> to vector<128x128xf32>
    %convert_element_type3A_177 = arith.truncf %convert_element_type3A_176 : vector<128x128xf32> to vector<128x128xbf16>
    %get3A_178 = arith.constant 0 : index
    %get3A_179 = arith.constant 14 : index
    %get3A_180 = arith.constant 0 : index
    %get3A_181 = vector.load %arg1[%get3A_178, %get3A_179, %get3A_180] : memref<1x125x128xi32, #tpu.memory_space<vmem>>, vector<1x1x128xi32>
    %get3A_182 = vector.shape_cast %get3A_181 : vector<1x1x128xi32> to vector<1x128xi32>
    %and3A_183 = arith.constant 255 : i32
    %and3A_184 = vector.broadcast %and3A_183 : i32 to vector<1x128xi32>
    %and3A_185 = arith.andi %get3A_182, %and3A_184 : vector<1x128xi32>
    %eq3A_186 = vector.broadcast %and3A_185 : vector<1x128xi32> to vector<128x128xi32>
    %eq3A_187 = arith.cmpi eq, %eq3A_186, %iota3A : vector<128x128xi32>
    %convert_element_type3A_188 = arith.extui %eq3A_187 : vector<128x128xi1> to vector<128x128xi32>
    %convert_element_type3A_189 = arith.sitofp %convert_element_type3A_188 : vector<128x128xi32> to vector<128x128xf32>
    %convert_element_type3A_190 = arith.truncf %convert_element_type3A_189 : vector<128x128xf32> to vector<128x128xbf16>
    %get3A_191 = arith.constant 0 : index
    %get3A_192 = arith.constant 15 : index
    %get3A_193 = arith.constant 0 : index
    %get3A_194 = vector.load %arg1[%get3A_191, %get3A_192, %get3A_193] : memref<1x125x128xi32, #tpu.memory_space<vmem>>, vector<1x1x128xi32>
    %get3A_195 = vector.shape_cast %get3A_194 : vector<1x1x128xi32> to vector<1x128xi32>
    %and3A_196 = arith.constant 255 : i32
    %and3A_197 = vector.broadcast %and3A_196 : i32 to vector<1x128xi32>
    %and3A_198 = arith.andi %get3A_195, %and3A_197 : vector<1x128xi32>
    %eq3A_199 = vector.broadcast %and3A_198 : vector<1x128xi32> to vector<128x128xi32>
    %eq3A_200 = arith.cmpi eq, %eq3A_199, %iota3A : vector<128x128xi32>
    %convert_element_type3A_201 = arith.extui %eq3A_200 : vector<128x128xi1> to vector<128x128xi32>
    %convert_element_type3A_202 = arith.sitofp %convert_element_type3A_201 : vector<128x128xi32> to vector<128x128xf32>
    %convert_element_type3A_203 = arith.truncf %convert_element_type3A_202 : vector<128x128xf32> to vector<128x128xbf16>
    %get3A_204 = arith.constant 0 : index
    %get3A_205 = arith.constant 16 : index
    %get3A_206 = arith.constant 0 : index
    %get3A_207 = vector.load %arg1[%get3A_204, %get3A_205, %get3A_206] : memref<1x125x128xi32, #tpu.memory_space<vmem>>, vector<1x1x128xi32>
    %get3A_208 = vector.shape_cast %get3A_207 : vector<1x1x128xi32> to vector<1x128xi32>
    %and3A_209 = arith.constant 255 : i32
    %and3A_210 = vector.broadcast %and3A_209 : i32 to vector<1x128xi32>
    %and3A_211 = arith.andi %get3A_208, %and3A_210 : vector<1x128xi32>
    %eq3A_212 = vector.broadcast %and3A_211 : vector<1x128xi32> to vector<128x128xi32>
    %eq3A_213 = arith.cmpi eq, %eq3A_212, %iota3A : vector<128x128xi32>
    %convert_element_type3A_214 = arith.extui %eq3A_213 : vector<128x128xi1> to vector<128x128xi32>
    %convert_element_type3A_215 = arith.sitofp %convert_element_type3A_214 : vector<128x128xi32> to vector<128x128xf32>
    %convert_element_type3A_216 = arith.truncf %convert_element_type3A_215 : vector<128x128xf32> to vector<128x128xbf16>
    %get3A_217 = arith.constant 0 : index
    %get3A_218 = arith.constant 17 : index
    %get3A_219 = arith.constant 0 : index
    %get3A_220 = vector.load %arg1[%get3A_217, %get3A_218, %get3A_219] : memref<1x125x128xi32, #tpu.memory_space<vmem>>, vector<1x1x128xi32>
    %get3A_221 = vector.shape_cast %get3A_220 : vector<1x1x128xi32> to vector<1x128xi32>
    %and3A_222 = arith.constant 255 : i32
    %and3A_223 = vector.broadcast %and3A_222 : i32 to vector<1x128xi32>
    %and3A_224 = arith.andi %get3A_221, %and3A_223 : vector<1x128xi32>
    %eq3A_225 = vector.broadcast %and3A_224 : vector<1x128xi32> to vector<128x128xi32>
    %eq3A_226 = arith.cmpi eq, %eq3A_225, %iota3A : vector<128x128xi32>
    %convert_element_type3A_227 = arith.extui %eq3A_226 : vector<128x128xi1> to vector<128x128xi32>
    %convert_element_type3A_228 = arith.sitofp %convert_element_type3A_227 : vector<128x128xi32> to vector<128x128xf32>
    %convert_element_type3A_229 = arith.truncf %convert_element_type3A_228 : vector<128x128xf32> to vector<128x128xbf16>
    %get3A_230 = arith.constant 0 : index
    %get3A_231 = arith.constant 18 : index
    %get3A_232 = arith.constant 0 : index
    %get3A_233 = vector.load %arg1[%get3A_230, %get3A_231, %get3A_232] : memref<1x125x128xi32, #tpu.memory_space<vmem>>, vector<1x1x128xi32>
    %get3A_234 = vector.shape_cast %get3A_233 : vector<1x1x128xi32> to vector<1x128xi32>
    %and3A_235 = arith.constant 255 : i32
    %and3A_236 = vector.broadcast %and3A_235 : i32 to vector<1x128xi32>
    %and3A_237 = arith.andi %get3A_234, %and3A_236 : vector<1x128xi32>
    %eq3A_238 = vector.broadcast %and3A_237 : vector<1x128xi32> to vector<128x128xi32>
    %eq3A_239 = arith.cmpi eq, %eq3A_238, %iota3A : vector<128x128xi32>
    %convert_element_type3A_240 = arith.extui %eq3A_239 : vector<128x128xi1> to vector<128x128xi32>
    %convert_element_type3A_241 = arith.sitofp %convert_element_type3A_240 : vector<128x128xi32> to vector<128x128xf32>
    %convert_element_type3A_242 = arith.truncf %convert_element_type3A_241 : vector<128x128xf32> to vector<128x128xbf16>
    %get3A_243 = arith.constant 0 : index
    %get3A_244 = arith.constant 19 : index
    %get3A_245 = arith.constant 0 : index
    %get3A_246 = vector.load %arg1[%get3A_243, %get3A_244, %get3A_245] : memref<1x125x128xi32, #tpu.memory_space<vmem>>, vector<1x1x128xi32>
    %get3A_247 = vector.shape_cast %get3A_246 : vector<1x1x128xi32> to vector<1x128xi32>
    %and3A_248 = arith.constant 255 : i32
    %and3A_249 = vector.broadcast %and3A_248 : i32 to vector<1x128xi32>
    %and3A_250 = arith.andi %get3A_247, %and3A_249 : vector<1x128xi32>
    %eq3A_251 = vector.broadcast %and3A_250 : vector<1x128xi32> to vector<128x128xi32>
    %eq3A_252 = arith.cmpi eq, %eq3A_251, %iota3A : vector<128x128xi32>
    %convert_element_type3A_253 = arith.extui %eq3A_252 : vector<128x128xi1> to vector<128x128xi32>
    %convert_element_type3A_254 = arith.sitofp %convert_element_type3A_253 : vector<128x128xi32> to vector<128x128xf32>
    %convert_element_type3A_255 = arith.truncf %convert_element_type3A_254 : vector<128x128xf32> to vector<128x128xbf16>
    %get3A_256 = arith.constant 0 : index
    %get3A_257 = arith.constant 20 : index
    %get3A_258 = arith.constant 0 : index
    %get3A_259 = vector.load %arg1[%get3A_256, %get3A_257, %get3A_258] : memref<1x125x128xi32, #tpu.memory_space<vmem>>, vector<1x1x128xi32>
    %get3A_260 = vector.shape_cast %get3A_259 : vector<1x1x128xi32> to vector<1x128xi32>
    %and3A_261 = arith.constant 255 : i32
    %and3A_262 = vector.broadcast %and3A_261 : i32 to vector<1x128xi32>
    %and3A_263 = arith.andi %get3A_260, %and3A_262 : vector<1x128xi32>
    %eq3A_264 = vector.broadcast %and3A_263 : vector<1x128xi32> to vector<128x128xi32>
    %eq3A_265 = arith.cmpi eq, %eq3A_264, %iota3A : vector<128x128xi32>
    %convert_element_type3A_266 = arith.extui %eq3A_265 : vector<128x128xi1> to vector<128x128xi32>
    %convert_element_type3A_267 = arith.sitofp %convert_element_type3A_266 : vector<128x128xi32> to vector<128x128xf32>
    %convert_element_type3A_268 = arith.truncf %convert_element_type3A_267 : vector<128x128xf32> to vector<128x128xbf16>
    %get3A_269 = arith.constant 0 : index
    %get3A_270 = arith.constant 21 : index
    %get3A_271 = arith.constant 0 : index
    %get3A_272 = vector.load %arg1[%get3A_269, %get3A_270, %get3A_271] : memref<1x125x128xi32, #tpu.memory_space<vmem>>, vector<1x1x128xi32>
    %get3A_273 = vector.shape_cast %get3A_272 : vector<1x1x128xi32> to vector<1x128xi32>
    %and3A_274 = arith.constant 255 : i32
    %and3A_275 = vector.broadcast %and3A_274 : i32 to vector<1x128xi32>
    %and3A_276 = arith.andi %get3A_273, %and3A_275 : vector<1x128xi32>
    %eq3A_277 = vector.broadcast %and3A_276 : vector<1x128xi32> to vector<128x128xi32>
    %eq3A_278 = arith.cmpi eq, %eq3A_277, %iota3A : vector<128x128xi32>
    %convert_element_type3A_279 = arith.extui %eq3A_278 : vector<128x128xi1> to vector<128x128xi32>
    %convert_element_type3A_280 = arith.sitofp %convert_element_type3A_279 : vector<128x128xi32> to vector<128x128xf32>
    %convert_element_type3A_281 = arith.truncf %convert_element_type3A_280 : vector<128x128xf32> to vector<128x128xbf16>
    %get3A_282 = arith.constant 0 : index
    %get3A_283 = arith.constant 22 : index
    %get3A_284 = arith.constant 0 : index
    %get3A_285 = vector.load %arg1[%get3A_282, %get3A_283, %get3A_284] : memref<1x125x128xi32, #tpu.memory_space<vmem>>, vector<1x1x128xi32>
    %get3A_286 = vector.shape_cast %get3A_285 : vector<1x1x128xi32> to vector<1x128xi32>
    %and3A_287 = arith.constant 255 : i32
    %and3A_288 = vector.broadcast %and3A_287 : i32 to vector<1x128xi32>
    %and3A_289 = arith.andi %get3A_286, %and3A_288 : vector<1x128xi32>
    %eq3A_290 = vector.broadcast %and3A_289 : vector<1x128xi32> to vector<128x128xi32>
    %eq3A_291 = arith.cmpi eq, %eq3A_290, %iota3A : vector<128x128xi32>
    %convert_element_type3A_292 = arith.extui %eq3A_291 : vector<128x128xi1> to vector<128x128xi32>
    %convert_element_type3A_293 = arith.sitofp %convert_element_type3A_292 : vector<128x128xi32> to vector<128x128xf32>
    %convert_element_type3A_294 = arith.truncf %convert_element_type3A_293 : vector<128x128xf32> to vector<128x128xbf16>
    %get3A_295 = arith.constant 0 : index
    %get3A_296 = arith.constant 23 : index
    %get3A_297 = arith.constant 0 : index
    %get3A_298 = vector.load %arg1[%get3A_295, %get3A_296, %get3A_297] : memref<1x125x128xi32, #tpu.memory_space<vmem>>, vector<1x1x128xi32>
    %get3A_299 = vector.shape_cast %get3A_298 : vector<1x1x128xi32> to vector<1x128xi32>
    %and3A_300 = arith.constant 255 : i32
    %and3A_301 = vector.broadcast %and3A_300 : i32 to vector<1x128xi32>
    %and3A_302 = arith.andi %get3A_299, %and3A_301 : vector<1x128xi32>
    %eq3A_303 = vector.broadcast %and3A_302 : vector<1x128xi32> to vector<128x128xi32>
    %eq3A_304 = arith.cmpi eq, %eq3A_303, %iota3A : vector<128x128xi32>
    %convert_element_type3A_305 = arith.extui %eq3A_304 : vector<128x128xi1> to vector<128x128xi32>
    %convert_element_type3A_306 = arith.sitofp %convert_element_type3A_305 : vector<128x128xi32> to vector<128x128xf32>
    %convert_element_type3A_307 = arith.truncf %convert_element_type3A_306 : vector<128x128xf32> to vector<128x128xbf16>
    %get3A_308 = arith.constant 0 : index
    %get3A_309 = arith.constant 24 : index
    %get3A_310 = arith.constant 0 : index
    %get3A_311 = vector.load %arg1[%get3A_308, %get3A_309, %get3A_310] : memref<1x125x128xi32, #tpu.memory_space<vmem>>, vector<1x1x128xi32>
    %get3A_312 = vector.shape_cast %get3A_311 : vector<1x1x128xi32> to vector<1x128xi32>
    %and3A_313 = arith.constant 255 : i32
    %and3A_314 = vector.broadcast %and3A_313 : i32 to vector<1x128xi32>
    %and3A_315 = arith.andi %get3A_312, %and3A_314 : vector<1x128xi32>
    %eq3A_316 = vector.broadcast %and3A_315 : vector<1x128xi32> to vector<128x128xi32>
    %eq3A_317 = arith.cmpi eq, %eq3A_316, %iota3A : vector<128x128xi32>
    %convert_element_type3A_318 = arith.extui %eq3A_317 : vector<128x128xi1> to vector<128x128xi32>
    %convert_element_type3A_319 = arith.sitofp %convert_element_type3A_318 : vector<128x128xi32> to vector<128x128xf32>
    %convert_element_type3A_320 = arith.truncf %convert_element_type3A_319 : vector<128x128xf32> to vector<128x128xbf16>
    %get3A_321 = arith.constant 0 : index
    %get3A_322 = arith.constant 25 : index
    %get3A_323 = arith.constant 0 : index
    %get3A_324 = vector.load %arg1[%get3A_321, %get3A_322, %get3A_323] : memref<1x125x128xi32, #tpu.memory_space<vmem>>, vector<1x1x128xi32>
    %get3A_325 = vector.shape_cast %get3A_324 : vector<1x1x128xi32> to vector<1x128xi32>
    %and3A_326 = arith.constant 255 : i32
    %and3A_327 = vector.broadcast %and3A_326 : i32 to vector<1x128xi32>
    %and3A_328 = arith.andi %get3A_325, %and3A_327 : vector<1x128xi32>
    %eq3A_329 = vector.broadcast %and3A_328 : vector<1x128xi32> to vector<128x128xi32>
    %eq3A_330 = arith.cmpi eq, %eq3A_329, %iota3A : vector<128x128xi32>
    %convert_element_type3A_331 = arith.extui %eq3A_330 : vector<128x128xi1> to vector<128x128xi32>
    %convert_element_type3A_332 = arith.sitofp %convert_element_type3A_331 : vector<128x128xi32> to vector<128x128xf32>
    %convert_element_type3A_333 = arith.truncf %convert_element_type3A_332 : vector<128x128xf32> to vector<128x128xbf16>
    %get3A_334 = arith.constant 0 : index
    %get3A_335 = arith.constant 26 : index
    %get3A_336 = arith.constant 0 : index
    %get3A_337 = vector.load %arg1[%get3A_334, %get3A_335, %get3A_336] : memref<1x125x128xi32, #tpu.memory_space<vmem>>, vector<1x1x128xi32>
    %get3A_338 = vector.shape_cast %get3A_337 : vector<1x1x128xi32> to vector<1x128xi32>
    %and3A_339 = arith.constant 255 : i32
    %and3A_340 = vector.broadcast %and3A_339 : i32 to vector<1x128xi32>
    %and3A_341 = arith.andi %get3A_338, %and3A_340 : vector<1x128xi32>
    %eq3A_342 = vector.broadcast %and3A_341 : vector<1x128xi32> to vector<128x128xi32>
    %eq3A_343 = arith.cmpi eq, %eq3A_342, %iota3A : vector<128x128xi32>
    %convert_element_type3A_344 = arith.extui %eq3A_343 : vector<128x128xi1> to vector<128x128xi32>
    %convert_element_type3A_345 = arith.sitofp %convert_element_type3A_344 : vector<128x128xi32> to vector<128x128xf32>
    %convert_element_type3A_346 = arith.truncf %convert_element_type3A_345 : vector<128x128xf32> to vector<128x128xbf16>
    %get3A_347 = arith.constant 0 : index
    %get3A_348 = arith.constant 27 : index
    %get3A_349 = arith.constant 0 : index
    %get3A_350 = vector.load %arg1[%get3A_347, %get3A_348, %get3A_349] : memref<1x125x128xi32, #tpu.memory_space<vmem>>, vector<1x1x128xi32>
    %get3A_351 = vector.shape_cast %get3A_350 : vector<1x1x128xi32> to vector<1x128xi32>
    %and3A_352 = arith.constant 255 : i32
    %and3A_353 = vector.broadcast %and3A_352 : i32 to vector<1x128xi32>
    %and3A_354 = arith.andi %get3A_351, %and3A_353 : vector<1x128xi32>
    %eq3A_355 = vector.broadcast %and3A_354 : vector<1x128xi32> to vector<128x128xi32>
    %eq3A_356 = arith.cmpi eq, %eq3A_355, %iota3A : vector<128x128xi32>
    %convert_element_type3A_357 = arith.extui %eq3A_356 : vector<128x128xi1> to vector<128x128xi32>
    %convert_element_type3A_358 = arith.sitofp %convert_element_type3A_357 : vector<128x128xi32> to vector<128x128xf32>
    %convert_element_type3A_359 = arith.truncf %convert_element_type3A_358 : vector<128x128xf32> to vector<128x128xbf16>
    %get3A_360 = arith.constant 0 : index
    %get3A_361 = arith.constant 28 : index
    %get3A_362 = arith.constant 0 : index
    %get3A_363 = vector.load %arg1[%get3A_360, %get3A_361, %get3A_362] : memref<1x125x128xi32, #tpu.memory_space<vmem>>, vector<1x1x128xi32>
    %get3A_364 = vector.shape_cast %get3A_363 : vector<1x1x128xi32> to vector<1x128xi32>
    %and3A_365 = arith.constant 255 : i32
    %and3A_366 = vector.broadcast %and3A_365 : i32 to vector<1x128xi32>
    %and3A_367 = arith.andi %get3A_364, %and3A_366 : vector<1x128xi32>
    %eq3A_368 = vector.broadcast %and3A_367 : vector<1x128xi32> to vector<128x128xi32>
    %eq3A_369 = arith.cmpi eq, %eq3A_368, %iota3A : vector<128x128xi32>
    %convert_element_type3A_370 = arith.extui %eq3A_369 : vector<128x128xi1> to vector<128x128xi32>
    %convert_element_type3A_371 = arith.sitofp %convert_element_type3A_370 : vector<128x128xi32> to vector<128x128xf32>
    %convert_element_type3A_372 = arith.truncf %convert_element_type3A_371 : vector<128x128xf32> to vector<128x128xbf16>
    %get3A_373 = arith.constant 0 : index
    %get3A_374 = arith.constant 29 : index
    %get3A_375 = arith.constant 0 : index
    %get3A_376 = vector.load %arg1[%get3A_373, %get3A_374, %get3A_375] : memref<1x125x128xi32, #tpu.memory_space<vmem>>, vector<1x1x128xi32>
    %get3A_377 = vector.shape_cast %get3A_376 : vector<1x1x128xi32> to vector<1x128xi32>
    %and3A_378 = arith.constant 255 : i32
    %and3A_379 = vector.broadcast %and3A_378 : i32 to vector<1x128xi32>
    %and3A_380 = arith.andi %get3A_377, %and3A_379 : vector<1x128xi32>
    %eq3A_381 = vector.broadcast %and3A_380 : vector<1x128xi32> to vector<128x128xi32>
    %eq3A_382 = arith.cmpi eq, %eq3A_381, %iota3A : vector<128x128xi32>
    %convert_element_type3A_383 = arith.extui %eq3A_382 : vector<128x128xi1> to vector<128x128xi32>
    %convert_element_type3A_384 = arith.sitofp %convert_element_type3A_383 : vector<128x128xi32> to vector<128x128xf32>
    %convert_element_type3A_385 = arith.truncf %convert_element_type3A_384 : vector<128x128xf32> to vector<128x128xbf16>
    %get3A_386 = arith.constant 0 : index
    %get3A_387 = arith.constant 30 : index
    %get3A_388 = arith.constant 0 : index
    %get3A_389 = vector.load %arg1[%get3A_386, %get3A_387, %get3A_388] : memref<1x125x128xi32, #tpu.memory_space<vmem>>, vector<1x1x128xi32>
    %get3A_390 = vector.shape_cast %get3A_389 : vector<1x1x128xi32> to vector<1x128xi32>
    %and3A_391 = arith.constant 255 : i32
    %and3A_392 = vector.broadcast %and3A_391 : i32 to vector<1x128xi32>
    %and3A_393 = arith.andi %get3A_390, %and3A_392 : vector<1x128xi32>
    %eq3A_394 = vector.broadcast %and3A_393 : vector<1x128xi32> to vector<128x128xi32>
    %eq3A_395 = arith.cmpi eq, %eq3A_394, %iota3A : vector<128x128xi32>
    %convert_element_type3A_396 = arith.extui %eq3A_395 : vector<128x128xi1> to vector<128x128xi32>
    %convert_element_type3A_397 = arith.sitofp %convert_element_type3A_396 : vector<128x128xi32> to vector<128x128xf32>
    %convert_element_type3A_398 = arith.truncf %convert_element_type3A_397 : vector<128x128xf32> to vector<128x128xbf16>
    %get3A_399 = arith.constant 0 : index
    %get3A_400 = arith.constant 31 : index
    %get3A_401 = arith.constant 0 : index
    %get3A_402 = vector.load %arg1[%get3A_399, %get3A_400, %get3A_401] : memref<1x125x128xi32, #tpu.memory_space<vmem>>, vector<1x1x128xi32>
    %get3A_403 = vector.shape_cast %get3A_402 : vector<1x1x128xi32> to vector<1x128xi32>
    %and3A_404 = arith.constant 255 : i32
    %and3A_405 = vector.broadcast %and3A_404 : i32 to vector<1x128xi32>
    %and3A_406 = arith.andi %get3A_403, %and3A_405 : vector<1x128xi32>
    %eq3A_407 = vector.broadcast %and3A_406 : vector<1x128xi32> to vector<128x128xi32>
    %eq3A_408 = arith.cmpi eq, %eq3A_407, %iota3A : vector<128x128xi32>
    %convert_element_type3A_409 = arith.extui %eq3A_408 : vector<128x128xi1> to vector<128x128xi32>
    %convert_element_type3A_410 = arith.sitofp %convert_element_type3A_409 : vector<128x128xi32> to vector<128x128xf32>
    %convert_element_type3A_411 = arith.truncf %convert_element_type3A_410 : vector<128x128xf32> to vector<128x128xbf16>
    %get3A_412 = arith.constant 0 : index
    %get3A_413 = arith.constant 32 : index
    %get3A_414 = arith.constant 0 : index
    %get3A_415 = vector.load %arg1[%get3A_412, %get3A_413, %get3A_414] : memref<1x125x128xi32, #tpu.memory_space<vmem>>, vector<1x1x128xi32>
    %get3A_416 = vector.shape_cast %get3A_415 : vector<1x1x128xi32> to vector<1x128xi32>
    %and3A_417 = arith.constant 255 : i32
    %and3A_418 = vector.broadcast %and3A_417 : i32 to vector<1x128xi32>
    %and3A_419 = arith.andi %get3A_416, %and3A_418 : vector<1x128xi32>
    %eq3A_420 = vector.broadcast %and3A_419 : vector<1x128xi32> to vector<128x128xi32>
    %eq3A_421 = arith.cmpi eq, %eq3A_420, %iota3A : vector<128x128xi32>
    %convert_element_type3A_422 = arith.extui %eq3A_421 : vector<128x128xi1> to vector<128x128xi32>
    %convert_element_type3A_423 = arith.sitofp %convert_element_type3A_422 : vector<128x128xi32> to vector<128x128xf32>
    %convert_element_type3A_424 = arith.truncf %convert_element_type3A_423 : vector<128x128xf32> to vector<128x128xbf16>
    %get3A_425 = arith.constant 0 : index
    %get3A_426 = arith.constant 33 : index
    %get3A_427 = arith.constant 0 : index
    %get3A_428 = vector.load %arg1[%get3A_425, %get3A_426, %get3A_427] : memref<1x125x128xi32, #tpu.memory_space<vmem>>, vector<1x1x128xi32>
    %get3A_429 = vector.shape_cast %get3A_428 : vector<1x1x128xi32> to vector<1x128xi32>
    %and3A_430 = arith.constant 255 : i32
    %and3A_431 = vector.broadcast %and3A_430 : i32 to vector<1x128xi32>
    %and3A_432 = arith.andi %get3A_429, %and3A_431 : vector<1x128xi32>
    %eq3A_433 = vector.broadcast %and3A_432 : vector<1x128xi32> to vector<128x128xi32>
    %eq3A_434 = arith.cmpi eq, %eq3A_433, %iota3A : vector<128x128xi32>
    %convert_element_type3A_435 = arith.extui %eq3A_434 : vector<128x128xi1> to vector<128x128xi32>
    %convert_element_type3A_436 = arith.sitofp %convert_element_type3A_435 : vector<128x128xi32> to vector<128x128xf32>
    %convert_element_type3A_437 = arith.truncf %convert_element_type3A_436 : vector<128x128xf32> to vector<128x128xbf16>
    %get3A_438 = arith.constant 0 : index
    %get3A_439 = arith.constant 34 : index
    %get3A_440 = arith.constant 0 : index
    %get3A_441 = vector.load %arg1[%get3A_438, %get3A_439, %get3A_440] : memref<1x125x128xi32, #tpu.memory_space<vmem>>, vector<1x1x128xi32>
    %get3A_442 = vector.shape_cast %get3A_441 : vector<1x1x128xi32> to vector<1x128xi32>
    %and3A_443 = arith.constant 255 : i32
    %and3A_444 = vector.broadcast %and3A_443 : i32 to vector<1x128xi32>
    %and3A_445 = arith.andi %get3A_442, %and3A_444 : vector<1x128xi32>
    %eq3A_446 = vector.broadcast %and3A_445 : vector<1x128xi32> to vector<128x128xi32>
    %eq3A_447 = arith.cmpi eq, %eq3A_446, %iota3A : vector<128x128xi32>
    %convert_element_type3A_448 = arith.extui %eq3A_447 : vector<128x128xi1> to vector<128x128xi32>
    %convert_element_type3A_449 = arith.sitofp %convert_element_type3A_448 : vector<128x128xi32> to vector<128x128xf32>
    %convert_element_type3A_450 = arith.truncf %convert_element_type3A_449 : vector<128x128xf32> to vector<128x128xbf16>
    %get3A_451 = arith.constant 0 : index
    %get3A_452 = arith.constant 35 : index
    %get3A_453 = arith.constant 0 : index
    %get3A_454 = vector.load %arg1[%get3A_451, %get3A_452, %get3A_453] : memref<1x125x128xi32, #tpu.memory_space<vmem>>, vector<1x1x128xi32>
    %get3A_455 = vector.shape_cast %get3A_454 : vector<1x1x128xi32> to vector<1x128xi32>
    %and3A_456 = arith.constant 255 : i32
    %and3A_457 = vector.broadcast %and3A_456 : i32 to vector<1x128xi32>
    %and3A_458 = arith.andi %get3A_455, %and3A_457 : vector<1x128xi32>
    %eq3A_459 = vector.broadcast %and3A_458 : vector<1x128xi32> to vector<128x128xi32>
    %eq3A_460 = arith.cmpi eq, %eq3A_459, %iota3A : vector<128x128xi32>
    %convert_element_type3A_461 = arith.extui %eq3A_460 : vector<128x128xi1> to vector<128x128xi32>
    %convert_element_type3A_462 = arith.sitofp %convert_element_type3A_461 : vector<128x128xi32> to vector<128x128xf32>
    %convert_element_type3A_463 = arith.truncf %convert_element_type3A_462 : vector<128x128xf32> to vector<128x128xbf16>
    %get3A_464 = arith.constant 0 : index
    %get3A_465 = arith.constant 36 : index
    %get3A_466 = arith.constant 0 : index
    %get3A_467 = vector.load %arg1[%get3A_464, %get3A_465, %get3A_466] : memref<1x125x128xi32, #tpu.memory_space<vmem>>, vector<1x1x128xi32>
    %get3A_468 = vector.shape_cast %get3A_467 : vector<1x1x128xi32> to vector<1x128xi32>
    %and3A_469 = arith.constant 255 : i32
    %and3A_470 = vector.broadcast %and3A_469 : i32 to vector<1x128xi32>
    %and3A_471 = arith.andi %get3A_468, %and3A_470 : vector<1x128xi32>
    %eq3A_472 = vector.broadcast %and3A_471 : vector<1x128xi32> to vector<128x128xi32>
    %eq3A_473 = arith.cmpi eq, %eq3A_472, %iota3A : vector<128x128xi32>
    %convert_element_type3A_474 = arith.extui %eq3A_473 : vector<128x128xi1> to vector<128x128xi32>
    %convert_element_type3A_475 = arith.sitofp %convert_element_type3A_474 : vector<128x128xi32> to vector<128x128xf32>
    %convert_element_type3A_476 = arith.truncf %convert_element_type3A_475 : vector<128x128xf32> to vector<128x128xbf16>
    %get3A_477 = arith.constant 0 : index
    %get3A_478 = arith.constant 37 : index
    %get3A_479 = arith.constant 0 : index
    %get3A_480 = vector.load %arg1[%get3A_477, %get3A_478, %get3A_479] : memref<1x125x128xi32, #tpu.memory_space<vmem>>, vector<1x1x128xi32>
    %get3A_481 = vector.shape_cast %get3A_480 : vector<1x1x128xi32> to vector<1x128xi32>
    %and3A_482 = arith.constant 255 : i32
    %and3A_483 = vector.broadcast %and3A_482 : i32 to vector<1x128xi32>
    %and3A_484 = arith.andi %get3A_481, %and3A_483 : vector<1x128xi32>
    %eq3A_485 = vector.broadcast %and3A_484 : vector<1x128xi32> to vector<128x128xi32>
    %eq3A_486 = arith.cmpi eq, %eq3A_485, %iota3A : vector<128x128xi32>
    %convert_element_type3A_487 = arith.extui %eq3A_486 : vector<128x128xi1> to vector<128x128xi32>
    %convert_element_type3A_488 = arith.sitofp %convert_element_type3A_487 : vector<128x128xi32> to vector<128x128xf32>
    %convert_element_type3A_489 = arith.truncf %convert_element_type3A_488 : vector<128x128xf32> to vector<128x128xbf16>
    %get3A_490 = arith.constant 0 : index
    %get3A_491 = arith.constant 38 : index
    %get3A_492 = arith.constant 0 : index
    %get3A_493 = vector.load %arg1[%get3A_490, %get3A_491, %get3A_492] : memref<1x125x128xi32, #tpu.memory_space<vmem>>, vector<1x1x128xi32>
    %get3A_494 = vector.shape_cast %get3A_493 : vector<1x1x128xi32> to vector<1x128xi32>
    %and3A_495 = arith.constant 255 : i32
    %and3A_496 = vector.broadcast %and3A_495 : i32 to vector<1x128xi32>
    %and3A_497 = arith.andi %get3A_494, %and3A_496 : vector<1x128xi32>
    %eq3A_498 = vector.broadcast %and3A_497 : vector<1x128xi32> to vector<128x128xi32>
    %eq3A_499 = arith.cmpi eq, %eq3A_498, %iota3A : vector<128x128xi32>
    %convert_element_type3A_500 = arith.extui %eq3A_499 : vector<128x128xi1> to vector<128x128xi32>
    %convert_element_type3A_501 = arith.sitofp %convert_element_type3A_500 : vector<128x128xi32> to vector<128x128xf32>
    %convert_element_type3A_502 = arith.truncf %convert_element_type3A_501 : vector<128x128xf32> to vector<128x128xbf16>
    %get3A_503 = arith.constant 0 : index
    %get3A_504 = arith.constant 39 : index
    %get3A_505 = arith.constant 0 : index
    %get3A_506 = vector.load %arg1[%get3A_503, %get3A_504, %get3A_505] : memref<1x125x128xi32, #tpu.memory_space<vmem>>, vector<1x1x128xi32>
    %get3A_507 = vector.shape_cast %get3A_506 : vector<1x1x128xi32> to vector<1x128xi32>
    %and3A_508 = arith.constant 255 : i32
    %and3A_509 = vector.broadcast %and3A_508 : i32 to vector<1x128xi32>
    %and3A_510 = arith.andi %get3A_507, %and3A_509 : vector<1x128xi32>
    %eq3A_511 = vector.broadcast %and3A_510 : vector<1x128xi32> to vector<128x128xi32>
    %eq3A_512 = arith.cmpi eq, %eq3A_511, %iota3A : vector<128x128xi32>
    %convert_element_type3A_513 = arith.extui %eq3A_512 : vector<128x128xi1> to vector<128x128xi32>
    %convert_element_type3A_514 = arith.sitofp %convert_element_type3A_513 : vector<128x128xi32> to vector<128x128xf32>
    %convert_element_type3A_515 = arith.truncf %convert_element_type3A_514 : vector<128x128xf32> to vector<128x128xbf16>
    %get3A_516 = arith.constant 0 : index
    %get3A_517 = arith.constant 40 : index
    %get3A_518 = arith.constant 0 : index
    %get3A_519 = vector.load %arg1[%get3A_516, %get3A_517, %get3A_518] : memref<1x125x128xi32, #tpu.memory_space<vmem>>, vector<1x1x128xi32>
    %get3A_520 = vector.shape_cast %get3A_519 : vector<1x1x128xi32> to vector<1x128xi32>
    %and3A_521 = arith.constant 255 : i32
    %and3A_522 = vector.broadcast %and3A_521 : i32 to vector<1x128xi32>
    %and3A_523 = arith.andi %get3A_520, %and3A_522 : vector<1x128xi32>
    %eq3A_524 = vector.broadcast %and3A_523 : vector<1x128xi32> to vector<128x128xi32>
    %eq3A_525 = arith.cmpi eq, %eq3A_524, %iota3A : vector<128x128xi32>
    %convert_element_type3A_526 = arith.extui %eq3A_525 : vector<128x128xi1> to vector<128x128xi32>
    %convert_element_type3A_527 = arith.sitofp %convert_element_type3A_526 : vector<128x128xi32> to vector<128x128xf32>
    %convert_element_type3A_528 = arith.truncf %convert_element_type3A_527 : vector<128x128xf32> to vector<128x128xbf16>
    %get3A_529 = arith.constant 0 : index
    %get3A_530 = arith.constant 41 : index
    %get3A_531 = arith.constant 0 : index
    %get3A_532 = vector.load %arg1[%get3A_529, %get3A_530, %get3A_531] : memref<1x125x128xi32, #tpu.memory_space<vmem>>, vector<1x1x128xi32>
    %get3A_533 = vector.shape_cast %get3A_532 : vector<1x1x128xi32> to vector<1x128xi32>
    %and3A_534 = arith.constant 255 : i32
    %and3A_535 = vector.broadcast %and3A_534 : i32 to vector<1x128xi32>
    %and3A_536 = arith.andi %get3A_533, %and3A_535 : vector<1x128xi32>
    %eq3A_537 = vector.broadcast %and3A_536 : vector<1x128xi32> to vector<128x128xi32>
    %eq3A_538 = arith.cmpi eq, %eq3A_537, %iota3A : vector<128x128xi32>
    %convert_element_type3A_539 = arith.extui %eq3A_538 : vector<128x128xi1> to vector<128x128xi32>
    %convert_element_type3A_540 = arith.sitofp %convert_element_type3A_539 : vector<128x128xi32> to vector<128x128xf32>
    %convert_element_type3A_541 = arith.truncf %convert_element_type3A_540 : vector<128x128xf32> to vector<128x128xbf16>
    %get3A_542 = arith.constant 0 : index
    %get3A_543 = arith.constant 42 : index
    %get3A_544 = arith.constant 0 : index
    %get3A_545 = vector.load %arg1[%get3A_542, %get3A_543, %get3A_544] : memref<1x125x128xi32, #tpu.memory_space<vmem>>, vector<1x1x128xi32>
    %get3A_546 = vector.shape_cast %get3A_545 : vector<1x1x128xi32> to vector<1x128xi32>
    %and3A_547 = arith.constant 255 : i32
    %and3A_548 = vector.broadcast %and3A_547 : i32 to vector<1x128xi32>
    %and3A_549 = arith.andi %get3A_546, %and3A_548 : vector<1x128xi32>
    %eq3A_550 = vector.broadcast %and3A_549 : vector<1x128xi32> to vector<128x128xi32>
    %eq3A_551 = arith.cmpi eq, %eq3A_550, %iota3A : vector<128x128xi32>
    %convert_element_type3A_552 = arith.extui %eq3A_551 : vector<128x128xi1> to vector<128x128xi32>
    %convert_element_type3A_553 = arith.sitofp %convert_element_type3A_552 : vector<128x128xi32> to vector<128x128xf32>
    %convert_element_type3A_554 = arith.truncf %convert_element_type3A_553 : vector<128x128xf32> to vector<128x128xbf16>
    %get3A_555 = arith.constant 0 : index
    %get3A_556 = arith.constant 43 : index
    %get3A_557 = arith.constant 0 : index
    %get3A_558 = vector.load %arg1[%get3A_555, %get3A_556, %get3A_557] : memref<1x125x128xi32, #tpu.memory_space<vmem>>, vector<1x1x128xi32>
    %get3A_559 = vector.shape_cast %get3A_558 : vector<1x1x128xi32> to vector<1x128xi32>
    %and3A_560 = arith.constant 255 : i32
    %and3A_561 = vector.broadcast %and3A_560 : i32 to vector<1x128xi32>
    %and3A_562 = arith.andi %get3A_559, %and3A_561 : vector<1x128xi32>
    %eq3A_563 = vector.broadcast %and3A_562 : vector<1x128xi32> to vector<128x128xi32>
    %eq3A_564 = arith.cmpi eq, %eq3A_563, %iota3A : vector<128x128xi32>
    %convert_element_type3A_565 = arith.extui %eq3A_564 : vector<128x128xi1> to vector<128x128xi32>
    %convert_element_type3A_566 = arith.sitofp %convert_element_type3A_565 : vector<128x128xi32> to vector<128x128xf32>
    %convert_element_type3A_567 = arith.truncf %convert_element_type3A_566 : vector<128x128xf32> to vector<128x128xbf16>
    %get3A_568 = arith.constant 0 : index
    %get3A_569 = arith.constant 44 : index
    %get3A_570 = arith.constant 0 : index
    %get3A_571 = vector.load %arg1[%get3A_568, %get3A_569, %get3A_570] : memref<1x125x128xi32, #tpu.memory_space<vmem>>, vector<1x1x128xi32>
    %get3A_572 = vector.shape_cast %get3A_571 : vector<1x1x128xi32> to vector<1x128xi32>
    %and3A_573 = arith.constant 255 : i32
    %and3A_574 = vector.broadcast %and3A_573 : i32 to vector<1x128xi32>
    %and3A_575 = arith.andi %get3A_572, %and3A_574 : vector<1x128xi32>
    %eq3A_576 = vector.broadcast %and3A_575 : vector<1x128xi32> to vector<128x128xi32>
    %eq3A_577 = arith.cmpi eq, %eq3A_576, %iota3A : vector<128x128xi32>
    %convert_element_type3A_578 = arith.extui %eq3A_577 : vector<128x128xi1> to vector<128x128xi32>
    %convert_element_type3A_579 = arith.sitofp %convert_element_type3A_578 : vector<128x128xi32> to vector<128x128xf32>
    %convert_element_type3A_580 = arith.truncf %convert_element_type3A_579 : vector<128x128xf32> to vector<128x128xbf16>
    %get3A_581 = arith.constant 0 : index
    %get3A_582 = arith.constant 45 : index
    %get3A_583 = arith.constant 0 : index
    %get3A_584 = vector.load %arg1[%get3A_581, %get3A_582, %get3A_583] : memref<1x125x128xi32, #tpu.memory_space<vmem>>, vector<1x1x128xi32>
    %get3A_585 = vector.shape_cast %get3A_584 : vector<1x1x128xi32> to vector<1x128xi32>
    %and3A_586 = arith.constant 255 : i32
    %and3A_587 = vector.broadcast %and3A_586 : i32 to vector<1x128xi32>
    %and3A_588 = arith.andi %get3A_585, %and3A_587 : vector<1x128xi32>
    %eq3A_589 = vector.broadcast %and3A_588 : vector<1x128xi32> to vector<128x128xi32>
    %eq3A_590 = arith.cmpi eq, %eq3A_589, %iota3A : vector<128x128xi32>
    %convert_element_type3A_591 = arith.extui %eq3A_590 : vector<128x128xi1> to vector<128x128xi32>
    %convert_element_type3A_592 = arith.sitofp %convert_element_type3A_591 : vector<128x128xi32> to vector<128x128xf32>
    %convert_element_type3A_593 = arith.truncf %convert_element_type3A_592 : vector<128x128xf32> to vector<128x128xbf16>
    %get3A_594 = arith.constant 0 : index
    %get3A_595 = arith.constant 46 : index
    %get3A_596 = arith.constant 0 : index
    %get3A_597 = vector.load %arg1[%get3A_594, %get3A_595, %get3A_596] : memref<1x125x128xi32, #tpu.memory_space<vmem>>, vector<1x1x128xi32>
    %get3A_598 = vector.shape_cast %get3A_597 : vector<1x1x128xi32> to vector<1x128xi32>
    %and3A_599 = arith.constant 255 : i32
    %and3A_600 = vector.broadcast %and3A_599 : i32 to vector<1x128xi32>
    %and3A_601 = arith.andi %get3A_598, %and3A_600 : vector<1x128xi32>
    %eq3A_602 = vector.broadcast %and3A_601 : vector<1x128xi32> to vector<128x128xi32>
    %eq3A_603 = arith.cmpi eq, %eq3A_602, %iota3A : vector<128x128xi32>
    %convert_element_type3A_604 = arith.extui %eq3A_603 : vector<128x128xi1> to vector<128x128xi32>
    %convert_element_type3A_605 = arith.sitofp %convert_element_type3A_604 : vector<128x128xi32> to vector<128x128xf32>
    %convert_element_type3A_606 = arith.truncf %convert_element_type3A_605 : vector<128x128xf32> to vector<128x128xbf16>
    %get3A_607 = arith.constant 0 : index
    %get3A_608 = arith.constant 47 : index
    %get3A_609 = arith.constant 0 : index
    %get3A_610 = vector.load %arg1[%get3A_607, %get3A_608, %get3A_609] : memref<1x125x128xi32, #tpu.memory_space<vmem>>, vector<1x1x128xi32>
    %get3A_611 = vector.shape_cast %get3A_610 : vector<1x1x128xi32> to vector<1x128xi32>
    %and3A_612 = arith.constant 255 : i32
    %and3A_613 = vector.broadcast %and3A_612 : i32 to vector<1x128xi32>
    %and3A_614 = arith.andi %get3A_611, %and3A_613 : vector<1x128xi32>
    %eq3A_615 = vector.broadcast %and3A_614 : vector<1x128xi32> to vector<128x128xi32>
    %eq3A_616 = arith.cmpi eq, %eq3A_615, %iota3A : vector<128x128xi32>
    %convert_element_type3A_617 = arith.extui %eq3A_616 : vector<128x128xi1> to vector<128x128xi32>
    %convert_element_type3A_618 = arith.sitofp %convert_element_type3A_617 : vector<128x128xi32> to vector<128x128xf32>
    %convert_element_type3A_619 = arith.truncf %convert_element_type3A_618 : vector<128x128xf32> to vector<128x128xbf16>
    %get3A_620 = arith.constant 0 : index
    %get3A_621 = arith.constant 48 : index
    %get3A_622 = arith.constant 0 : index
    %get3A_623 = vector.load %arg1[%get3A_620, %get3A_621, %get3A_622] : memref<1x125x128xi32, #tpu.memory_space<vmem>>, vector<1x1x128xi32>
    %get3A_624 = vector.shape_cast %get3A_623 : vector<1x1x128xi32> to vector<1x128xi32>
    %and3A_625 = arith.constant 255 : i32
    %and3A_626 = vector.broadcast %and3A_625 : i32 to vector<1x128xi32>
    %and3A_627 = arith.andi %get3A_624, %and3A_626 : vector<1x128xi32>
    %eq3A_628 = vector.broadcast %and3A_627 : vector<1x128xi32> to vector<128x128xi32>
    %eq3A_629 = arith.cmpi eq, %eq3A_628, %iota3A : vector<128x128xi32>
    %convert_element_type3A_630 = arith.extui %eq3A_629 : vector<128x128xi1> to vector<128x128xi32>
    %convert_element_type3A_631 = arith.sitofp %convert_element_type3A_630 : vector<128x128xi32> to vector<128x128xf32>
    %convert_element_type3A_632 = arith.truncf %convert_element_type3A_631 : vector<128x128xf32> to vector<128x128xbf16>
    %get3A_633 = arith.constant 0 : index
    %get3A_634 = arith.constant 49 : index
    %get3A_635 = arith.constant 0 : index
    %get3A_636 = vector.load %arg1[%get3A_633, %get3A_634, %get3A_635] : memref<1x125x128xi32, #tpu.memory_space<vmem>>, vector<1x1x128xi32>
    %get3A_637 = vector.shape_cast %get3A_636 : vector<1x1x128xi32> to vector<1x128xi32>
    %and3A_638 = arith.constant 255 : i32
    %and3A_639 = vector.broadcast %and3A_638 : i32 to vector<1x128xi32>
    %and3A_640 = arith.andi %get3A_637, %and3A_639 : vector<1x128xi32>
    %eq3A_641 = vector.broadcast %and3A_640 : vector<1x128xi32> to vector<128x128xi32>
    %eq3A_642 = arith.cmpi eq, %eq3A_641, %iota3A : vector<128x128xi32>
    %convert_element_type3A_643 = arith.extui %eq3A_642 : vector<128x128xi1> to vector<128x128xi32>
    %convert_element_type3A_644 = arith.sitofp %convert_element_type3A_643 : vector<128x128xi32> to vector<128x128xf32>
    %convert_element_type3A_645 = arith.truncf %convert_element_type3A_644 : vector<128x128xf32> to vector<128x128xbf16>
    %get3A_646 = arith.constant 0 : index
    %get3A_647 = arith.constant 50 : index
    %get3A_648 = arith.constant 0 : index
    %get3A_649 = vector.load %arg1[%get3A_646, %get3A_647, %get3A_648] : memref<1x125x128xi32, #tpu.memory_space<vmem>>, vector<1x1x128xi32>
    %get3A_650 = vector.shape_cast %get3A_649 : vector<1x1x128xi32> to vector<1x128xi32>
    %and3A_651 = arith.constant 255 : i32
    %and3A_652 = vector.broadcast %and3A_651 : i32 to vector<1x128xi32>
    %and3A_653 = arith.andi %get3A_650, %and3A_652 : vector<1x128xi32>
    %eq3A_654 = vector.broadcast %and3A_653 : vector<1x128xi32> to vector<128x128xi32>
    %eq3A_655 = arith.cmpi eq, %eq3A_654, %iota3A : vector<128x128xi32>
    %convert_element_type3A_656 = arith.extui %eq3A_655 : vector<128x128xi1> to vector<128x128xi32>
    %convert_element_type3A_657 = arith.sitofp %convert_element_type3A_656 : vector<128x128xi32> to vector<128x128xf32>
    %convert_element_type3A_658 = arith.truncf %convert_element_type3A_657 : vector<128x128xf32> to vector<128x128xbf16>
    %get3A_659 = arith.constant 0 : index
    %get3A_660 = arith.constant 51 : index
    %get3A_661 = arith.constant 0 : index
    %get3A_662 = vector.load %arg1[%get3A_659, %get3A_660, %get3A_661] : memref<1x125x128xi32, #tpu.memory_space<vmem>>, vector<1x1x128xi32>
    %get3A_663 = vector.shape_cast %get3A_662 : vector<1x1x128xi32> to vector<1x128xi32>
    %and3A_664 = arith.constant 255 : i32
    %and3A_665 = vector.broadcast %and3A_664 : i32 to vector<1x128xi32>
    %and3A_666 = arith.andi %get3A_663, %and3A_665 : vector<1x128xi32>
    %eq3A_667 = vector.broadcast %and3A_666 : vector<1x128xi32> to vector<128x128xi32>
    %eq3A_668 = arith.cmpi eq, %eq3A_667, %iota3A : vector<128x128xi32>
    %convert_element_type3A_669 = arith.extui %eq3A_668 : vector<128x128xi1> to vector<128x128xi32>
    %convert_element_type3A_670 = arith.sitofp %convert_element_type3A_669 : vector<128x128xi32> to vector<128x128xf32>
    %convert_element_type3A_671 = arith.truncf %convert_element_type3A_670 : vector<128x128xf32> to vector<128x128xbf16>
    %get3A_672 = arith.constant 0 : index
    %get3A_673 = arith.constant 52 : index
    %get3A_674 = arith.constant 0 : index
    %get3A_675 = vector.load %arg1[%get3A_672, %get3A_673, %get3A_674] : memref<1x125x128xi32, #tpu.memory_space<vmem>>, vector<1x1x128xi32>
    %get3A_676 = vector.shape_cast %get3A_675 : vector<1x1x128xi32> to vector<1x128xi32>
    %and3A_677 = arith.constant 255 : i32
    %and3A_678 = vector.broadcast %and3A_677 : i32 to vector<1x128xi32>
    %and3A_679 = arith.andi %get3A_676, %and3A_678 : vector<1x128xi32>
    %eq3A_680 = vector.broadcast %and3A_679 : vector<1x128xi32> to vector<128x128xi32>
    %eq3A_681 = arith.cmpi eq, %eq3A_680, %iota3A : vector<128x128xi32>
    %convert_element_type3A_682 = arith.extui %eq3A_681 : vector<128x128xi1> to vector<128x128xi32>
    %convert_element_type3A_683 = arith.sitofp %convert_element_type3A_682 : vector<128x128xi32> to vector<128x128xf32>
    %convert_element_type3A_684 = arith.truncf %convert_element_type3A_683 : vector<128x128xf32> to vector<128x128xbf16>
    %get3A_685 = arith.constant 0 : index
    %get3A_686 = arith.constant 53 : index
    %get3A_687 = arith.constant 0 : index
    %get3A_688 = vector.load %arg1[%get3A_685, %get3A_686, %get3A_687] : memref<1x125x128xi32, #tpu.memory_space<vmem>>, vector<1x1x128xi32>
    %get3A_689 = vector.shape_cast %get3A_688 : vector<1x1x128xi32> to vector<1x128xi32>
    %and3A_690 = arith.constant 255 : i32
    %and3A_691 = vector.broadcast %and3A_690 : i32 to vector<1x128xi32>
    %and3A_692 = arith.andi %get3A_689, %and3A_691 : vector<1x128xi32>
    %eq3A_693 = vector.broadcast %and3A_692 : vector<1x128xi32> to vector<128x128xi32>
    %eq3A_694 = arith.cmpi eq, %eq3A_693, %iota3A : vector<128x128xi32>
    %convert_element_type3A_695 = arith.extui %eq3A_694 : vector<128x128xi1> to vector<128x128xi32>
    %convert_element_type3A_696 = arith.sitofp %convert_element_type3A_695 : vector<128x128xi32> to vector<128x128xf32>
    %convert_element_type3A_697 = arith.truncf %convert_element_type3A_696 : vector<128x128xf32> to vector<128x128xbf16>
    %get3A_698 = arith.constant 0 : index
    %get3A_699 = arith.constant 54 : index
    %get3A_700 = arith.constant 0 : index
    %get3A_701 = vector.load %arg1[%get3A_698, %get3A_699, %get3A_700] : memref<1x125x128xi32, #tpu.memory_space<vmem>>, vector<1x1x128xi32>
    %get3A_702 = vector.shape_cast %get3A_701 : vector<1x1x128xi32> to vector<1x128xi32>
    %and3A_703 = arith.constant 255 : i32
    %and3A_704 = vector.broadcast %and3A_703 : i32 to vector<1x128xi32>
    %and3A_705 = arith.andi %get3A_702, %and3A_704 : vector<1x128xi32>
    %eq3A_706 = vector.broadcast %and3A_705 : vector<1x128xi32> to vector<128x128xi32>
    %eq3A_707 = arith.cmpi eq, %eq3A_706, %iota3A : vector<128x128xi32>
    %convert_element_type3A_708 = arith.extui %eq3A_707 : vector<128x128xi1> to vector<128x128xi32>
    %convert_element_type3A_709 = arith.sitofp %convert_element_type3A_708 : vector<128x128xi32> to vector<128x128xf32>
    %convert_element_type3A_710 = arith.truncf %convert_element_type3A_709 : vector<128x128xf32> to vector<128x128xbf16>
    %get3A_711 = arith.constant 0 : index
    %get3A_712 = arith.constant 55 : index
    %get3A_713 = arith.constant 0 : index
    %get3A_714 = vector.load %arg1[%get3A_711, %get3A_712, %get3A_713] : memref<1x125x128xi32, #tpu.memory_space<vmem>>, vector<1x1x128xi32>
    %get3A_715 = vector.shape_cast %get3A_714 : vector<1x1x128xi32> to vector<1x128xi32>
    %and3A_716 = arith.constant 255 : i32
    %and3A_717 = vector.broadcast %and3A_716 : i32 to vector<1x128xi32>
    %and3A_718 = arith.andi %get3A_715, %and3A_717 : vector<1x128xi32>
    %eq3A_719 = vector.broadcast %and3A_718 : vector<1x128xi32> to vector<128x128xi32>
    %eq3A_720 = arith.cmpi eq, %eq3A_719, %iota3A : vector<128x128xi32>
    %convert_element_type3A_721 = arith.extui %eq3A_720 : vector<128x128xi1> to vector<128x128xi32>
    %convert_element_type3A_722 = arith.sitofp %convert_element_type3A_721 : vector<128x128xi32> to vector<128x128xf32>
    %convert_element_type3A_723 = arith.truncf %convert_element_type3A_722 : vector<128x128xf32> to vector<128x128xbf16>
    %get3A_724 = arith.constant 0 : index
    %get3A_725 = arith.constant 56 : index
    %get3A_726 = arith.constant 0 : index
    %get3A_727 = vector.load %arg1[%get3A_724, %get3A_725, %get3A_726] : memref<1x125x128xi32, #tpu.memory_space<vmem>>, vector<1x1x128xi32>
    %get3A_728 = vector.shape_cast %get3A_727 : vector<1x1x128xi32> to vector<1x128xi32>
    %and3A_729 = arith.constant 255 : i32
    %and3A_730 = vector.broadcast %and3A_729 : i32 to vector<1x128xi32>
    %and3A_731 = arith.andi %get3A_728, %and3A_730 : vector<1x128xi32>
    %eq3A_732 = vector.broadcast %and3A_731 : vector<1x128xi32> to vector<128x128xi32>
    %eq3A_733 = arith.cmpi eq, %eq3A_732, %iota3A : vector<128x128xi32>
    %convert_element_type3A_734 = arith.extui %eq3A_733 : vector<128x128xi1> to vector<128x128xi32>
    %convert_element_type3A_735 = arith.sitofp %convert_element_type3A_734 : vector<128x128xi32> to vector<128x128xf32>
    %convert_element_type3A_736 = arith.truncf %convert_element_type3A_735 : vector<128x128xf32> to vector<128x128xbf16>
    %get3A_737 = arith.constant 0 : index
    %get3A_738 = arith.constant 57 : index
    %get3A_739 = arith.constant 0 : index
    %get3A_740 = vector.load %arg1[%get3A_737, %get3A_738, %get3A_739] : memref<1x125x128xi32, #tpu.memory_space<vmem>>, vector<1x1x128xi32>
    %get3A_741 = vector.shape_cast %get3A_740 : vector<1x1x128xi32> to vector<1x128xi32>
    %and3A_742 = arith.constant 255 : i32
    %and3A_743 = vector.broadcast %and3A_742 : i32 to vector<1x128xi32>
    %and3A_744 = arith.andi %get3A_741, %and3A_743 : vector<1x128xi32>
    %eq3A_745 = vector.broadcast %and3A_744 : vector<1x128xi32> to vector<128x128xi32>
    %eq3A_746 = arith.cmpi eq, %eq3A_745, %iota3A : vector<128x128xi32>
    %convert_element_type3A_747 = arith.extui %eq3A_746 : vector<128x128xi1> to vector<128x128xi32>
    %convert_element_type3A_748 = arith.sitofp %convert_element_type3A_747 : vector<128x128xi32> to vector<128x128xf32>
    %convert_element_type3A_749 = arith.truncf %convert_element_type3A_748 : vector<128x128xf32> to vector<128x128xbf16>
    %get3A_750 = arith.constant 0 : index
    %get3A_751 = arith.constant 58 : index
    %get3A_752 = arith.constant 0 : index
    %get3A_753 = vector.load %arg1[%get3A_750, %get3A_751, %get3A_752] : memref<1x125x128xi32, #tpu.memory_space<vmem>>, vector<1x1x128xi32>
    %get3A_754 = vector.shape_cast %get3A_753 : vector<1x1x128xi32> to vector<1x128xi32>
    %and3A_755 = arith.constant 255 : i32
    %and3A_756 = vector.broadcast %and3A_755 : i32 to vector<1x128xi32>
    %and3A_757 = arith.andi %get3A_754, %and3A_756 : vector<1x128xi32>
    %eq3A_758 = vector.broadcast %and3A_757 : vector<1x128xi32> to vector<128x128xi32>
    %eq3A_759 = arith.cmpi eq, %eq3A_758, %iota3A : vector<128x128xi32>
    %convert_element_type3A_760 = arith.extui %eq3A_759 : vector<128x128xi1> to vector<128x128xi32>
    %convert_element_type3A_761 = arith.sitofp %convert_element_type3A_760 : vector<128x128xi32> to vector<128x128xf32>
    %convert_element_type3A_762 = arith.truncf %convert_element_type3A_761 : vector<128x128xf32> to vector<128x128xbf16>
    %get3A_763 = arith.constant 0 : index
    %get3A_764 = arith.constant 59 : index
    %get3A_765 = arith.constant 0 : index
    %get3A_766 = vector.load %arg1[%get3A_763, %get3A_764, %get3A_765] : memref<1x125x128xi32, #tpu.memory_space<vmem>>, vector<1x1x128xi32>
    %get3A_767 = vector.shape_cast %get3A_766 : vector<1x1x128xi32> to vector<1x128xi32>
    %and3A_768 = arith.constant 255 : i32
    %and3A_769 = vector.broadcast %and3A_768 : i32 to vector<1x128xi32>
    %and3A_770 = arith.andi %get3A_767, %and3A_769 : vector<1x128xi32>
    %eq3A_771 = vector.broadcast %and3A_770 : vector<1x128xi32> to vector<128x128xi32>
    %eq3A_772 = arith.cmpi eq, %eq3A_771, %iota3A : vector<128x128xi32>
    %convert_element_type3A_773 = arith.extui %eq3A_772 : vector<128x128xi1> to vector<128x128xi32>
    %convert_element_type3A_774 = arith.sitofp %convert_element_type3A_773 : vector<128x128xi32> to vector<128x128xf32>
    %convert_element_type3A_775 = arith.truncf %convert_element_type3A_774 : vector<128x128xf32> to vector<128x128xbf16>
    %get3A_776 = arith.constant 0 : index
    %get3A_777 = arith.constant 60 : index
    %get3A_778 = arith.constant 0 : index
    %get3A_779 = vector.load %arg1[%get3A_776, %get3A_777, %get3A_778] : memref<1x125x128xi32, #tpu.memory_space<vmem>>, vector<1x1x128xi32>
    %get3A_780 = vector.shape_cast %get3A_779 : vector<1x1x128xi32> to vector<1x128xi32>
    %and3A_781 = arith.constant 255 : i32
    %and3A_782 = vector.broadcast %and3A_781 : i32 to vector<1x128xi32>
    %and3A_783 = arith.andi %get3A_780, %and3A_782 : vector<1x128xi32>
    %eq3A_784 = vector.broadcast %and3A_783 : vector<1x128xi32> to vector<128x128xi32>
    %eq3A_785 = arith.cmpi eq, %eq3A_784, %iota3A : vector<128x128xi32>
    %convert_element_type3A_786 = arith.extui %eq3A_785 : vector<128x128xi1> to vector<128x128xi32>
    %convert_element_type3A_787 = arith.sitofp %convert_element_type3A_786 : vector<128x128xi32> to vector<128x128xf32>
    %convert_element_type3A_788 = arith.truncf %convert_element_type3A_787 : vector<128x128xf32> to vector<128x128xbf16>
    %get3A_789 = arith.constant 0 : index
    %get3A_790 = arith.constant 61 : index
    %get3A_791 = arith.constant 0 : index
    %get3A_792 = vector.load %arg1[%get3A_789, %get3A_790, %get3A_791] : memref<1x125x128xi32, #tpu.memory_space<vmem>>, vector<1x1x128xi32>
    %get3A_793 = vector.shape_cast %get3A_792 : vector<1x1x128xi32> to vector<1x128xi32>
    %and3A_794 = arith.constant 255 : i32
    %and3A_795 = vector.broadcast %and3A_794 : i32 to vector<1x128xi32>
    %and3A_796 = arith.andi %get3A_793, %and3A_795 : vector<1x128xi32>
    %eq3A_797 = vector.broadcast %and3A_796 : vector<1x128xi32> to vector<128x128xi32>
    %eq3A_798 = arith.cmpi eq, %eq3A_797, %iota3A : vector<128x128xi32>
    %convert_element_type3A_799 = arith.extui %eq3A_798 : vector<128x128xi1> to vector<128x128xi32>
    %convert_element_type3A_800 = arith.sitofp %convert_element_type3A_799 : vector<128x128xi32> to vector<128x128xf32>
    %convert_element_type3A_801 = arith.truncf %convert_element_type3A_800 : vector<128x128xf32> to vector<128x128xbf16>
    %get3A_802 = arith.constant 0 : index
    %get3A_803 = arith.constant 62 : index
    %get3A_804 = arith.constant 0 : index
    %get3A_805 = vector.load %arg1[%get3A_802, %get3A_803, %get3A_804] : memref<1x125x128xi32, #tpu.memory_space<vmem>>, vector<1x1x128xi32>
    %get3A_806 = vector.shape_cast %get3A_805 : vector<1x1x128xi32> to vector<1x128xi32>
    %and3A_807 = arith.constant 255 : i32
    %and3A_808 = vector.broadcast %and3A_807 : i32 to vector<1x128xi32>
    %and3A_809 = arith.andi %get3A_806, %and3A_808 : vector<1x128xi32>
    %eq3A_810 = vector.broadcast %and3A_809 : vector<1x128xi32> to vector<128x128xi32>
    %eq3A_811 = arith.cmpi eq, %eq3A_810, %iota3A : vector<128x128xi32>
    %convert_element_type3A_812 = arith.extui %eq3A_811 : vector<128x128xi1> to vector<128x128xi32>
    %convert_element_type3A_813 = arith.sitofp %convert_element_type3A_812 : vector<128x128xi32> to vector<128x128xf32>
    %convert_element_type3A_814 = arith.truncf %convert_element_type3A_813 : vector<128x128xf32> to vector<128x128xbf16>
    %get3A_815 = arith.constant 0 : index
    %get3A_816 = arith.constant 63 : index
    %get3A_817 = arith.constant 0 : index
    %get3A_818 = vector.load %arg1[%get3A_815, %get3A_816, %get3A_817] : memref<1x125x128xi32, #tpu.memory_space<vmem>>, vector<1x1x128xi32>
    %get3A_819 = vector.shape_cast %get3A_818 : vector<1x1x128xi32> to vector<1x128xi32>
    %and3A_820 = arith.constant 255 : i32
    %and3A_821 = vector.broadcast %and3A_820 : i32 to vector<1x128xi32>
    %and3A_822 = arith.andi %get3A_819, %and3A_821 : vector<1x128xi32>
    %eq3A_823 = vector.broadcast %and3A_822 : vector<1x128xi32> to vector<128x128xi32>
    %eq3A_824 = arith.cmpi eq, %eq3A_823, %iota3A : vector<128x128xi32>
    %convert_element_type3A_825 = arith.extui %eq3A_824 : vector<128x128xi1> to vector<128x128xi32>
    %convert_element_type3A_826 = arith.sitofp %convert_element_type3A_825 : vector<128x128xi32> to vector<128x128xf32>
    %convert_element_type3A_827 = arith.truncf %convert_element_type3A_826 : vector<128x128xf32> to vector<128x128xbf16>
    %get3A_828 = arith.constant 0 : index
    %get3A_829 = arith.constant 64 : index
    %get3A_830 = arith.constant 0 : index
    %get3A_831 = vector.load %arg1[%get3A_828, %get3A_829, %get3A_830] : memref<1x125x128xi32, #tpu.memory_space<vmem>>, vector<1x1x128xi32>
    %get3A_832 = vector.shape_cast %get3A_831 : vector<1x1x128xi32> to vector<1x128xi32>
    %and3A_833 = arith.constant 255 : i32
    %and3A_834 = vector.broadcast %and3A_833 : i32 to vector<1x128xi32>
    %and3A_835 = arith.andi %get3A_832, %and3A_834 : vector<1x128xi32>
    %eq3A_836 = vector.broadcast %and3A_835 : vector<1x128xi32> to vector<128x128xi32>
    %eq3A_837 = arith.cmpi eq, %eq3A_836, %iota3A : vector<128x128xi32>
    %convert_element_type3A_838 = arith.extui %eq3A_837 : vector<128x128xi1> to vector<128x128xi32>
    %convert_element_type3A_839 = arith.sitofp %convert_element_type3A_838 : vector<128x128xi32> to vector<128x128xf32>
    %convert_element_type3A_840 = arith.truncf %convert_element_type3A_839 : vector<128x128xf32> to vector<128x128xbf16>
    %get3A_841 = arith.constant 0 : index
    %get3A_842 = arith.constant 65 : index
    %get3A_843 = arith.constant 0 : index
    %get3A_844 = vector.load %arg1[%get3A_841, %get3A_842, %get3A_843] : memref<1x125x128xi32, #tpu.memory_space<vmem>>, vector<1x1x128xi32>
    %get3A_845 = vector.shape_cast %get3A_844 : vector<1x1x128xi32> to vector<1x128xi32>
    %and3A_846 = arith.constant 255 : i32
    %and3A_847 = vector.broadcast %and3A_846 : i32 to vector<1x128xi32>
    %and3A_848 = arith.andi %get3A_845, %and3A_847 : vector<1x128xi32>
    %eq3A_849 = vector.broadcast %and3A_848 : vector<1x128xi32> to vector<128x128xi32>
    %eq3A_850 = arith.cmpi eq, %eq3A_849, %iota3A : vector<128x128xi32>
    %convert_element_type3A_851 = arith.extui %eq3A_850 : vector<128x128xi1> to vector<128x128xi32>
    %convert_element_type3A_852 = arith.sitofp %convert_element_type3A_851 : vector<128x128xi32> to vector<128x128xf32>
    %convert_element_type3A_853 = arith.truncf %convert_element_type3A_852 : vector<128x128xf32> to vector<128x128xbf16>
    %get3A_854 = arith.constant 0 : index
    %get3A_855 = arith.constant 66 : index
    %get3A_856 = arith.constant 0 : index
    %get3A_857 = vector.load %arg1[%get3A_854, %get3A_855, %get3A_856] : memref<1x125x128xi32, #tpu.memory_space<vmem>>, vector<1x1x128xi32>
    %get3A_858 = vector.shape_cast %get3A_857 : vector<1x1x128xi32> to vector<1x128xi32>
    %and3A_859 = arith.constant 255 : i32
    %and3A_860 = vector.broadcast %and3A_859 : i32 to vector<1x128xi32>
    %and3A_861 = arith.andi %get3A_858, %and3A_860 : vector<1x128xi32>
    %eq3A_862 = vector.broadcast %and3A_861 : vector<1x128xi32> to vector<128x128xi32>
    %eq3A_863 = arith.cmpi eq, %eq3A_862, %iota3A : vector<128x128xi32>
    %convert_element_type3A_864 = arith.extui %eq3A_863 : vector<128x128xi1> to vector<128x128xi32>
    %convert_element_type3A_865 = arith.sitofp %convert_element_type3A_864 : vector<128x128xi32> to vector<128x128xf32>
    %convert_element_type3A_866 = arith.truncf %convert_element_type3A_865 : vector<128x128xf32> to vector<128x128xbf16>
    %get3A_867 = arith.constant 0 : index
    %get3A_868 = arith.constant 67 : index
    %get3A_869 = arith.constant 0 : index
    %get3A_870 = vector.load %arg1[%get3A_867, %get3A_868, %get3A_869] : memref<1x125x128xi32, #tpu.memory_space<vmem>>, vector<1x1x128xi32>
    %get3A_871 = vector.shape_cast %get3A_870 : vector<1x1x128xi32> to vector<1x128xi32>
    %and3A_872 = arith.constant 255 : i32
    %and3A_873 = vector.broadcast %and3A_872 : i32 to vector<1x128xi32>
    %and3A_874 = arith.andi %get3A_871, %and3A_873 : vector<1x128xi32>
    %eq3A_875 = vector.broadcast %and3A_874 : vector<1x128xi32> to vector<128x128xi32>
    %eq3A_876 = arith.cmpi eq, %eq3A_875, %iota3A : vector<128x128xi32>
    %convert_element_type3A_877 = arith.extui %eq3A_876 : vector<128x128xi1> to vector<128x128xi32>
    %convert_element_type3A_878 = arith.sitofp %convert_element_type3A_877 : vector<128x128xi32> to vector<128x128xf32>
    %convert_element_type3A_879 = arith.truncf %convert_element_type3A_878 : vector<128x128xf32> to vector<128x128xbf16>
    %get3A_880 = arith.constant 0 : index
    %get3A_881 = arith.constant 68 : index
    %get3A_882 = arith.constant 0 : index
    %get3A_883 = vector.load %arg1[%get3A_880, %get3A_881, %get3A_882] : memref<1x125x128xi32, #tpu.memory_space<vmem>>, vector<1x1x128xi32>
    %get3A_884 = vector.shape_cast %get3A_883 : vector<1x1x128xi32> to vector<1x128xi32>
    %and3A_885 = arith.constant 255 : i32
    %and3A_886 = vector.broadcast %and3A_885 : i32 to vector<1x128xi32>
    %and3A_887 = arith.andi %get3A_884, %and3A_886 : vector<1x128xi32>
    %eq3A_888 = vector.broadcast %and3A_887 : vector<1x128xi32> to vector<128x128xi32>
    %eq3A_889 = arith.cmpi eq, %eq3A_888, %iota3A : vector<128x128xi32>
    %convert_element_type3A_890 = arith.extui %eq3A_889 : vector<128x128xi1> to vector<128x128xi32>
    %convert_element_type3A_891 = arith.sitofp %convert_element_type3A_890 : vector<128x128xi32> to vector<128x128xf32>
    %convert_element_type3A_892 = arith.truncf %convert_element_type3A_891 : vector<128x128xf32> to vector<128x128xbf16>
    %get3A_893 = arith.constant 0 : index
    %get3A_894 = arith.constant 69 : index
    %get3A_895 = arith.constant 0 : index
    %get3A_896 = vector.load %arg1[%get3A_893, %get3A_894, %get3A_895] : memref<1x125x128xi32, #tpu.memory_space<vmem>>, vector<1x1x128xi32>
    %get3A_897 = vector.shape_cast %get3A_896 : vector<1x1x128xi32> to vector<1x128xi32>
    %and3A_898 = arith.constant 255 : i32
    %and3A_899 = vector.broadcast %and3A_898 : i32 to vector<1x128xi32>
    %and3A_900 = arith.andi %get3A_897, %and3A_899 : vector<1x128xi32>
    %eq3A_901 = vector.broadcast %and3A_900 : vector<1x128xi32> to vector<128x128xi32>
    %eq3A_902 = arith.cmpi eq, %eq3A_901, %iota3A : vector<128x128xi32>
    %convert_element_type3A_903 = arith.extui %eq3A_902 : vector<128x128xi1> to vector<128x128xi32>
    %convert_element_type3A_904 = arith.sitofp %convert_element_type3A_903 : vector<128x128xi32> to vector<128x128xf32>
    %convert_element_type3A_905 = arith.truncf %convert_element_type3A_904 : vector<128x128xf32> to vector<128x128xbf16>
    %get3A_906 = arith.constant 0 : index
    %get3A_907 = arith.constant 70 : index
    %get3A_908 = arith.constant 0 : index
    %get3A_909 = vector.load %arg1[%get3A_906, %get3A_907, %get3A_908] : memref<1x125x128xi32, #tpu.memory_space<vmem>>, vector<1x1x128xi32>
    %get3A_910 = vector.shape_cast %get3A_909 : vector<1x1x128xi32> to vector<1x128xi32>
    %and3A_911 = arith.constant 255 : i32
    %and3A_912 = vector.broadcast %and3A_911 : i32 to vector<1x128xi32>
    %and3A_913 = arith.andi %get3A_910, %and3A_912 : vector<1x128xi32>
    %eq3A_914 = vector.broadcast %and3A_913 : vector<1x128xi32> to vector<128x128xi32>
    %eq3A_915 = arith.cmpi eq, %eq3A_914, %iota3A : vector<128x128xi32>
    %convert_element_type3A_916 = arith.extui %eq3A_915 : vector<128x128xi1> to vector<128x128xi32>
    %convert_element_type3A_917 = arith.sitofp %convert_element_type3A_916 : vector<128x128xi32> to vector<128x128xf32>
    %convert_element_type3A_918 = arith.truncf %convert_element_type3A_917 : vector<128x128xf32> to vector<128x128xbf16>
    %get3A_919 = arith.constant 0 : index
    %get3A_920 = arith.constant 71 : index
    %get3A_921 = arith.constant 0 : index
    %get3A_922 = vector.load %arg1[%get3A_919, %get3A_920, %get3A_921] : memref<1x125x128xi32, #tpu.memory_space<vmem>>, vector<1x1x128xi32>
    %get3A_923 = vector.shape_cast %get3A_922 : vector<1x1x128xi32> to vector<1x128xi32>
    %and3A_924 = arith.constant 255 : i32
    %and3A_925 = vector.broadcast %and3A_924 : i32 to vector<1x128xi32>
    %and3A_926 = arith.andi %get3A_923, %and3A_925 : vector<1x128xi32>
    %eq3A_927 = vector.broadcast %and3A_926 : vector<1x128xi32> to vector<128x128xi32>
    %eq3A_928 = arith.cmpi eq, %eq3A_927, %iota3A : vector<128x128xi32>
    %convert_element_type3A_929 = arith.extui %eq3A_928 : vector<128x128xi1> to vector<128x128xi32>
    %convert_element_type3A_930 = arith.sitofp %convert_element_type3A_929 : vector<128x128xi32> to vector<128x128xf32>
    %convert_element_type3A_931 = arith.truncf %convert_element_type3A_930 : vector<128x128xf32> to vector<128x128xbf16>
    %get3A_932 = arith.constant 0 : index
    %get3A_933 = arith.constant 72 : index
    %get3A_934 = arith.constant 0 : index
    %get3A_935 = vector.load %arg1[%get3A_932, %get3A_933, %get3A_934] : memref<1x125x128xi32, #tpu.memory_space<vmem>>, vector<1x1x128xi32>
    %get3A_936 = vector.shape_cast %get3A_935 : vector<1x1x128xi32> to vector<1x128xi32>
    %and3A_937 = arith.constant 255 : i32
    %and3A_938 = vector.broadcast %and3A_937 : i32 to vector<1x128xi32>
    %and3A_939 = arith.andi %get3A_936, %and3A_938 : vector<1x128xi32>
    %eq3A_940 = vector.broadcast %and3A_939 : vector<1x128xi32> to vector<128x128xi32>
    %eq3A_941 = arith.cmpi eq, %eq3A_940, %iota3A : vector<128x128xi32>
    %convert_element_type3A_942 = arith.extui %eq3A_941 : vector<128x128xi1> to vector<128x128xi32>
    %convert_element_type3A_943 = arith.sitofp %convert_element_type3A_942 : vector<128x128xi32> to vector<128x128xf32>
    %convert_element_type3A_944 = arith.truncf %convert_element_type3A_943 : vector<128x128xf32> to vector<128x128xbf16>
    %get3A_945 = arith.constant 0 : index
    %get3A_946 = arith.constant 73 : index
    %get3A_947 = arith.constant 0 : index
    %get3A_948 = vector.load %arg1[%get3A_945, %get3A_946, %get3A_947] : memref<1x125x128xi32, #tpu.memory_space<vmem>>, vector<1x1x128xi32>
    %get3A_949 = vector.shape_cast %get3A_948 : vector<1x1x128xi32> to vector<1x128xi32>
    %and3A_950 = arith.constant 255 : i32
    %and3A_951 = vector.broadcast %and3A_950 : i32 to vector<1x128xi32>
    %and3A_952 = arith.andi %get3A_949, %and3A_951 : vector<1x128xi32>
    %eq3A_953 = vector.broadcast %and3A_952 : vector<1x128xi32> to vector<128x128xi32>
    %eq3A_954 = arith.cmpi eq, %eq3A_953, %iota3A : vector<128x128xi32>
    %convert_element_type3A_955 = arith.extui %eq3A_954 : vector<128x128xi1> to vector<128x128xi32>
    %convert_element_type3A_956 = arith.sitofp %convert_element_type3A_955 : vector<128x128xi32> to vector<128x128xf32>
    %convert_element_type3A_957 = arith.truncf %convert_element_type3A_956 : vector<128x128xf32> to vector<128x128xbf16>
    %get3A_958 = arith.constant 0 : index
    %get3A_959 = arith.constant 74 : index
    %get3A_960 = arith.constant 0 : index
    %get3A_961 = vector.load %arg1[%get3A_958, %get3A_959, %get3A_960] : memref<1x125x128xi32, #tpu.memory_space<vmem>>, vector<1x1x128xi32>
    %get3A_962 = vector.shape_cast %get3A_961 : vector<1x1x128xi32> to vector<1x128xi32>
    %and3A_963 = arith.constant 255 : i32
    %and3A_964 = vector.broadcast %and3A_963 : i32 to vector<1x128xi32>
    %and3A_965 = arith.andi %get3A_962, %and3A_964 : vector<1x128xi32>
    %eq3A_966 = vector.broadcast %and3A_965 : vector<1x128xi32> to vector<128x128xi32>
    %eq3A_967 = arith.cmpi eq, %eq3A_966, %iota3A : vector<128x128xi32>
    %convert_element_type3A_968 = arith.extui %eq3A_967 : vector<128x128xi1> to vector<128x128xi32>
    %convert_element_type3A_969 = arith.sitofp %convert_element_type3A_968 : vector<128x128xi32> to vector<128x128xf32>
    %convert_element_type3A_970 = arith.truncf %convert_element_type3A_969 : vector<128x128xf32> to vector<128x128xbf16>
    %get3A_971 = arith.constant 0 : index
    %get3A_972 = arith.constant 75 : index
    %get3A_973 = arith.constant 0 : index
    %get3A_974 = vector.load %arg1[%get3A_971, %get3A_972, %get3A_973] : memref<1x125x128xi32, #tpu.memory_space<vmem>>, vector<1x1x128xi32>
    %get3A_975 = vector.shape_cast %get3A_974 : vector<1x1x128xi32> to vector<1x128xi32>
    %and3A_976 = arith.constant 255 : i32
    %and3A_977 = vector.broadcast %and3A_976 : i32 to vector<1x128xi32>
    %and3A_978 = arith.andi %get3A_975, %and3A_977 : vector<1x128xi32>
    %eq3A_979 = vector.broadcast %and3A_978 : vector<1x128xi32> to vector<128x128xi32>
    %eq3A_980 = arith.cmpi eq, %eq3A_979, %iota3A : vector<128x128xi32>
    %convert_element_type3A_981 = arith.extui %eq3A_980 : vector<128x128xi1> to vector<128x128xi32>
    %convert_element_type3A_982 = arith.sitofp %convert_element_type3A_981 : vector<128x128xi32> to vector<128x128xf32>
    %convert_element_type3A_983 = arith.truncf %convert_element_type3A_982 : vector<128x128xf32> to vector<128x128xbf16>
    %get3A_984 = arith.constant 0 : index
    %get3A_985 = arith.constant 76 : index
    %get3A_986 = arith.constant 0 : index
    %get3A_987 = vector.load %arg1[%get3A_984, %get3A_985, %get3A_986] : memref<1x125x128xi32, #tpu.memory_space<vmem>>, vector<1x1x128xi32>
    %get3A_988 = vector.shape_cast %get3A_987 : vector<1x1x128xi32> to vector<1x128xi32>
    %and3A_989 = arith.constant 255 : i32
    %and3A_990 = vector.broadcast %and3A_989 : i32 to vector<1x128xi32>
    %and3A_991 = arith.andi %get3A_988, %and3A_990 : vector<1x128xi32>
    %eq3A_992 = vector.broadcast %and3A_991 : vector<1x128xi32> to vector<128x128xi32>
    %eq3A_993 = arith.cmpi eq, %eq3A_992, %iota3A : vector<128x128xi32>
    %convert_element_type3A_994 = arith.extui %eq3A_993 : vector<128x128xi1> to vector<128x128xi32>
    %convert_element_type3A_995 = arith.sitofp %convert_element_type3A_994 : vector<128x128xi32> to vector<128x128xf32>
    %convert_element_type3A_996 = arith.truncf %convert_element_type3A_995 : vector<128x128xf32> to vector<128x128xbf16>
    %get3A_997 = arith.constant 0 : index
    %get3A_998 = arith.constant 77 : index
    %get3A_999 = arith.constant 0 : index
    %get3A_1000 = vector.load %arg1[%get3A_997, %get3A_998, %get3A_999] : memref<1x125x128xi32, #tpu.memory_space<vmem>>, vector<1x1x128xi32>
    %get3A_1001 = vector.shape_cast %get3A_1000 : vector<1x1x128xi32> to vector<1x128xi32>
    %and3A_1002 = arith.constant 255 : i32
    %and3A_1003 = vector.broadcast %and3A_1002 : i32 to vector<1x128xi32>
    %and3A_1004 = arith.andi %get3A_1001, %and3A_1003 : vector<1x128xi32>
    %eq3A_1005 = vector.broadcast %and3A_1004 : vector<1x128xi32> to vector<128x128xi32>
    %eq3A_1006 = arith.cmpi eq, %eq3A_1005, %iota3A : vector<128x128xi32>
    %convert_element_type3A_1007 = arith.extui %eq3A_1006 : vector<128x128xi1> to vector<128x128xi32>
    %convert_element_type3A_1008 = arith.sitofp %convert_element_type3A_1007 : vector<128x128xi32> to vector<128x128xf32>
    %convert_element_type3A_1009 = arith.truncf %convert_element_type3A_1008 : vector<128x128xf32> to vector<128x128xbf16>
    %get3A_1010 = arith.constant 0 : index
    %get3A_1011 = arith.constant 78 : index
    %get3A_1012 = arith.constant 0 : index
    %get3A_1013 = vector.load %arg1[%get3A_1010, %get3A_1011, %get3A_1012] : memref<1x125x128xi32, #tpu.memory_space<vmem>>, vector<1x1x128xi32>
    %get3A_1014 = vector.shape_cast %get3A_1013 : vector<1x1x128xi32> to vector<1x128xi32>
    %and3A_1015 = arith.constant 255 : i32
    %and3A_1016 = vector.broadcast %and3A_1015 : i32 to vector<1x128xi32>
    %and3A_1017 = arith.andi %get3A_1014, %and3A_1016 : vector<1x128xi32>
    %eq3A_1018 = vector.broadcast %and3A_1017 : vector<1x128xi32> to vector<128x128xi32>
    %eq3A_1019 = arith.cmpi eq, %eq3A_1018, %iota3A : vector<128x128xi32>
    %convert_element_type3A_1020 = arith.extui %eq3A_1019 : vector<128x128xi1> to vector<128x128xi32>
    %convert_element_type3A_1021 = arith.sitofp %convert_element_type3A_1020 : vector<128x128xi32> to vector<128x128xf32>
    %convert_element_type3A_1022 = arith.truncf %convert_element_type3A_1021 : vector<128x128xf32> to vector<128x128xbf16>
    %get3A_1023 = arith.constant 0 : index
    %get3A_1024 = arith.constant 79 : index
    %get3A_1025 = arith.constant 0 : index
    %get3A_1026 = vector.load %arg1[%get3A_1023, %get3A_1024, %get3A_1025] : memref<1x125x128xi32, #tpu.memory_space<vmem>>, vector<1x1x128xi32>
    %get3A_1027 = vector.shape_cast %get3A_1026 : vector<1x1x128xi32> to vector<1x128xi32>
    %and3A_1028 = arith.constant 255 : i32
    %and3A_1029 = vector.broadcast %and3A_1028 : i32 to vector<1x128xi32>
    %and3A_1030 = arith.andi %get3A_1027, %and3A_1029 : vector<1x128xi32>
    %eq3A_1031 = vector.broadcast %and3A_1030 : vector<1x128xi32> to vector<128x128xi32>
    %eq3A_1032 = arith.cmpi eq, %eq3A_1031, %iota3A : vector<128x128xi32>
    %convert_element_type3A_1033 = arith.extui %eq3A_1032 : vector<128x128xi1> to vector<128x128xi32>
    %convert_element_type3A_1034 = arith.sitofp %convert_element_type3A_1033 : vector<128x128xi32> to vector<128x128xf32>
    %convert_element_type3A_1035 = arith.truncf %convert_element_type3A_1034 : vector<128x128xf32> to vector<128x128xbf16>
    %get3A_1036 = arith.constant 0 : index
    %get3A_1037 = arith.constant 80 : index
    %get3A_1038 = arith.constant 0 : index
    %get3A_1039 = vector.load %arg1[%get3A_1036, %get3A_1037, %get3A_1038] : memref<1x125x128xi32, #tpu.memory_space<vmem>>, vector<1x1x128xi32>
    %get3A_1040 = vector.shape_cast %get3A_1039 : vector<1x1x128xi32> to vector<1x128xi32>
    %and3A_1041 = arith.constant 255 : i32
    %and3A_1042 = vector.broadcast %and3A_1041 : i32 to vector<1x128xi32>
    %and3A_1043 = arith.andi %get3A_1040, %and3A_1042 : vector<1x128xi32>
    %eq3A_1044 = vector.broadcast %and3A_1043 : vector<1x128xi32> to vector<128x128xi32>
    %eq3A_1045 = arith.cmpi eq, %eq3A_1044, %iota3A : vector<128x128xi32>
    %convert_element_type3A_1046 = arith.extui %eq3A_1045 : vector<128x128xi1> to vector<128x128xi32>
    %convert_element_type3A_1047 = arith.sitofp %convert_element_type3A_1046 : vector<128x128xi32> to vector<128x128xf32>
    %convert_element_type3A_1048 = arith.truncf %convert_element_type3A_1047 : vector<128x128xf32> to vector<128x128xbf16>
    %get3A_1049 = arith.constant 0 : index
    %get3A_1050 = arith.constant 81 : index
    %get3A_1051 = arith.constant 0 : index
    %get3A_1052 = vector.load %arg1[%get3A_1049, %get3A_1050, %get3A_1051] : memref<1x125x128xi32, #tpu.memory_space<vmem>>, vector<1x1x128xi32>
    %get3A_1053 = vector.shape_cast %get3A_1052 : vector<1x1x128xi32> to vector<1x128xi32>
    %and3A_1054 = arith.constant 255 : i32
    %and3A_1055 = vector.broadcast %and3A_1054 : i32 to vector<1x128xi32>
    %and3A_1056 = arith.andi %get3A_1053, %and3A_1055 : vector<1x128xi32>
    %eq3A_1057 = vector.broadcast %and3A_1056 : vector<1x128xi32> to vector<128x128xi32>
    %eq3A_1058 = arith.cmpi eq, %eq3A_1057, %iota3A : vector<128x128xi32>
    %convert_element_type3A_1059 = arith.extui %eq3A_1058 : vector<128x128xi1> to vector<128x128xi32>
    %convert_element_type3A_1060 = arith.sitofp %convert_element_type3A_1059 : vector<128x128xi32> to vector<128x128xf32>
    %convert_element_type3A_1061 = arith.truncf %convert_element_type3A_1060 : vector<128x128xf32> to vector<128x128xbf16>
    %get3A_1062 = arith.constant 0 : index
    %get3A_1063 = arith.constant 82 : index
    %get3A_1064 = arith.constant 0 : index
    %get3A_1065 = vector.load %arg1[%get3A_1062, %get3A_1063, %get3A_1064] : memref<1x125x128xi32, #tpu.memory_space<vmem>>, vector<1x1x128xi32>
    %get3A_1066 = vector.shape_cast %get3A_1065 : vector<1x1x128xi32> to vector<1x128xi32>
    %and3A_1067 = arith.constant 255 : i32
    %and3A_1068 = vector.broadcast %and3A_1067 : i32 to vector<1x128xi32>
    %and3A_1069 = arith.andi %get3A_1066, %and3A_1068 : vector<1x128xi32>
    %eq3A_1070 = vector.broadcast %and3A_1069 : vector<1x128xi32> to vector<128x128xi32>
    %eq3A_1071 = arith.cmpi eq, %eq3A_1070, %iota3A : vector<128x128xi32>
    %convert_element_type3A_1072 = arith.extui %eq3A_1071 : vector<128x128xi1> to vector<128x128xi32>
    %convert_element_type3A_1073 = arith.sitofp %convert_element_type3A_1072 : vector<128x128xi32> to vector<128x128xf32>
    %convert_element_type3A_1074 = arith.truncf %convert_element_type3A_1073 : vector<128x128xf32> to vector<128x128xbf16>
    %get3A_1075 = arith.constant 0 : index
    %get3A_1076 = arith.constant 83 : index
    %get3A_1077 = arith.constant 0 : index
    %get3A_1078 = vector.load %arg1[%get3A_1075, %get3A_1076, %get3A_1077] : memref<1x125x128xi32, #tpu.memory_space<vmem>>, vector<1x1x128xi32>
    %get3A_1079 = vector.shape_cast %get3A_1078 : vector<1x1x128xi32> to vector<1x128xi32>
    %and3A_1080 = arith.constant 255 : i32
    %and3A_1081 = vector.broadcast %and3A_1080 : i32 to vector<1x128xi32>
    %and3A_1082 = arith.andi %get3A_1079, %and3A_1081 : vector<1x128xi32>
    %eq3A_1083 = vector.broadcast %and3A_1082 : vector<1x128xi32> to vector<128x128xi32>
    %eq3A_1084 = arith.cmpi eq, %eq3A_1083, %iota3A : vector<128x128xi32>
    %convert_element_type3A_1085 = arith.extui %eq3A_1084 : vector<128x128xi1> to vector<128x128xi32>
    %convert_element_type3A_1086 = arith.sitofp %convert_element_type3A_1085 : vector<128x128xi32> to vector<128x128xf32>
    %convert_element_type3A_1087 = arith.truncf %convert_element_type3A_1086 : vector<128x128xf32> to vector<128x128xbf16>
    %get3A_1088 = arith.constant 0 : index
    %get3A_1089 = arith.constant 84 : index
    %get3A_1090 = arith.constant 0 : index
    %get3A_1091 = vector.load %arg1[%get3A_1088, %get3A_1089, %get3A_1090] : memref<1x125x128xi32, #tpu.memory_space<vmem>>, vector<1x1x128xi32>
    %get3A_1092 = vector.shape_cast %get3A_1091 : vector<1x1x128xi32> to vector<1x128xi32>
    %and3A_1093 = arith.constant 255 : i32
    %and3A_1094 = vector.broadcast %and3A_1093 : i32 to vector<1x128xi32>
    %and3A_1095 = arith.andi %get3A_1092, %and3A_1094 : vector<1x128xi32>
    %eq3A_1096 = vector.broadcast %and3A_1095 : vector<1x128xi32> to vector<128x128xi32>
    %eq3A_1097 = arith.cmpi eq, %eq3A_1096, %iota3A : vector<128x128xi32>
    %convert_element_type3A_1098 = arith.extui %eq3A_1097 : vector<128x128xi1> to vector<128x128xi32>
    %convert_element_type3A_1099 = arith.sitofp %convert_element_type3A_1098 : vector<128x128xi32> to vector<128x128xf32>
    %convert_element_type3A_1100 = arith.truncf %convert_element_type3A_1099 : vector<128x128xf32> to vector<128x128xbf16>
    %get3A_1101 = arith.constant 0 : index
    %get3A_1102 = arith.constant 85 : index
    %get3A_1103 = arith.constant 0 : index
    %get3A_1104 = vector.load %arg1[%get3A_1101, %get3A_1102, %get3A_1103] : memref<1x125x128xi32, #tpu.memory_space<vmem>>, vector<1x1x128xi32>
    %get3A_1105 = vector.shape_cast %get3A_1104 : vector<1x1x128xi32> to vector<1x128xi32>
    %and3A_1106 = arith.constant 255 : i32
    %and3A_1107 = vector.broadcast %and3A_1106 : i32 to vector<1x128xi32>
    %and3A_1108 = arith.andi %get3A_1105, %and3A_1107 : vector<1x128xi32>
    %eq3A_1109 = vector.broadcast %and3A_1108 : vector<1x128xi32> to vector<128x128xi32>
    %eq3A_1110 = arith.cmpi eq, %eq3A_1109, %iota3A : vector<128x128xi32>
    %convert_element_type3A_1111 = arith.extui %eq3A_1110 : vector<128x128xi1> to vector<128x128xi32>
    %convert_element_type3A_1112 = arith.sitofp %convert_element_type3A_1111 : vector<128x128xi32> to vector<128x128xf32>
    %convert_element_type3A_1113 = arith.truncf %convert_element_type3A_1112 : vector<128x128xf32> to vector<128x128xbf16>
    %get3A_1114 = arith.constant 0 : index
    %get3A_1115 = arith.constant 86 : index
    %get3A_1116 = arith.constant 0 : index
    %get3A_1117 = vector.load %arg1[%get3A_1114, %get3A_1115, %get3A_1116] : memref<1x125x128xi32, #tpu.memory_space<vmem>>, vector<1x1x128xi32>
    %get3A_1118 = vector.shape_cast %get3A_1117 : vector<1x1x128xi32> to vector<1x128xi32>
    %and3A_1119 = arith.constant 255 : i32
    %and3A_1120 = vector.broadcast %and3A_1119 : i32 to vector<1x128xi32>
    %and3A_1121 = arith.andi %get3A_1118, %and3A_1120 : vector<1x128xi32>
    %eq3A_1122 = vector.broadcast %and3A_1121 : vector<1x128xi32> to vector<128x128xi32>
    %eq3A_1123 = arith.cmpi eq, %eq3A_1122, %iota3A : vector<128x128xi32>
    %convert_element_type3A_1124 = arith.extui %eq3A_1123 : vector<128x128xi1> to vector<128x128xi32>
    %convert_element_type3A_1125 = arith.sitofp %convert_element_type3A_1124 : vector<128x128xi32> to vector<128x128xf32>
    %convert_element_type3A_1126 = arith.truncf %convert_element_type3A_1125 : vector<128x128xf32> to vector<128x128xbf16>
    %get3A_1127 = arith.constant 0 : index
    %get3A_1128 = arith.constant 87 : index
    %get3A_1129 = arith.constant 0 : index
    %get3A_1130 = vector.load %arg1[%get3A_1127, %get3A_1128, %get3A_1129] : memref<1x125x128xi32, #tpu.memory_space<vmem>>, vector<1x1x128xi32>
    %get3A_1131 = vector.shape_cast %get3A_1130 : vector<1x1x128xi32> to vector<1x128xi32>
    %and3A_1132 = arith.constant 255 : i32
    %and3A_1133 = vector.broadcast %and3A_1132 : i32 to vector<1x128xi32>
    %and3A_1134 = arith.andi %get3A_1131, %and3A_1133 : vector<1x128xi32>
    %eq3A_1135 = vector.broadcast %and3A_1134 : vector<1x128xi32> to vector<128x128xi32>
    %eq3A_1136 = arith.cmpi eq, %eq3A_1135, %iota3A : vector<128x128xi32>
    %convert_element_type3A_1137 = arith.extui %eq3A_1136 : vector<128x128xi1> to vector<128x128xi32>
    %convert_element_type3A_1138 = arith.sitofp %convert_element_type3A_1137 : vector<128x128xi32> to vector<128x128xf32>
    %convert_element_type3A_1139 = arith.truncf %convert_element_type3A_1138 : vector<128x128xf32> to vector<128x128xbf16>
    %get3A_1140 = arith.constant 0 : index
    %get3A_1141 = arith.constant 88 : index
    %get3A_1142 = arith.constant 0 : index
    %get3A_1143 = vector.load %arg1[%get3A_1140, %get3A_1141, %get3A_1142] : memref<1x125x128xi32, #tpu.memory_space<vmem>>, vector<1x1x128xi32>
    %get3A_1144 = vector.shape_cast %get3A_1143 : vector<1x1x128xi32> to vector<1x128xi32>
    %and3A_1145 = arith.constant 255 : i32
    %and3A_1146 = vector.broadcast %and3A_1145 : i32 to vector<1x128xi32>
    %and3A_1147 = arith.andi %get3A_1144, %and3A_1146 : vector<1x128xi32>
    %eq3A_1148 = vector.broadcast %and3A_1147 : vector<1x128xi32> to vector<128x128xi32>
    %eq3A_1149 = arith.cmpi eq, %eq3A_1148, %iota3A : vector<128x128xi32>
    %convert_element_type3A_1150 = arith.extui %eq3A_1149 : vector<128x128xi1> to vector<128x128xi32>
    %convert_element_type3A_1151 = arith.sitofp %convert_element_type3A_1150 : vector<128x128xi32> to vector<128x128xf32>
    %convert_element_type3A_1152 = arith.truncf %convert_element_type3A_1151 : vector<128x128xf32> to vector<128x128xbf16>
    %get3A_1153 = arith.constant 0 : index
    %get3A_1154 = arith.constant 89 : index
    %get3A_1155 = arith.constant 0 : index
    %get3A_1156 = vector.load %arg1[%get3A_1153, %get3A_1154, %get3A_1155] : memref<1x125x128xi32, #tpu.memory_space<vmem>>, vector<1x1x128xi32>
    %get3A_1157 = vector.shape_cast %get3A_1156 : vector<1x1x128xi32> to vector<1x128xi32>
    %and3A_1158 = arith.constant 255 : i32
    %and3A_1159 = vector.broadcast %and3A_1158 : i32 to vector<1x128xi32>
    %and3A_1160 = arith.andi %get3A_1157, %and3A_1159 : vector<1x128xi32>
    %eq3A_1161 = vector.broadcast %and3A_1160 : vector<1x128xi32> to vector<128x128xi32>
    %eq3A_1162 = arith.cmpi eq, %eq3A_1161, %iota3A : vector<128x128xi32>
    %convert_element_type3A_1163 = arith.extui %eq3A_1162 : vector<128x128xi1> to vector<128x128xi32>
    %convert_element_type3A_1164 = arith.sitofp %convert_element_type3A_1163 : vector<128x128xi32> to vector<128x128xf32>
    %convert_element_type3A_1165 = arith.truncf %convert_element_type3A_1164 : vector<128x128xf32> to vector<128x128xbf16>
    %get3A_1166 = arith.constant 0 : index
    %get3A_1167 = arith.constant 90 : index
    %get3A_1168 = arith.constant 0 : index
    %get3A_1169 = vector.load %arg1[%get3A_1166, %get3A_1167, %get3A_1168] : memref<1x125x128xi32, #tpu.memory_space<vmem>>, vector<1x1x128xi32>
    %get3A_1170 = vector.shape_cast %get3A_1169 : vector<1x1x128xi32> to vector<1x128xi32>
    %and3A_1171 = arith.constant 255 : i32
    %and3A_1172 = vector.broadcast %and3A_1171 : i32 to vector<1x128xi32>
    %and3A_1173 = arith.andi %get3A_1170, %and3A_1172 : vector<1x128xi32>
    %eq3A_1174 = vector.broadcast %and3A_1173 : vector<1x128xi32> to vector<128x128xi32>
    %eq3A_1175 = arith.cmpi eq, %eq3A_1174, %iota3A : vector<128x128xi32>
    %convert_element_type3A_1176 = arith.extui %eq3A_1175 : vector<128x128xi1> to vector<128x128xi32>
    %convert_element_type3A_1177 = arith.sitofp %convert_element_type3A_1176 : vector<128x128xi32> to vector<128x128xf32>
    %convert_element_type3A_1178 = arith.truncf %convert_element_type3A_1177 : vector<128x128xf32> to vector<128x128xbf16>
    %get3A_1179 = arith.constant 0 : index
    %get3A_1180 = arith.constant 91 : index
    %get3A_1181 = arith.constant 0 : index
    %get3A_1182 = vector.load %arg1[%get3A_1179, %get3A_1180, %get3A_1181] : memref<1x125x128xi32, #tpu.memory_space<vmem>>, vector<1x1x128xi32>
    %get3A_1183 = vector.shape_cast %get3A_1182 : vector<1x1x128xi32> to vector<1x128xi32>
    %and3A_1184 = arith.constant 255 : i32
    %and3A_1185 = vector.broadcast %and3A_1184 : i32 to vector<1x128xi32>
    %and3A_1186 = arith.andi %get3A_1183, %and3A_1185 : vector<1x128xi32>
    %eq3A_1187 = vector.broadcast %and3A_1186 : vector<1x128xi32> to vector<128x128xi32>
    %eq3A_1188 = arith.cmpi eq, %eq3A_1187, %iota3A : vector<128x128xi32>
    %convert_element_type3A_1189 = arith.extui %eq3A_1188 : vector<128x128xi1> to vector<128x128xi32>
    %convert_element_type3A_1190 = arith.sitofp %convert_element_type3A_1189 : vector<128x128xi32> to vector<128x128xf32>
    %convert_element_type3A_1191 = arith.truncf %convert_element_type3A_1190 : vector<128x128xf32> to vector<128x128xbf16>
    %get3A_1192 = arith.constant 0 : index
    %get3A_1193 = arith.constant 92 : index
    %get3A_1194 = arith.constant 0 : index
    %get3A_1195 = vector.load %arg1[%get3A_1192, %get3A_1193, %get3A_1194] : memref<1x125x128xi32, #tpu.memory_space<vmem>>, vector<1x1x128xi32>
    %get3A_1196 = vector.shape_cast %get3A_1195 : vector<1x1x128xi32> to vector<1x128xi32>
    %and3A_1197 = arith.constant 255 : i32
    %and3A_1198 = vector.broadcast %and3A_1197 : i32 to vector<1x128xi32>
    %and3A_1199 = arith.andi %get3A_1196, %and3A_1198 : vector<1x128xi32>
    %eq3A_1200 = vector.broadcast %and3A_1199 : vector<1x128xi32> to vector<128x128xi32>
    %eq3A_1201 = arith.cmpi eq, %eq3A_1200, %iota3A : vector<128x128xi32>
    %convert_element_type3A_1202 = arith.extui %eq3A_1201 : vector<128x128xi1> to vector<128x128xi32>
    %convert_element_type3A_1203 = arith.sitofp %convert_element_type3A_1202 : vector<128x128xi32> to vector<128x128xf32>
    %convert_element_type3A_1204 = arith.truncf %convert_element_type3A_1203 : vector<128x128xf32> to vector<128x128xbf16>
    %get3A_1205 = arith.constant 0 : index
    %get3A_1206 = arith.constant 93 : index
    %get3A_1207 = arith.constant 0 : index
    %get3A_1208 = vector.load %arg1[%get3A_1205, %get3A_1206, %get3A_1207] : memref<1x125x128xi32, #tpu.memory_space<vmem>>, vector<1x1x128xi32>
    %get3A_1209 = vector.shape_cast %get3A_1208 : vector<1x1x128xi32> to vector<1x128xi32>
    %and3A_1210 = arith.constant 255 : i32
    %and3A_1211 = vector.broadcast %and3A_1210 : i32 to vector<1x128xi32>
    %and3A_1212 = arith.andi %get3A_1209, %and3A_1211 : vector<1x128xi32>
    %eq3A_1213 = vector.broadcast %and3A_1212 : vector<1x128xi32> to vector<128x128xi32>
    %eq3A_1214 = arith.cmpi eq, %eq3A_1213, %iota3A : vector<128x128xi32>
    %convert_element_type3A_1215 = arith.extui %eq3A_1214 : vector<128x128xi1> to vector<128x128xi32>
    %convert_element_type3A_1216 = arith.sitofp %convert_element_type3A_1215 : vector<128x128xi32> to vector<128x128xf32>
    %convert_element_type3A_1217 = arith.truncf %convert_element_type3A_1216 : vector<128x128xf32> to vector<128x128xbf16>
    %get3A_1218 = arith.constant 0 : index
    %get3A_1219 = arith.constant 94 : index
    %get3A_1220 = arith.constant 0 : index
    %get3A_1221 = vector.load %arg1[%get3A_1218, %get3A_1219, %get3A_1220] : memref<1x125x128xi32, #tpu.memory_space<vmem>>, vector<1x1x128xi32>
    %get3A_1222 = vector.shape_cast %get3A_1221 : vector<1x1x128xi32> to vector<1x128xi32>
    %and3A_1223 = arith.constant 255 : i32
    %and3A_1224 = vector.broadcast %and3A_1223 : i32 to vector<1x128xi32>
    %and3A_1225 = arith.andi %get3A_1222, %and3A_1224 : vector<1x128xi32>
    %eq3A_1226 = vector.broadcast %and3A_1225 : vector<1x128xi32> to vector<128x128xi32>
    %eq3A_1227 = arith.cmpi eq, %eq3A_1226, %iota3A : vector<128x128xi32>
    %convert_element_type3A_1228 = arith.extui %eq3A_1227 : vector<128x128xi1> to vector<128x128xi32>
    %convert_element_type3A_1229 = arith.sitofp %convert_element_type3A_1228 : vector<128x128xi32> to vector<128x128xf32>
    %convert_element_type3A_1230 = arith.truncf %convert_element_type3A_1229 : vector<128x128xf32> to vector<128x128xbf16>
    %get3A_1231 = arith.constant 0 : index
    %get3A_1232 = arith.constant 95 : index
    %get3A_1233 = arith.constant 0 : index
    %get3A_1234 = vector.load %arg1[%get3A_1231, %get3A_1232, %get3A_1233] : memref<1x125x128xi32, #tpu.memory_space<vmem>>, vector<1x1x128xi32>
    %get3A_1235 = vector.shape_cast %get3A_1234 : vector<1x1x128xi32> to vector<1x128xi32>
    %and3A_1236 = arith.constant 255 : i32
    %and3A_1237 = vector.broadcast %and3A_1236 : i32 to vector<1x128xi32>
    %and3A_1238 = arith.andi %get3A_1235, %and3A_1237 : vector<1x128xi32>
    %eq3A_1239 = vector.broadcast %and3A_1238 : vector<1x128xi32> to vector<128x128xi32>
    %eq3A_1240 = arith.cmpi eq, %eq3A_1239, %iota3A : vector<128x128xi32>
    %convert_element_type3A_1241 = arith.extui %eq3A_1240 : vector<128x128xi1> to vector<128x128xi32>
    %convert_element_type3A_1242 = arith.sitofp %convert_element_type3A_1241 : vector<128x128xi32> to vector<128x128xf32>
    %convert_element_type3A_1243 = arith.truncf %convert_element_type3A_1242 : vector<128x128xf32> to vector<128x128xbf16>
    %get3A_1244 = arith.constant 0 : index
    %get3A_1245 = arith.constant 96 : index
    %get3A_1246 = arith.constant 0 : index
    %get3A_1247 = vector.load %arg1[%get3A_1244, %get3A_1245, %get3A_1246] : memref<1x125x128xi32, #tpu.memory_space<vmem>>, vector<1x1x128xi32>
    %get3A_1248 = vector.shape_cast %get3A_1247 : vector<1x1x128xi32> to vector<1x128xi32>
    %and3A_1249 = arith.constant 255 : i32
    %and3A_1250 = vector.broadcast %and3A_1249 : i32 to vector<1x128xi32>
    %and3A_1251 = arith.andi %get3A_1248, %and3A_1250 : vector<1x128xi32>
    %eq3A_1252 = vector.broadcast %and3A_1251 : vector<1x128xi32> to vector<128x128xi32>
    %eq3A_1253 = arith.cmpi eq, %eq3A_1252, %iota3A : vector<128x128xi32>
    %convert_element_type3A_1254 = arith.extui %eq3A_1253 : vector<128x128xi1> to vector<128x128xi32>
    %convert_element_type3A_1255 = arith.sitofp %convert_element_type3A_1254 : vector<128x128xi32> to vector<128x128xf32>
    %convert_element_type3A_1256 = arith.truncf %convert_element_type3A_1255 : vector<128x128xf32> to vector<128x128xbf16>
    %get3A_1257 = arith.constant 0 : index
    %get3A_1258 = arith.constant 97 : index
    %get3A_1259 = arith.constant 0 : index
    %get3A_1260 = vector.load %arg1[%get3A_1257, %get3A_1258, %get3A_1259] : memref<1x125x128xi32, #tpu.memory_space<vmem>>, vector<1x1x128xi32>
    %get3A_1261 = vector.shape_cast %get3A_1260 : vector<1x1x128xi32> to vector<1x128xi32>
    %and3A_1262 = arith.constant 255 : i32
    %and3A_1263 = vector.broadcast %and3A_1262 : i32 to vector<1x128xi32>
    %and3A_1264 = arith.andi %get3A_1261, %and3A_1263 : vector<1x128xi32>
    %eq3A_1265 = vector.broadcast %and3A_1264 : vector<1x128xi32> to vector<128x128xi32>
    %eq3A_1266 = arith.cmpi eq, %eq3A_1265, %iota3A : vector<128x128xi32>
    %convert_element_type3A_1267 = arith.extui %eq3A_1266 : vector<128x128xi1> to vector<128x128xi32>
    %convert_element_type3A_1268 = arith.sitofp %convert_element_type3A_1267 : vector<128x128xi32> to vector<128x128xf32>
    %convert_element_type3A_1269 = arith.truncf %convert_element_type3A_1268 : vector<128x128xf32> to vector<128x128xbf16>
    %get3A_1270 = arith.constant 0 : index
    %get3A_1271 = arith.constant 98 : index
    %get3A_1272 = arith.constant 0 : index
    %get3A_1273 = vector.load %arg1[%get3A_1270, %get3A_1271, %get3A_1272] : memref<1x125x128xi32, #tpu.memory_space<vmem>>, vector<1x1x128xi32>
    %get3A_1274 = vector.shape_cast %get3A_1273 : vector<1x1x128xi32> to vector<1x128xi32>
    %and3A_1275 = arith.constant 255 : i32
    %and3A_1276 = vector.broadcast %and3A_1275 : i32 to vector<1x128xi32>
    %and3A_1277 = arith.andi %get3A_1274, %and3A_1276 : vector<1x128xi32>
    %eq3A_1278 = vector.broadcast %and3A_1277 : vector<1x128xi32> to vector<128x128xi32>
    %eq3A_1279 = arith.cmpi eq, %eq3A_1278, %iota3A : vector<128x128xi32>
    %convert_element_type3A_1280 = arith.extui %eq3A_1279 : vector<128x128xi1> to vector<128x128xi32>
    %convert_element_type3A_1281 = arith.sitofp %convert_element_type3A_1280 : vector<128x128xi32> to vector<128x128xf32>
    %convert_element_type3A_1282 = arith.truncf %convert_element_type3A_1281 : vector<128x128xf32> to vector<128x128xbf16>
    %get3A_1283 = arith.constant 0 : index
    %get3A_1284 = arith.constant 99 : index
    %get3A_1285 = arith.constant 0 : index
    %get3A_1286 = vector.load %arg1[%get3A_1283, %get3A_1284, %get3A_1285] : memref<1x125x128xi32, #tpu.memory_space<vmem>>, vector<1x1x128xi32>
    %get3A_1287 = vector.shape_cast %get3A_1286 : vector<1x1x128xi32> to vector<1x128xi32>
    %and3A_1288 = arith.constant 255 : i32
    %and3A_1289 = vector.broadcast %and3A_1288 : i32 to vector<1x128xi32>
    %and3A_1290 = arith.andi %get3A_1287, %and3A_1289 : vector<1x128xi32>
    %eq3A_1291 = vector.broadcast %and3A_1290 : vector<1x128xi32> to vector<128x128xi32>
    %eq3A_1292 = arith.cmpi eq, %eq3A_1291, %iota3A : vector<128x128xi32>
    %convert_element_type3A_1293 = arith.extui %eq3A_1292 : vector<128x128xi1> to vector<128x128xi32>
    %convert_element_type3A_1294 = arith.sitofp %convert_element_type3A_1293 : vector<128x128xi32> to vector<128x128xf32>
    %convert_element_type3A_1295 = arith.truncf %convert_element_type3A_1294 : vector<128x128xf32> to vector<128x128xbf16>
    %get3A_1296 = arith.constant 0 : index
    %get3A_1297 = arith.constant 100 : index
    %get3A_1298 = arith.constant 0 : index
    %get3A_1299 = vector.load %arg1[%get3A_1296, %get3A_1297, %get3A_1298] : memref<1x125x128xi32, #tpu.memory_space<vmem>>, vector<1x1x128xi32>
    %get3A_1300 = vector.shape_cast %get3A_1299 : vector<1x1x128xi32> to vector<1x128xi32>
    %and3A_1301 = arith.constant 255 : i32
    %and3A_1302 = vector.broadcast %and3A_1301 : i32 to vector<1x128xi32>
    %and3A_1303 = arith.andi %get3A_1300, %and3A_1302 : vector<1x128xi32>
    %eq3A_1304 = vector.broadcast %and3A_1303 : vector<1x128xi32> to vector<128x128xi32>
    %eq3A_1305 = arith.cmpi eq, %eq3A_1304, %iota3A : vector<128x128xi32>
    %convert_element_type3A_1306 = arith.extui %eq3A_1305 : vector<128x128xi1> to vector<128x128xi32>
    %convert_element_type3A_1307 = arith.sitofp %convert_element_type3A_1306 : vector<128x128xi32> to vector<128x128xf32>
    %convert_element_type3A_1308 = arith.truncf %convert_element_type3A_1307 : vector<128x128xf32> to vector<128x128xbf16>
    %get3A_1309 = arith.constant 0 : index
    %get3A_1310 = arith.constant 101 : index
    %get3A_1311 = arith.constant 0 : index
    %get3A_1312 = vector.load %arg1[%get3A_1309, %get3A_1310, %get3A_1311] : memref<1x125x128xi32, #tpu.memory_space<vmem>>, vector<1x1x128xi32>
    %get3A_1313 = vector.shape_cast %get3A_1312 : vector<1x1x128xi32> to vector<1x128xi32>
    %and3A_1314 = arith.constant 255 : i32
    %and3A_1315 = vector.broadcast %and3A_1314 : i32 to vector<1x128xi32>
    %and3A_1316 = arith.andi %get3A_1313, %and3A_1315 : vector<1x128xi32>
    %eq3A_1317 = vector.broadcast %and3A_1316 : vector<1x128xi32> to vector<128x128xi32>
    %eq3A_1318 = arith.cmpi eq, %eq3A_1317, %iota3A : vector<128x128xi32>
    %convert_element_type3A_1319 = arith.extui %eq3A_1318 : vector<128x128xi1> to vector<128x128xi32>
    %convert_element_type3A_1320 = arith.sitofp %convert_element_type3A_1319 : vector<128x128xi32> to vector<128x128xf32>
    %convert_element_type3A_1321 = arith.truncf %convert_element_type3A_1320 : vector<128x128xf32> to vector<128x128xbf16>
    %get3A_1322 = arith.constant 0 : index
    %get3A_1323 = arith.constant 102 : index
    %get3A_1324 = arith.constant 0 : index
    %get3A_1325 = vector.load %arg1[%get3A_1322, %get3A_1323, %get3A_1324] : memref<1x125x128xi32, #tpu.memory_space<vmem>>, vector<1x1x128xi32>
    %get3A_1326 = vector.shape_cast %get3A_1325 : vector<1x1x128xi32> to vector<1x128xi32>
    %and3A_1327 = arith.constant 255 : i32
    %and3A_1328 = vector.broadcast %and3A_1327 : i32 to vector<1x128xi32>
    %and3A_1329 = arith.andi %get3A_1326, %and3A_1328 : vector<1x128xi32>
    %eq3A_1330 = vector.broadcast %and3A_1329 : vector<1x128xi32> to vector<128x128xi32>
    %eq3A_1331 = arith.cmpi eq, %eq3A_1330, %iota3A : vector<128x128xi32>
    %convert_element_type3A_1332 = arith.extui %eq3A_1331 : vector<128x128xi1> to vector<128x128xi32>
    %convert_element_type3A_1333 = arith.sitofp %convert_element_type3A_1332 : vector<128x128xi32> to vector<128x128xf32>
    %convert_element_type3A_1334 = arith.truncf %convert_element_type3A_1333 : vector<128x128xf32> to vector<128x128xbf16>
    %get3A_1335 = arith.constant 0 : index
    %get3A_1336 = arith.constant 103 : index
    %get3A_1337 = arith.constant 0 : index
    %get3A_1338 = vector.load %arg1[%get3A_1335, %get3A_1336, %get3A_1337] : memref<1x125x128xi32, #tpu.memory_space<vmem>>, vector<1x1x128xi32>
    %get3A_1339 = vector.shape_cast %get3A_1338 : vector<1x1x128xi32> to vector<1x128xi32>
    %and3A_1340 = arith.constant 255 : i32
    %and3A_1341 = vector.broadcast %and3A_1340 : i32 to vector<1x128xi32>
    %and3A_1342 = arith.andi %get3A_1339, %and3A_1341 : vector<1x128xi32>
    %eq3A_1343 = vector.broadcast %and3A_1342 : vector<1x128xi32> to vector<128x128xi32>
    %eq3A_1344 = arith.cmpi eq, %eq3A_1343, %iota3A : vector<128x128xi32>
    %convert_element_type3A_1345 = arith.extui %eq3A_1344 : vector<128x128xi1> to vector<128x128xi32>
    %convert_element_type3A_1346 = arith.sitofp %convert_element_type3A_1345 : vector<128x128xi32> to vector<128x128xf32>
    %convert_element_type3A_1347 = arith.truncf %convert_element_type3A_1346 : vector<128x128xf32> to vector<128x128xbf16>
    %get3A_1348 = arith.constant 0 : index
    %get3A_1349 = arith.constant 104 : index
    %get3A_1350 = arith.constant 0 : index
    %get3A_1351 = vector.load %arg1[%get3A_1348, %get3A_1349, %get3A_1350] : memref<1x125x128xi32, #tpu.memory_space<vmem>>, vector<1x1x128xi32>
    %get3A_1352 = vector.shape_cast %get3A_1351 : vector<1x1x128xi32> to vector<1x128xi32>
    %and3A_1353 = arith.constant 255 : i32
    %and3A_1354 = vector.broadcast %and3A_1353 : i32 to vector<1x128xi32>
    %and3A_1355 = arith.andi %get3A_1352, %and3A_1354 : vector<1x128xi32>
    %eq3A_1356 = vector.broadcast %and3A_1355 : vector<1x128xi32> to vector<128x128xi32>
    %eq3A_1357 = arith.cmpi eq, %eq3A_1356, %iota3A : vector<128x128xi32>
    %convert_element_type3A_1358 = arith.extui %eq3A_1357 : vector<128x128xi1> to vector<128x128xi32>
    %convert_element_type3A_1359 = arith.sitofp %convert_element_type3A_1358 : vector<128x128xi32> to vector<128x128xf32>
    %convert_element_type3A_1360 = arith.truncf %convert_element_type3A_1359 : vector<128x128xf32> to vector<128x128xbf16>
    %get3A_1361 = arith.constant 0 : index
    %get3A_1362 = arith.constant 105 : index
    %get3A_1363 = arith.constant 0 : index
    %get3A_1364 = vector.load %arg1[%get3A_1361, %get3A_1362, %get3A_1363] : memref<1x125x128xi32, #tpu.memory_space<vmem>>, vector<1x1x128xi32>
    %get3A_1365 = vector.shape_cast %get3A_1364 : vector<1x1x128xi32> to vector<1x128xi32>
    %and3A_1366 = arith.constant 255 : i32
    %and3A_1367 = vector.broadcast %and3A_1366 : i32 to vector<1x128xi32>
    %and3A_1368 = arith.andi %get3A_1365, %and3A_1367 : vector<1x128xi32>
    %eq3A_1369 = vector.broadcast %and3A_1368 : vector<1x128xi32> to vector<128x128xi32>
    %eq3A_1370 = arith.cmpi eq, %eq3A_1369, %iota3A : vector<128x128xi32>
    %convert_element_type3A_1371 = arith.extui %eq3A_1370 : vector<128x128xi1> to vector<128x128xi32>
    %convert_element_type3A_1372 = arith.sitofp %convert_element_type3A_1371 : vector<128x128xi32> to vector<128x128xf32>
    %convert_element_type3A_1373 = arith.truncf %convert_element_type3A_1372 : vector<128x128xf32> to vector<128x128xbf16>
    %get3A_1374 = arith.constant 0 : index
    %get3A_1375 = arith.constant 106 : index
    %get3A_1376 = arith.constant 0 : index
    %get3A_1377 = vector.load %arg1[%get3A_1374, %get3A_1375, %get3A_1376] : memref<1x125x128xi32, #tpu.memory_space<vmem>>, vector<1x1x128xi32>
    %get3A_1378 = vector.shape_cast %get3A_1377 : vector<1x1x128xi32> to vector<1x128xi32>
    %and3A_1379 = arith.constant 255 : i32
    %and3A_1380 = vector.broadcast %and3A_1379 : i32 to vector<1x128xi32>
    %and3A_1381 = arith.andi %get3A_1378, %and3A_1380 : vector<1x128xi32>
    %eq3A_1382 = vector.broadcast %and3A_1381 : vector<1x128xi32> to vector<128x128xi32>
    %eq3A_1383 = arith.cmpi eq, %eq3A_1382, %iota3A : vector<128x128xi32>
    %convert_element_type3A_1384 = arith.extui %eq3A_1383 : vector<128x128xi1> to vector<128x128xi32>
    %convert_element_type3A_1385 = arith.sitofp %convert_element_type3A_1384 : vector<128x128xi32> to vector<128x128xf32>
    %convert_element_type3A_1386 = arith.truncf %convert_element_type3A_1385 : vector<128x128xf32> to vector<128x128xbf16>
    %get3A_1387 = arith.constant 0 : index
    %get3A_1388 = arith.constant 107 : index
    %get3A_1389 = arith.constant 0 : index
    %get3A_1390 = vector.load %arg1[%get3A_1387, %get3A_1388, %get3A_1389] : memref<1x125x128xi32, #tpu.memory_space<vmem>>, vector<1x1x128xi32>
    %get3A_1391 = vector.shape_cast %get3A_1390 : vector<1x1x128xi32> to vector<1x128xi32>
    %and3A_1392 = arith.constant 255 : i32
    %and3A_1393 = vector.broadcast %and3A_1392 : i32 to vector<1x128xi32>
    %and3A_1394 = arith.andi %get3A_1391, %and3A_1393 : vector<1x128xi32>
    %eq3A_1395 = vector.broadcast %and3A_1394 : vector<1x128xi32> to vector<128x128xi32>
    %eq3A_1396 = arith.cmpi eq, %eq3A_1395, %iota3A : vector<128x128xi32>
    %convert_element_type3A_1397 = arith.extui %eq3A_1396 : vector<128x128xi1> to vector<128x128xi32>
    %convert_element_type3A_1398 = arith.sitofp %convert_element_type3A_1397 : vector<128x128xi32> to vector<128x128xf32>
    %convert_element_type3A_1399 = arith.truncf %convert_element_type3A_1398 : vector<128x128xf32> to vector<128x128xbf16>
    %get3A_1400 = arith.constant 0 : index
    %get3A_1401 = arith.constant 108 : index
    %get3A_1402 = arith.constant 0 : index
    %get3A_1403 = vector.load %arg1[%get3A_1400, %get3A_1401, %get3A_1402] : memref<1x125x128xi32, #tpu.memory_space<vmem>>, vector<1x1x128xi32>
    %get3A_1404 = vector.shape_cast %get3A_1403 : vector<1x1x128xi32> to vector<1x128xi32>
    %and3A_1405 = arith.constant 255 : i32
    %and3A_1406 = vector.broadcast %and3A_1405 : i32 to vector<1x128xi32>
    %and3A_1407 = arith.andi %get3A_1404, %and3A_1406 : vector<1x128xi32>
    %eq3A_1408 = vector.broadcast %and3A_1407 : vector<1x128xi32> to vector<128x128xi32>
    %eq3A_1409 = arith.cmpi eq, %eq3A_1408, %iota3A : vector<128x128xi32>
    %convert_element_type3A_1410 = arith.extui %eq3A_1409 : vector<128x128xi1> to vector<128x128xi32>
    %convert_element_type3A_1411 = arith.sitofp %convert_element_type3A_1410 : vector<128x128xi32> to vector<128x128xf32>
    %convert_element_type3A_1412 = arith.truncf %convert_element_type3A_1411 : vector<128x128xf32> to vector<128x128xbf16>
    %get3A_1413 = arith.constant 0 : index
    %get3A_1414 = arith.constant 109 : index
    %get3A_1415 = arith.constant 0 : index
    %get3A_1416 = vector.load %arg1[%get3A_1413, %get3A_1414, %get3A_1415] : memref<1x125x128xi32, #tpu.memory_space<vmem>>, vector<1x1x128xi32>
    %get3A_1417 = vector.shape_cast %get3A_1416 : vector<1x1x128xi32> to vector<1x128xi32>
    %and3A_1418 = arith.constant 255 : i32
    %and3A_1419 = vector.broadcast %and3A_1418 : i32 to vector<1x128xi32>
    %and3A_1420 = arith.andi %get3A_1417, %and3A_1419 : vector<1x128xi32>
    %eq3A_1421 = vector.broadcast %and3A_1420 : vector<1x128xi32> to vector<128x128xi32>
    %eq3A_1422 = arith.cmpi eq, %eq3A_1421, %iota3A : vector<128x128xi32>
    %convert_element_type3A_1423 = arith.extui %eq3A_1422 : vector<128x128xi1> to vector<128x128xi32>
    %convert_element_type3A_1424 = arith.sitofp %convert_element_type3A_1423 : vector<128x128xi32> to vector<128x128xf32>
    %convert_element_type3A_1425 = arith.truncf %convert_element_type3A_1424 : vector<128x128xf32> to vector<128x128xbf16>
    %get3A_1426 = arith.constant 0 : index
    %get3A_1427 = arith.constant 110 : index
    %get3A_1428 = arith.constant 0 : index
    %get3A_1429 = vector.load %arg1[%get3A_1426, %get3A_1427, %get3A_1428] : memref<1x125x128xi32, #tpu.memory_space<vmem>>, vector<1x1x128xi32>
    %get3A_1430 = vector.shape_cast %get3A_1429 : vector<1x1x128xi32> to vector<1x128xi32>
    %and3A_1431 = arith.constant 255 : i32
    %and3A_1432 = vector.broadcast %and3A_1431 : i32 to vector<1x128xi32>
    %and3A_1433 = arith.andi %get3A_1430, %and3A_1432 : vector<1x128xi32>
    %eq3A_1434 = vector.broadcast %and3A_1433 : vector<1x128xi32> to vector<128x128xi32>
    %eq3A_1435 = arith.cmpi eq, %eq3A_1434, %iota3A : vector<128x128xi32>
    %convert_element_type3A_1436 = arith.extui %eq3A_1435 : vector<128x128xi1> to vector<128x128xi32>
    %convert_element_type3A_1437 = arith.sitofp %convert_element_type3A_1436 : vector<128x128xi32> to vector<128x128xf32>
    %convert_element_type3A_1438 = arith.truncf %convert_element_type3A_1437 : vector<128x128xf32> to vector<128x128xbf16>
    %get3A_1439 = arith.constant 0 : index
    %get3A_1440 = arith.constant 111 : index
    %get3A_1441 = arith.constant 0 : index
    %get3A_1442 = vector.load %arg1[%get3A_1439, %get3A_1440, %get3A_1441] : memref<1x125x128xi32, #tpu.memory_space<vmem>>, vector<1x1x128xi32>
    %get3A_1443 = vector.shape_cast %get3A_1442 : vector<1x1x128xi32> to vector<1x128xi32>
    %and3A_1444 = arith.constant 255 : i32
    %and3A_1445 = vector.broadcast %and3A_1444 : i32 to vector<1x128xi32>
    %and3A_1446 = arith.andi %get3A_1443, %and3A_1445 : vector<1x128xi32>
    %eq3A_1447 = vector.broadcast %and3A_1446 : vector<1x128xi32> to vector<128x128xi32>
    %eq3A_1448 = arith.cmpi eq, %eq3A_1447, %iota3A : vector<128x128xi32>
    %convert_element_type3A_1449 = arith.extui %eq3A_1448 : vector<128x128xi1> to vector<128x128xi32>
    %convert_element_type3A_1450 = arith.sitofp %convert_element_type3A_1449 : vector<128x128xi32> to vector<128x128xf32>
    %convert_element_type3A_1451 = arith.truncf %convert_element_type3A_1450 : vector<128x128xf32> to vector<128x128xbf16>
    %get3A_1452 = arith.constant 0 : index
    %get3A_1453 = arith.constant 112 : index
    %get3A_1454 = arith.constant 0 : index
    %get3A_1455 = vector.load %arg1[%get3A_1452, %get3A_1453, %get3A_1454] : memref<1x125x128xi32, #tpu.memory_space<vmem>>, vector<1x1x128xi32>
    %get3A_1456 = vector.shape_cast %get3A_1455 : vector<1x1x128xi32> to vector<1x128xi32>
    %and3A_1457 = arith.constant 255 : i32
    %and3A_1458 = vector.broadcast %and3A_1457 : i32 to vector<1x128xi32>
    %and3A_1459 = arith.andi %get3A_1456, %and3A_1458 : vector<1x128xi32>
    %eq3A_1460 = vector.broadcast %and3A_1459 : vector<1x128xi32> to vector<128x128xi32>
    %eq3A_1461 = arith.cmpi eq, %eq3A_1460, %iota3A : vector<128x128xi32>
    %convert_element_type3A_1462 = arith.extui %eq3A_1461 : vector<128x128xi1> to vector<128x128xi32>
    %convert_element_type3A_1463 = arith.sitofp %convert_element_type3A_1462 : vector<128x128xi32> to vector<128x128xf32>
    %convert_element_type3A_1464 = arith.truncf %convert_element_type3A_1463 : vector<128x128xf32> to vector<128x128xbf16>
    %get3A_1465 = arith.constant 0 : index
    %get3A_1466 = arith.constant 113 : index
    %get3A_1467 = arith.constant 0 : index
    %get3A_1468 = vector.load %arg1[%get3A_1465, %get3A_1466, %get3A_1467] : memref<1x125x128xi32, #tpu.memory_space<vmem>>, vector<1x1x128xi32>
    %get3A_1469 = vector.shape_cast %get3A_1468 : vector<1x1x128xi32> to vector<1x128xi32>
    %and3A_1470 = arith.constant 255 : i32
    %and3A_1471 = vector.broadcast %and3A_1470 : i32 to vector<1x128xi32>
    %and3A_1472 = arith.andi %get3A_1469, %and3A_1471 : vector<1x128xi32>
    %eq3A_1473 = vector.broadcast %and3A_1472 : vector<1x128xi32> to vector<128x128xi32>
    %eq3A_1474 = arith.cmpi eq, %eq3A_1473, %iota3A : vector<128x128xi32>
    %convert_element_type3A_1475 = arith.extui %eq3A_1474 : vector<128x128xi1> to vector<128x128xi32>
    %convert_element_type3A_1476 = arith.sitofp %convert_element_type3A_1475 : vector<128x128xi32> to vector<128x128xf32>
    %convert_element_type3A_1477 = arith.truncf %convert_element_type3A_1476 : vector<128x128xf32> to vector<128x128xbf16>
    %get3A_1478 = arith.constant 0 : index
    %get3A_1479 = arith.constant 114 : index
    %get3A_1480 = arith.constant 0 : index
    %get3A_1481 = vector.load %arg1[%get3A_1478, %get3A_1479, %get3A_1480] : memref<1x125x128xi32, #tpu.memory_space<vmem>>, vector<1x1x128xi32>
    %get3A_1482 = vector.shape_cast %get3A_1481 : vector<1x1x128xi32> to vector<1x128xi32>
    %and3A_1483 = arith.constant 255 : i32
    %and3A_1484 = vector.broadcast %and3A_1483 : i32 to vector<1x128xi32>
    %and3A_1485 = arith.andi %get3A_1482, %and3A_1484 : vector<1x128xi32>
    %eq3A_1486 = vector.broadcast %and3A_1485 : vector<1x128xi32> to vector<128x128xi32>
    %eq3A_1487 = arith.cmpi eq, %eq3A_1486, %iota3A : vector<128x128xi32>
    %convert_element_type3A_1488 = arith.extui %eq3A_1487 : vector<128x128xi1> to vector<128x128xi32>
    %convert_element_type3A_1489 = arith.sitofp %convert_element_type3A_1488 : vector<128x128xi32> to vector<128x128xf32>
    %convert_element_type3A_1490 = arith.truncf %convert_element_type3A_1489 : vector<128x128xf32> to vector<128x128xbf16>
    %get3A_1491 = arith.constant 0 : index
    %get3A_1492 = arith.constant 115 : index
    %get3A_1493 = arith.constant 0 : index
    %get3A_1494 = vector.load %arg1[%get3A_1491, %get3A_1492, %get3A_1493] : memref<1x125x128xi32, #tpu.memory_space<vmem>>, vector<1x1x128xi32>
    %get3A_1495 = vector.shape_cast %get3A_1494 : vector<1x1x128xi32> to vector<1x128xi32>
    %and3A_1496 = arith.constant 255 : i32
    %and3A_1497 = vector.broadcast %and3A_1496 : i32 to vector<1x128xi32>
    %and3A_1498 = arith.andi %get3A_1495, %and3A_1497 : vector<1x128xi32>
    %eq3A_1499 = vector.broadcast %and3A_1498 : vector<1x128xi32> to vector<128x128xi32>
    %eq3A_1500 = arith.cmpi eq, %eq3A_1499, %iota3A : vector<128x128xi32>
    %convert_element_type3A_1501 = arith.extui %eq3A_1500 : vector<128x128xi1> to vector<128x128xi32>
    %convert_element_type3A_1502 = arith.sitofp %convert_element_type3A_1501 : vector<128x128xi32> to vector<128x128xf32>
    %convert_element_type3A_1503 = arith.truncf %convert_element_type3A_1502 : vector<128x128xf32> to vector<128x128xbf16>
    %get3A_1504 = arith.constant 0 : index
    %get3A_1505 = arith.constant 116 : index
    %get3A_1506 = arith.constant 0 : index
    %get3A_1507 = vector.load %arg1[%get3A_1504, %get3A_1505, %get3A_1506] : memref<1x125x128xi32, #tpu.memory_space<vmem>>, vector<1x1x128xi32>
    %get3A_1508 = vector.shape_cast %get3A_1507 : vector<1x1x128xi32> to vector<1x128xi32>
    %and3A_1509 = arith.constant 255 : i32
    %and3A_1510 = vector.broadcast %and3A_1509 : i32 to vector<1x128xi32>
    %and3A_1511 = arith.andi %get3A_1508, %and3A_1510 : vector<1x128xi32>
    %eq3A_1512 = vector.broadcast %and3A_1511 : vector<1x128xi32> to vector<128x128xi32>
    %eq3A_1513 = arith.cmpi eq, %eq3A_1512, %iota3A : vector<128x128xi32>
    %convert_element_type3A_1514 = arith.extui %eq3A_1513 : vector<128x128xi1> to vector<128x128xi32>
    %convert_element_type3A_1515 = arith.sitofp %convert_element_type3A_1514 : vector<128x128xi32> to vector<128x128xf32>
    %convert_element_type3A_1516 = arith.truncf %convert_element_type3A_1515 : vector<128x128xf32> to vector<128x128xbf16>
    %get3A_1517 = arith.constant 0 : index
    %get3A_1518 = arith.constant 117 : index
    %get3A_1519 = arith.constant 0 : index
    %get3A_1520 = vector.load %arg1[%get3A_1517, %get3A_1518, %get3A_1519] : memref<1x125x128xi32, #tpu.memory_space<vmem>>, vector<1x1x128xi32>
    %get3A_1521 = vector.shape_cast %get3A_1520 : vector<1x1x128xi32> to vector<1x128xi32>
    %and3A_1522 = arith.constant 255 : i32
    %and3A_1523 = vector.broadcast %and3A_1522 : i32 to vector<1x128xi32>
    %and3A_1524 = arith.andi %get3A_1521, %and3A_1523 : vector<1x128xi32>
    %eq3A_1525 = vector.broadcast %and3A_1524 : vector<1x128xi32> to vector<128x128xi32>
    %eq3A_1526 = arith.cmpi eq, %eq3A_1525, %iota3A : vector<128x128xi32>
    %convert_element_type3A_1527 = arith.extui %eq3A_1526 : vector<128x128xi1> to vector<128x128xi32>
    %convert_element_type3A_1528 = arith.sitofp %convert_element_type3A_1527 : vector<128x128xi32> to vector<128x128xf32>
    %convert_element_type3A_1529 = arith.truncf %convert_element_type3A_1528 : vector<128x128xf32> to vector<128x128xbf16>
    %get3A_1530 = arith.constant 0 : index
    %get3A_1531 = arith.constant 118 : index
    %get3A_1532 = arith.constant 0 : index
    %get3A_1533 = vector.load %arg1[%get3A_1530, %get3A_1531, %get3A_1532] : memref<1x125x128xi32, #tpu.memory_space<vmem>>, vector<1x1x128xi32>
    %get3A_1534 = vector.shape_cast %get3A_1533 : vector<1x1x128xi32> to vector<1x128xi32>
    %and3A_1535 = arith.constant 255 : i32
    %and3A_1536 = vector.broadcast %and3A_1535 : i32 to vector<1x128xi32>
    %and3A_1537 = arith.andi %get3A_1534, %and3A_1536 : vector<1x128xi32>
    %eq3A_1538 = vector.broadcast %and3A_1537 : vector<1x128xi32> to vector<128x128xi32>
    %eq3A_1539 = arith.cmpi eq, %eq3A_1538, %iota3A : vector<128x128xi32>
    %convert_element_type3A_1540 = arith.extui %eq3A_1539 : vector<128x128xi1> to vector<128x128xi32>
    %convert_element_type3A_1541 = arith.sitofp %convert_element_type3A_1540 : vector<128x128xi32> to vector<128x128xf32>
    %convert_element_type3A_1542 = arith.truncf %convert_element_type3A_1541 : vector<128x128xf32> to vector<128x128xbf16>
    %get3A_1543 = arith.constant 0 : index
    %get3A_1544 = arith.constant 119 : index
    %get3A_1545 = arith.constant 0 : index
    %get3A_1546 = vector.load %arg1[%get3A_1543, %get3A_1544, %get3A_1545] : memref<1x125x128xi32, #tpu.memory_space<vmem>>, vector<1x1x128xi32>
    %get3A_1547 = vector.shape_cast %get3A_1546 : vector<1x1x128xi32> to vector<1x128xi32>
    %and3A_1548 = arith.constant 255 : i32
    %and3A_1549 = vector.broadcast %and3A_1548 : i32 to vector<1x128xi32>
    %and3A_1550 = arith.andi %get3A_1547, %and3A_1549 : vector<1x128xi32>
    %eq3A_1551 = vector.broadcast %and3A_1550 : vector<1x128xi32> to vector<128x128xi32>
    %eq3A_1552 = arith.cmpi eq, %eq3A_1551, %iota3A : vector<128x128xi32>
    %convert_element_type3A_1553 = arith.extui %eq3A_1552 : vector<128x128xi1> to vector<128x128xi32>
    %convert_element_type3A_1554 = arith.sitofp %convert_element_type3A_1553 : vector<128x128xi32> to vector<128x128xf32>
    %convert_element_type3A_1555 = arith.truncf %convert_element_type3A_1554 : vector<128x128xf32> to vector<128x128xbf16>
    %get3A_1556 = arith.constant 0 : index
    %get3A_1557 = arith.constant 120 : index
    %get3A_1558 = arith.constant 0 : index
    %get3A_1559 = vector.load %arg1[%get3A_1556, %get3A_1557, %get3A_1558] : memref<1x125x128xi32, #tpu.memory_space<vmem>>, vector<1x1x128xi32>
    %get3A_1560 = vector.shape_cast %get3A_1559 : vector<1x1x128xi32> to vector<1x128xi32>
    %and3A_1561 = arith.constant 255 : i32
    %and3A_1562 = vector.broadcast %and3A_1561 : i32 to vector<1x128xi32>
    %and3A_1563 = arith.andi %get3A_1560, %and3A_1562 : vector<1x128xi32>
    %eq3A_1564 = vector.broadcast %and3A_1563 : vector<1x128xi32> to vector<128x128xi32>
    %eq3A_1565 = arith.cmpi eq, %eq3A_1564, %iota3A : vector<128x128xi32>
    %convert_element_type3A_1566 = arith.extui %eq3A_1565 : vector<128x128xi1> to vector<128x128xi32>
    %convert_element_type3A_1567 = arith.sitofp %convert_element_type3A_1566 : vector<128x128xi32> to vector<128x128xf32>
    %convert_element_type3A_1568 = arith.truncf %convert_element_type3A_1567 : vector<128x128xf32> to vector<128x128xbf16>
    %get3A_1569 = arith.constant 0 : index
    %get3A_1570 = arith.constant 121 : index
    %get3A_1571 = arith.constant 0 : index
    %get3A_1572 = vector.load %arg1[%get3A_1569, %get3A_1570, %get3A_1571] : memref<1x125x128xi32, #tpu.memory_space<vmem>>, vector<1x1x128xi32>
    %get3A_1573 = vector.shape_cast %get3A_1572 : vector<1x1x128xi32> to vector<1x128xi32>
    %and3A_1574 = arith.constant 255 : i32
    %and3A_1575 = vector.broadcast %and3A_1574 : i32 to vector<1x128xi32>
    %and3A_1576 = arith.andi %get3A_1573, %and3A_1575 : vector<1x128xi32>
    %eq3A_1577 = vector.broadcast %and3A_1576 : vector<1x128xi32> to vector<128x128xi32>
    %eq3A_1578 = arith.cmpi eq, %eq3A_1577, %iota3A : vector<128x128xi32>
    %convert_element_type3A_1579 = arith.extui %eq3A_1578 : vector<128x128xi1> to vector<128x128xi32>
    %convert_element_type3A_1580 = arith.sitofp %convert_element_type3A_1579 : vector<128x128xi32> to vector<128x128xf32>
    %convert_element_type3A_1581 = arith.truncf %convert_element_type3A_1580 : vector<128x128xf32> to vector<128x128xbf16>
    %get3A_1582 = arith.constant 0 : index
    %get3A_1583 = arith.constant 122 : index
    %get3A_1584 = arith.constant 0 : index
    %get3A_1585 = vector.load %arg1[%get3A_1582, %get3A_1583, %get3A_1584] : memref<1x125x128xi32, #tpu.memory_space<vmem>>, vector<1x1x128xi32>
    %get3A_1586 = vector.shape_cast %get3A_1585 : vector<1x1x128xi32> to vector<1x128xi32>
    %and3A_1587 = arith.constant 255 : i32
    %and3A_1588 = vector.broadcast %and3A_1587 : i32 to vector<1x128xi32>
    %and3A_1589 = arith.andi %get3A_1586, %and3A_1588 : vector<1x128xi32>
    %eq3A_1590 = vector.broadcast %and3A_1589 : vector<1x128xi32> to vector<128x128xi32>
    %eq3A_1591 = arith.cmpi eq, %eq3A_1590, %iota3A : vector<128x128xi32>
    %convert_element_type3A_1592 = arith.extui %eq3A_1591 : vector<128x128xi1> to vector<128x128xi32>
    %convert_element_type3A_1593 = arith.sitofp %convert_element_type3A_1592 : vector<128x128xi32> to vector<128x128xf32>
    %convert_element_type3A_1594 = arith.truncf %convert_element_type3A_1593 : vector<128x128xf32> to vector<128x128xbf16>
    %get3A_1595 = arith.constant 0 : index
    %get3A_1596 = arith.constant 123 : index
    %get3A_1597 = arith.constant 0 : index
    %get3A_1598 = vector.load %arg1[%get3A_1595, %get3A_1596, %get3A_1597] : memref<1x125x128xi32, #tpu.memory_space<vmem>>, vector<1x1x128xi32>
    %get3A_1599 = vector.shape_cast %get3A_1598 : vector<1x1x128xi32> to vector<1x128xi32>
    %and3A_1600 = arith.constant 255 : i32
    %and3A_1601 = vector.broadcast %and3A_1600 : i32 to vector<1x128xi32>
    %and3A_1602 = arith.andi %get3A_1599, %and3A_1601 : vector<1x128xi32>
    %eq3A_1603 = vector.broadcast %and3A_1602 : vector<1x128xi32> to vector<128x128xi32>
    %eq3A_1604 = arith.cmpi eq, %eq3A_1603, %iota3A : vector<128x128xi32>
    %convert_element_type3A_1605 = arith.extui %eq3A_1604 : vector<128x128xi1> to vector<128x128xi32>
    %convert_element_type3A_1606 = arith.sitofp %convert_element_type3A_1605 : vector<128x128xi32> to vector<128x128xf32>
    %convert_element_type3A_1607 = arith.truncf %convert_element_type3A_1606 : vector<128x128xf32> to vector<128x128xbf16>
    %get3A_1608 = arith.constant 0 : index
    %get3A_1609 = arith.constant 124 : index
    %get3A_1610 = arith.constant 0 : index
    %get3A_1611 = vector.load %arg1[%get3A_1608, %get3A_1609, %get3A_1610] : memref<1x125x128xi32, #tpu.memory_space<vmem>>, vector<1x1x128xi32>
    %get3A_1612 = vector.shape_cast %get3A_1611 : vector<1x1x128xi32> to vector<1x128xi32>
    %and3A_1613 = arith.constant 255 : i32
    %and3A_1614 = vector.broadcast %and3A_1613 : i32 to vector<1x128xi32>
    %and3A_1615 = arith.andi %get3A_1612, %and3A_1614 : vector<1x128xi32>
    %eq3A_1616 = vector.broadcast %and3A_1615 : vector<1x128xi32> to vector<128x128xi32>
    %eq3A_1617 = arith.cmpi eq, %eq3A_1616, %iota3A : vector<128x128xi32>
    %convert_element_type3A_1618 = arith.extui %eq3A_1617 : vector<128x128xi1> to vector<128x128xi32>
    %convert_element_type3A_1619 = arith.sitofp %convert_element_type3A_1618 : vector<128x128xi32> to vector<128x128xf32>
    %convert_element_type3A_1620 = arith.truncf %convert_element_type3A_1619 : vector<128x128xf32> to vector<128x128xbf16>
    %concatenate3A = tpu.concatenate %convert_element_type3A_8, %convert_element_type3A_21, %convert_element_type3A_34, %convert_element_type3A_47, %convert_element_type3A_60, %convert_element_type3A_73, %convert_element_type3A_86, %convert_element_type3A_99, %convert_element_type3A_112, %convert_element_type3A_125, %convert_element_type3A_138, %convert_element_type3A_151, %convert_element_type3A_164, %convert_element_type3A_177, %convert_element_type3A_190, %convert_element_type3A_203, %convert_element_type3A_216, %convert_element_type3A_229, %convert_element_type3A_242, %convert_element_type3A_255, %convert_element_type3A_268, %convert_element_type3A_281, %convert_element_type3A_294, %convert_element_type3A_307, %convert_element_type3A_320, %convert_element_type3A_333, %convert_element_type3A_346, %convert_element_type3A_359, %convert_element_type3A_372, %convert_element_type3A_385, %convert_element_type3A_398, %convert_element_type3A_411, %convert_element_type3A_424, %convert_element_type3A_437, %convert_element_type3A_450, %convert_element_type3A_463, %convert_element_type3A_476, %convert_element_type3A_489, %convert_element_type3A_502, %convert_element_type3A_515, %convert_element_type3A_528, %convert_element_type3A_541, %convert_element_type3A_554, %convert_element_type3A_567, %convert_element_type3A_580, %convert_element_type3A_593, %convert_element_type3A_606, %convert_element_type3A_619, %convert_element_type3A_632, %convert_element_type3A_645, %convert_element_type3A_658, %convert_element_type3A_671, %convert_element_type3A_684, %convert_element_type3A_697, %convert_element_type3A_710, %convert_element_type3A_723, %convert_element_type3A_736, %convert_element_type3A_749, %convert_element_type3A_762, %convert_element_type3A_775, %convert_element_type3A_788, %convert_element_type3A_801, %convert_element_type3A_814, %convert_element_type3A_827, %convert_element_type3A_840, %convert_element_type3A_853, %convert_element_type3A_866, %convert_element_type3A_879, %convert_element_type3A_892, %convert_element_type3A_905, %convert_element_type3A_918, %convert_element_type3A_931, %convert_element_type3A_944, %convert_element_type3A_957, %convert_element_type3A_970, %convert_element_type3A_983, %convert_element_type3A_996, %convert_element_type3A_1009, %convert_element_type3A_1022, %convert_element_type3A_1035, %convert_element_type3A_1048, %convert_element_type3A_1061, %convert_element_type3A_1074, %convert_element_type3A_1087, %convert_element_type3A_1100, %convert_element_type3A_1113, %convert_element_type3A_1126, %convert_element_type3A_1139, %convert_element_type3A_1152, %convert_element_type3A_1165, %convert_element_type3A_1178, %convert_element_type3A_1191, %convert_element_type3A_1204, %convert_element_type3A_1217, %convert_element_type3A_1230, %convert_element_type3A_1243, %convert_element_type3A_1256, %convert_element_type3A_1269, %convert_element_type3A_1282, %convert_element_type3A_1295, %convert_element_type3A_1308, %convert_element_type3A_1321, %convert_element_type3A_1334, %convert_element_type3A_1347, %convert_element_type3A_1360, %convert_element_type3A_1373, %convert_element_type3A_1386, %convert_element_type3A_1399, %convert_element_type3A_1412, %convert_element_type3A_1425, %convert_element_type3A_1438, %convert_element_type3A_1451, %convert_element_type3A_1464, %convert_element_type3A_1477, %convert_element_type3A_1490, %convert_element_type3A_1503, %convert_element_type3A_1516, %convert_element_type3A_1529, %convert_element_type3A_1542, %convert_element_type3A_1555, %convert_element_type3A_1568, %convert_element_type3A_1581, %convert_element_type3A_1594, %convert_element_type3A_1607, %convert_element_type3A_1620 in 1 : vector<128x128xbf16>, vector<128x128xbf16>, vector<128x128xbf16>, vector<128x128xbf16>, vector<128x128xbf16>, vector<128x128xbf16>, vector<128x128xbf16>, vector<128x128xbf16>, vector<128x128xbf16>, vector<128x128xbf16>, vector<128x128xbf16>, vector<128x128xbf16>, vector<128x128xbf16>, vector<128x128xbf16>, vector<128x128xbf16>, vector<128x128xbf16>, vector<128x128xbf16>, vector<128x128xbf16>, vector<128x128xbf16>, vector<128x128xbf16>, vector<128x128xbf16>, vector<128x128xbf16>, vector<128x128xbf16>, vector<128x128xbf16>, vector<128x128xbf16>, vector<128x128xbf16>, vector<128x128xbf16>, vector<128x128xbf16>, vector<128x128xbf16>, vector<128x128xbf16>, vector<128x128xbf16>, vector<128x128xbf16>, vector<128x128xbf16>, vector<128x128xbf16>, vector<128x128xbf16>, vector<128x128xbf16>, vector<128x128xbf16>, vector<128x128xbf16>, vector<128x128xbf16>, vector<128x128xbf16>, vector<128x128xbf16>, vector<128x128xbf16>, vector<128x128xbf16>, vector<128x128xbf16>, vector<128x128xbf16>, vector<128x128xbf16>, vector<128x128xbf16>, vector<128x128xbf16>, vector<128x128xbf16>, vector<128x128xbf16>, vector<128x128xbf16>, vector<128x128xbf16>, vector<128x128xbf16>, vector<128x128xbf16>, vector<128x128xbf16>, vector<128x128xbf16>, vector<128x128xbf16>, vector<128x128xbf16>, vector<128x128xbf16>, vector<128x128xbf16>, vector<128x128xbf16>, vector<128x128xbf16>, vector<128x128xbf16>, vector<128x128xbf16>, vector<128x128xbf16>, vector<128x128xbf16>, vector<128x128xbf16>, vector<128x128xbf16>, vector<128x128xbf16>, vector<128x128xbf16>, vector<128x128xbf16>, vector<128x128xbf16>, vector<128x128xbf16>, vector<128x128xbf16>, vector<128x128xbf16>, vector<128x128xbf16>, vector<128x128xbf16>, vector<128x128xbf16>, vector<128x128xbf16>, vector<128x128xbf16>, vector<128x128xbf16>, vector<128x128xbf16>, vector<128x128xbf16>, vector<128x128xbf16>, vector<128x128xbf16>, vector<128x128xbf16>, vector<128x128xbf16>, vector<128x128xbf16>, vector<128x128xbf16>, vector<128x128xbf16>, vector<128x128xbf16>, vector<128x128xbf16>, vector<128x128xbf16>, vector<128x128xbf16>, vector<128x128xbf16>, vector<128x128xbf16>, vector<128x128xbf16>, vector<128x128xbf16>, vector<128x128xbf16>, vector<128x128xbf16>, vector<128x128xbf16>, vector<128x128xbf16>, vector<128x128xbf16>, vector<128x128xbf16>, vector<128x128xbf16>, vector<128x128xbf16>, vector<128x128xbf16>, vector<128x128xbf16>, vector<128x128xbf16>, vector<128x128xbf16>, vector<128x128xbf16>, vector<128x128xbf16>, vector<128x128xbf16>, vector<128x128xbf16>, vector<128x128xbf16>, vector<128x128xbf16>, vector<128x128xbf16>, vector<128x128xbf16>, vector<128x128xbf16>, vector<128x128xbf16>, vector<128x128xbf16>, vector<128x128xbf16>, vector<128x128xbf16>, vector<128x128xbf16>, vector<128x128xbf16> -> vector<128x16000xbf16>
    %get3A_1621 = arith.constant 0 : index
    %get3A_1622 = arith.constant 0 : index
    %get3A_1623 = arith.constant 0 : index
    %get3A_1624 = vector.load %arg1[%get3A_1621, %get3A_1622, %get3A_1623] : memref<1x125x128xi32, #tpu.memory_space<vmem>>, vector<1x1x128xi32>
    %get3A_1625 = vector.shape_cast %get3A_1624 : vector<1x1x128xi32> to vector<1x128xi32>
    %shift_right_arithmetic3A = arith.constant 8 : i32
    %shift_right_arithmetic3A_1626 = vector.broadcast %shift_right_arithmetic3A : i32 to vector<1x128xi32>
    %shift_right_arithmetic3A_1627 = arith.shrsi %get3A_1625, %shift_right_arithmetic3A_1626 : vector<1x128xi32>
    %eq3A_1628 = vector.broadcast %shift_right_arithmetic3A_1627 : vector<1x128xi32> to vector<128x128xi32>
    %eq3A_1629 = arith.cmpi eq, %eq3A_1628, %iota3A : vector<128x128xi32>
    %convert_element_type3A_1630 = arith.extui %eq3A_1629 : vector<128x128xi1> to vector<128x128xi32>
    %convert_element_type3A_1631 = arith.sitofp %convert_element_type3A_1630 : vector<128x128xi32> to vector<128x128xf32>
    %convert_element_type3A_1632 = arith.truncf %convert_element_type3A_1631 : vector<128x128xf32> to vector<128x128xbf16>
    %get3A_1633 = arith.constant 0 : index
    %get3A_1634 = arith.constant 1 : index
    %get3A_1635 = arith.constant 0 : index
    %get3A_1636 = vector.load %arg1[%get3A_1633, %get3A_1634, %get3A_1635] : memref<1x125x128xi32, #tpu.memory_space<vmem>>, vector<1x1x128xi32>
    %get3A_1637 = vector.shape_cast %get3A_1636 : vector<1x1x128xi32> to vector<1x128xi32>
    %shift_right_arithmetic3A_1638 = arith.constant 8 : i32
    %shift_right_arithmetic3A_1639 = vector.broadcast %shift_right_arithmetic3A_1638 : i32 to vector<1x128xi32>
    %shift_right_arithmetic3A_1640 = arith.shrsi %get3A_1637, %shift_right_arithmetic3A_1639 : vector<1x128xi32>
    %eq3A_1641 = vector.broadcast %shift_right_arithmetic3A_1640 : vector<1x128xi32> to vector<128x128xi32>
    %eq3A_1642 = arith.cmpi eq, %eq3A_1641, %iota3A : vector<128x128xi32>
    %convert_element_type3A_1643 = arith.extui %eq3A_1642 : vector<128x128xi1> to vector<128x128xi32>
    %convert_element_type3A_1644 = arith.sitofp %convert_element_type3A_1643 : vector<128x128xi32> to vector<128x128xf32>
    %convert_element_type3A_1645 = arith.truncf %convert_element_type3A_1644 : vector<128x128xf32> to vector<128x128xbf16>
    %get3A_1646 = arith.constant 0 : index
    %get3A_1647 = arith.constant 2 : index
    %get3A_1648 = arith.constant 0 : index
    %get3A_1649 = vector.load %arg1[%get3A_1646, %get3A_1647, %get3A_1648] : memref<1x125x128xi32, #tpu.memory_space<vmem>>, vector<1x1x128xi32>
    %get3A_1650 = vector.shape_cast %get3A_1649 : vector<1x1x128xi32> to vector<1x128xi32>
    %shift_right_arithmetic3A_1651 = arith.constant 8 : i32
    %shift_right_arithmetic3A_1652 = vector.broadcast %shift_right_arithmetic3A_1651 : i32 to vector<1x128xi32>
    %shift_right_arithmetic3A_1653 = arith.shrsi %get3A_1650, %shift_right_arithmetic3A_1652 : vector<1x128xi32>
    %eq3A_1654 = vector.broadcast %shift_right_arithmetic3A_1653 : vector<1x128xi32> to vector<128x128xi32>
    %eq3A_1655 = arith.cmpi eq, %eq3A_1654, %iota3A : vector<128x128xi32>
    %convert_element_type3A_1656 = arith.extui %eq3A_1655 : vector<128x128xi1> to vector<128x128xi32>
    %convert_element_type3A_1657 = arith.sitofp %convert_element_type3A_1656 : vector<128x128xi32> to vector<128x128xf32>
    %convert_element_type3A_1658 = arith.truncf %convert_element_type3A_1657 : vector<128x128xf32> to vector<128x128xbf16>
    %get3A_1659 = arith.constant 0 : index
    %get3A_1660 = arith.constant 3 : index
    %get3A_1661 = arith.constant 0 : index
    %get3A_1662 = vector.load %arg1[%get3A_1659, %get3A_1660, %get3A_1661] : memref<1x125x128xi32, #tpu.memory_space<vmem>>, vector<1x1x128xi32>
    %get3A_1663 = vector.shape_cast %get3A_1662 : vector<1x1x128xi32> to vector<1x128xi32>
    %shift_right_arithmetic3A_1664 = arith.constant 8 : i32
    %shift_right_arithmetic3A_1665 = vector.broadcast %shift_right_arithmetic3A_1664 : i32 to vector<1x128xi32>
    %shift_right_arithmetic3A_1666 = arith.shrsi %get3A_1663, %shift_right_arithmetic3A_1665 : vector<1x128xi32>
    %eq3A_1667 = vector.broadcast %shift_right_arithmetic3A_1666 : vector<1x128xi32> to vector<128x128xi32>
    %eq3A_1668 = arith.cmpi eq, %eq3A_1667, %iota3A : vector<128x128xi32>
    %convert_element_type3A_1669 = arith.extui %eq3A_1668 : vector<128x128xi1> to vector<128x128xi32>
    %convert_element_type3A_1670 = arith.sitofp %convert_element_type3A_1669 : vector<128x128xi32> to vector<128x128xf32>
    %convert_element_type3A_1671 = arith.truncf %convert_element_type3A_1670 : vector<128x128xf32> to vector<128x128xbf16>
    %get3A_1672 = arith.constant 0 : index
    %get3A_1673 = arith.constant 4 : index
    %get3A_1674 = arith.constant 0 : index
    %get3A_1675 = vector.load %arg1[%get3A_1672, %get3A_1673, %get3A_1674] : memref<1x125x128xi32, #tpu.memory_space<vmem>>, vector<1x1x128xi32>
    %get3A_1676 = vector.shape_cast %get3A_1675 : vector<1x1x128xi32> to vector<1x128xi32>
    %shift_right_arithmetic3A_1677 = arith.constant 8 : i32
    %shift_right_arithmetic3A_1678 = vector.broadcast %shift_right_arithmetic3A_1677 : i32 to vector<1x128xi32>
    %shift_right_arithmetic3A_1679 = arith.shrsi %get3A_1676, %shift_right_arithmetic3A_1678 : vector<1x128xi32>
    %eq3A_1680 = vector.broadcast %shift_right_arithmetic3A_1679 : vector<1x128xi32> to vector<128x128xi32>
    %eq3A_1681 = arith.cmpi eq, %eq3A_1680, %iota3A : vector<128x128xi32>
    %convert_element_type3A_1682 = arith.extui %eq3A_1681 : vector<128x128xi1> to vector<128x128xi32>
    %convert_element_type3A_1683 = arith.sitofp %convert_element_type3A_1682 : vector<128x128xi32> to vector<128x128xf32>
    %convert_element_type3A_1684 = arith.truncf %convert_element_type3A_1683 : vector<128x128xf32> to vector<128x128xbf16>
    %get3A_1685 = arith.constant 0 : index
    %get3A_1686 = arith.constant 5 : index
    %get3A_1687 = arith.constant 0 : index
    %get3A_1688 = vector.load %arg1[%get3A_1685, %get3A_1686, %get3A_1687] : memref<1x125x128xi32, #tpu.memory_space<vmem>>, vector<1x1x128xi32>
    %get3A_1689 = vector.shape_cast %get3A_1688 : vector<1x1x128xi32> to vector<1x128xi32>
    %shift_right_arithmetic3A_1690 = arith.constant 8 : i32
    %shift_right_arithmetic3A_1691 = vector.broadcast %shift_right_arithmetic3A_1690 : i32 to vector<1x128xi32>
    %shift_right_arithmetic3A_1692 = arith.shrsi %get3A_1689, %shift_right_arithmetic3A_1691 : vector<1x128xi32>
    %eq3A_1693 = vector.broadcast %shift_right_arithmetic3A_1692 : vector<1x128xi32> to vector<128x128xi32>
    %eq3A_1694 = arith.cmpi eq, %eq3A_1693, %iota3A : vector<128x128xi32>
    %convert_element_type3A_1695 = arith.extui %eq3A_1694 : vector<128x128xi1> to vector<128x128xi32>
    %convert_element_type3A_1696 = arith.sitofp %convert_element_type3A_1695 : vector<128x128xi32> to vector<128x128xf32>
    %convert_element_type3A_1697 = arith.truncf %convert_element_type3A_1696 : vector<128x128xf32> to vector<128x128xbf16>
    %get3A_1698 = arith.constant 0 : index
    %get3A_1699 = arith.constant 6 : index
    %get3A_1700 = arith.constant 0 : index
    %get3A_1701 = vector.load %arg1[%get3A_1698, %get3A_1699, %get3A_1700] : memref<1x125x128xi32, #tpu.memory_space<vmem>>, vector<1x1x128xi32>
    %get3A_1702 = vector.shape_cast %get3A_1701 : vector<1x1x128xi32> to vector<1x128xi32>
    %shift_right_arithmetic3A_1703 = arith.constant 8 : i32
    %shift_right_arithmetic3A_1704 = vector.broadcast %shift_right_arithmetic3A_1703 : i32 to vector<1x128xi32>
    %shift_right_arithmetic3A_1705 = arith.shrsi %get3A_1702, %shift_right_arithmetic3A_1704 : vector<1x128xi32>
    %eq3A_1706 = vector.broadcast %shift_right_arithmetic3A_1705 : vector<1x128xi32> to vector<128x128xi32>
    %eq3A_1707 = arith.cmpi eq, %eq3A_1706, %iota3A : vector<128x128xi32>
    %convert_element_type3A_1708 = arith.extui %eq3A_1707 : vector<128x128xi1> to vector<128x128xi32>
    %convert_element_type3A_1709 = arith.sitofp %convert_element_type3A_1708 : vector<128x128xi32> to vector<128x128xf32>
    %convert_element_type3A_1710 = arith.truncf %convert_element_type3A_1709 : vector<128x128xf32> to vector<128x128xbf16>
    %get3A_1711 = arith.constant 0 : index
    %get3A_1712 = arith.constant 7 : index
    %get3A_1713 = arith.constant 0 : index
    %get3A_1714 = vector.load %arg1[%get3A_1711, %get3A_1712, %get3A_1713] : memref<1x125x128xi32, #tpu.memory_space<vmem>>, vector<1x1x128xi32>
    %get3A_1715 = vector.shape_cast %get3A_1714 : vector<1x1x128xi32> to vector<1x128xi32>
    %shift_right_arithmetic3A_1716 = arith.constant 8 : i32
    %shift_right_arithmetic3A_1717 = vector.broadcast %shift_right_arithmetic3A_1716 : i32 to vector<1x128xi32>
    %shift_right_arithmetic3A_1718 = arith.shrsi %get3A_1715, %shift_right_arithmetic3A_1717 : vector<1x128xi32>
    %eq3A_1719 = vector.broadcast %shift_right_arithmetic3A_1718 : vector<1x128xi32> to vector<128x128xi32>
    %eq3A_1720 = arith.cmpi eq, %eq3A_1719, %iota3A : vector<128x128xi32>
    %convert_element_type3A_1721 = arith.extui %eq3A_1720 : vector<128x128xi1> to vector<128x128xi32>
    %convert_element_type3A_1722 = arith.sitofp %convert_element_type3A_1721 : vector<128x128xi32> to vector<128x128xf32>
    %convert_element_type3A_1723 = arith.truncf %convert_element_type3A_1722 : vector<128x128xf32> to vector<128x128xbf16>
    %get3A_1724 = arith.constant 0 : index
    %get3A_1725 = arith.constant 8 : index
    %get3A_1726 = arith.constant 0 : index
    %get3A_1727 = vector.load %arg1[%get3A_1724, %get3A_1725, %get3A_1726] : memref<1x125x128xi32, #tpu.memory_space<vmem>>, vector<1x1x128xi32>
    %get3A_1728 = vector.shape_cast %get3A_1727 : vector<1x1x128xi32> to vector<1x128xi32>
    %shift_right_arithmetic3A_1729 = arith.constant 8 : i32
    %shift_right_arithmetic3A_1730 = vector.broadcast %shift_right_arithmetic3A_1729 : i32 to vector<1x128xi32>
    %shift_right_arithmetic3A_1731 = arith.shrsi %get3A_1728, %shift_right_arithmetic3A_1730 : vector<1x128xi32>
    %eq3A_1732 = vector.broadcast %shift_right_arithmetic3A_1731 : vector<1x128xi32> to vector<128x128xi32>
    %eq3A_1733 = arith.cmpi eq, %eq3A_1732, %iota3A : vector<128x128xi32>
    %convert_element_type3A_1734 = arith.extui %eq3A_1733 : vector<128x128xi1> to vector<128x128xi32>
    %convert_element_type3A_1735 = arith.sitofp %convert_element_type3A_1734 : vector<128x128xi32> to vector<128x128xf32>
    %convert_element_type3A_1736 = arith.truncf %convert_element_type3A_1735 : vector<128x128xf32> to vector<128x128xbf16>
    %get3A_1737 = arith.constant 0 : index
    %get3A_1738 = arith.constant 9 : index
    %get3A_1739 = arith.constant 0 : index
    %get3A_1740 = vector.load %arg1[%get3A_1737, %get3A_1738, %get3A_1739] : memref<1x125x128xi32, #tpu.memory_space<vmem>>, vector<1x1x128xi32>
    %get3A_1741 = vector.shape_cast %get3A_1740 : vector<1x1x128xi32> to vector<1x128xi32>
    %shift_right_arithmetic3A_1742 = arith.constant 8 : i32
    %shift_right_arithmetic3A_1743 = vector.broadcast %shift_right_arithmetic3A_1742 : i32 to vector<1x128xi32>
    %shift_right_arithmetic3A_1744 = arith.shrsi %get3A_1741, %shift_right_arithmetic3A_1743 : vector<1x128xi32>
    %eq3A_1745 = vector.broadcast %shift_right_arithmetic3A_1744 : vector<1x128xi32> to vector<128x128xi32>
    %eq3A_1746 = arith.cmpi eq, %eq3A_1745, %iota3A : vector<128x128xi32>
    %convert_element_type3A_1747 = arith.extui %eq3A_1746 : vector<128x128xi1> to vector<128x128xi32>
    %convert_element_type3A_1748 = arith.sitofp %convert_element_type3A_1747 : vector<128x128xi32> to vector<128x128xf32>
    %convert_element_type3A_1749 = arith.truncf %convert_element_type3A_1748 : vector<128x128xf32> to vector<128x128xbf16>
    %get3A_1750 = arith.constant 0 : index
    %get3A_1751 = arith.constant 10 : index
    %get3A_1752 = arith.constant 0 : index
    %get3A_1753 = vector.load %arg1[%get3A_1750, %get3A_1751, %get3A_1752] : memref<1x125x128xi32, #tpu.memory_space<vmem>>, vector<1x1x128xi32>
    %get3A_1754 = vector.shape_cast %get3A_1753 : vector<1x1x128xi32> to vector<1x128xi32>
    %shift_right_arithmetic3A_1755 = arith.constant 8 : i32
    %shift_right_arithmetic3A_1756 = vector.broadcast %shift_right_arithmetic3A_1755 : i32 to vector<1x128xi32>
    %shift_right_arithmetic3A_1757 = arith.shrsi %get3A_1754, %shift_right_arithmetic3A_1756 : vector<1x128xi32>
    %eq3A_1758 = vector.broadcast %shift_right_arithmetic3A_1757 : vector<1x128xi32> to vector<128x128xi32>
    %eq3A_1759 = arith.cmpi eq, %eq3A_1758, %iota3A : vector<128x128xi32>
    %convert_element_type3A_1760 = arith.extui %eq3A_1759 : vector<128x128xi1> to vector<128x128xi32>
    %convert_element_type3A_1761 = arith.sitofp %convert_element_type3A_1760 : vector<128x128xi32> to vector<128x128xf32>
    %convert_element_type3A_1762 = arith.truncf %convert_element_type3A_1761 : vector<128x128xf32> to vector<128x128xbf16>
    %get3A_1763 = arith.constant 0 : index
    %get3A_1764 = arith.constant 11 : index
    %get3A_1765 = arith.constant 0 : index
    %get3A_1766 = vector.load %arg1[%get3A_1763, %get3A_1764, %get3A_1765] : memref<1x125x128xi32, #tpu.memory_space<vmem>>, vector<1x1x128xi32>
    %get3A_1767 = vector.shape_cast %get3A_1766 : vector<1x1x128xi32> to vector<1x128xi32>
    %shift_right_arithmetic3A_1768 = arith.constant 8 : i32
    %shift_right_arithmetic3A_1769 = vector.broadcast %shift_right_arithmetic3A_1768 : i32 to vector<1x128xi32>
    %shift_right_arithmetic3A_1770 = arith.shrsi %get3A_1767, %shift_right_arithmetic3A_1769 : vector<1x128xi32>
    %eq3A_1771 = vector.broadcast %shift_right_arithmetic3A_1770 : vector<1x128xi32> to vector<128x128xi32>
    %eq3A_1772 = arith.cmpi eq, %eq3A_1771, %iota3A : vector<128x128xi32>
    %convert_element_type3A_1773 = arith.extui %eq3A_1772 : vector<128x128xi1> to vector<128x128xi32>
    %convert_element_type3A_1774 = arith.sitofp %convert_element_type3A_1773 : vector<128x128xi32> to vector<128x128xf32>
    %convert_element_type3A_1775 = arith.truncf %convert_element_type3A_1774 : vector<128x128xf32> to vector<128x128xbf16>
    %get3A_1776 = arith.constant 0 : index
    %get3A_1777 = arith.constant 12 : index
    %get3A_1778 = arith.constant 0 : index
    %get3A_1779 = vector.load %arg1[%get3A_1776, %get3A_1777, %get3A_1778] : memref<1x125x128xi32, #tpu.memory_space<vmem>>, vector<1x1x128xi32>
    %get3A_1780 = vector.shape_cast %get3A_1779 : vector<1x1x128xi32> to vector<1x128xi32>
    %shift_right_arithmetic3A_1781 = arith.constant 8 : i32
    %shift_right_arithmetic3A_1782 = vector.broadcast %shift_right_arithmetic3A_1781 : i32 to vector<1x128xi32>
    %shift_right_arithmetic3A_1783 = arith.shrsi %get3A_1780, %shift_right_arithmetic3A_1782 : vector<1x128xi32>
    %eq3A_1784 = vector.broadcast %shift_right_arithmetic3A_1783 : vector<1x128xi32> to vector<128x128xi32>
    %eq3A_1785 = arith.cmpi eq, %eq3A_1784, %iota3A : vector<128x128xi32>
    %convert_element_type3A_1786 = arith.extui %eq3A_1785 : vector<128x128xi1> to vector<128x128xi32>
    %convert_element_type3A_1787 = arith.sitofp %convert_element_type3A_1786 : vector<128x128xi32> to vector<128x128xf32>
    %convert_element_type3A_1788 = arith.truncf %convert_element_type3A_1787 : vector<128x128xf32> to vector<128x128xbf16>
    %get3A_1789 = arith.constant 0 : index
    %get3A_1790 = arith.constant 13 : index
    %get3A_1791 = arith.constant 0 : index
    %get3A_1792 = vector.load %arg1[%get3A_1789, %get3A_1790, %get3A_1791] : memref<1x125x128xi32, #tpu.memory_space<vmem>>, vector<1x1x128xi32>
    %get3A_1793 = vector.shape_cast %get3A_1792 : vector<1x1x128xi32> to vector<1x128xi32>
    %shift_right_arithmetic3A_1794 = arith.constant 8 : i32
    %shift_right_arithmetic3A_1795 = vector.broadcast %shift_right_arithmetic3A_1794 : i32 to vector<1x128xi32>
    %shift_right_arithmetic3A_1796 = arith.shrsi %get3A_1793, %shift_right_arithmetic3A_1795 : vector<1x128xi32>
    %eq3A_1797 = vector.broadcast %shift_right_arithmetic3A_1796 : vector<1x128xi32> to vector<128x128xi32>
    %eq3A_1798 = arith.cmpi eq, %eq3A_1797, %iota3A : vector<128x128xi32>
    %convert_element_type3A_1799 = arith.extui %eq3A_1798 : vector<128x128xi1> to vector<128x128xi32>
    %convert_element_type3A_1800 = arith.sitofp %convert_element_type3A_1799 : vector<128x128xi32> to vector<128x128xf32>
    %convert_element_type3A_1801 = arith.truncf %convert_element_type3A_1800 : vector<128x128xf32> to vector<128x128xbf16>
    %get3A_1802 = arith.constant 0 : index
    %get3A_1803 = arith.constant 14 : index
    %get3A_1804 = arith.constant 0 : index
    %get3A_1805 = vector.load %arg1[%get3A_1802, %get3A_1803, %get3A_1804] : memref<1x125x128xi32, #tpu.memory_space<vmem>>, vector<1x1x128xi32>
    %get3A_1806 = vector.shape_cast %get3A_1805 : vector<1x1x128xi32> to vector<1x128xi32>
    %shift_right_arithmetic3A_1807 = arith.constant 8 : i32
    %shift_right_arithmetic3A_1808 = vector.broadcast %shift_right_arithmetic3A_1807 : i32 to vector<1x128xi32>
    %shift_right_arithmetic3A_1809 = arith.shrsi %get3A_1806, %shift_right_arithmetic3A_1808 : vector<1x128xi32>
    %eq3A_1810 = vector.broadcast %shift_right_arithmetic3A_1809 : vector<1x128xi32> to vector<128x128xi32>
    %eq3A_1811 = arith.cmpi eq, %eq3A_1810, %iota3A : vector<128x128xi32>
    %convert_element_type3A_1812 = arith.extui %eq3A_1811 : vector<128x128xi1> to vector<128x128xi32>
    %convert_element_type3A_1813 = arith.sitofp %convert_element_type3A_1812 : vector<128x128xi32> to vector<128x128xf32>
    %convert_element_type3A_1814 = arith.truncf %convert_element_type3A_1813 : vector<128x128xf32> to vector<128x128xbf16>
    %get3A_1815 = arith.constant 0 : index
    %get3A_1816 = arith.constant 15 : index
    %get3A_1817 = arith.constant 0 : index
    %get3A_1818 = vector.load %arg1[%get3A_1815, %get3A_1816, %get3A_1817] : memref<1x125x128xi32, #tpu.memory_space<vmem>>, vector<1x1x128xi32>
    %get3A_1819 = vector.shape_cast %get3A_1818 : vector<1x1x128xi32> to vector<1x128xi32>
    %shift_right_arithmetic3A_1820 = arith.constant 8 : i32
    %shift_right_arithmetic3A_1821 = vector.broadcast %shift_right_arithmetic3A_1820 : i32 to vector<1x128xi32>
    %shift_right_arithmetic3A_1822 = arith.shrsi %get3A_1819, %shift_right_arithmetic3A_1821 : vector<1x128xi32>
    %eq3A_1823 = vector.broadcast %shift_right_arithmetic3A_1822 : vector<1x128xi32> to vector<128x128xi32>
    %eq3A_1824 = arith.cmpi eq, %eq3A_1823, %iota3A : vector<128x128xi32>
    %convert_element_type3A_1825 = arith.extui %eq3A_1824 : vector<128x128xi1> to vector<128x128xi32>
    %convert_element_type3A_1826 = arith.sitofp %convert_element_type3A_1825 : vector<128x128xi32> to vector<128x128xf32>
    %convert_element_type3A_1827 = arith.truncf %convert_element_type3A_1826 : vector<128x128xf32> to vector<128x128xbf16>
    %get3A_1828 = arith.constant 0 : index
    %get3A_1829 = arith.constant 16 : index
    %get3A_1830 = arith.constant 0 : index
    %get3A_1831 = vector.load %arg1[%get3A_1828, %get3A_1829, %get3A_1830] : memref<1x125x128xi32, #tpu.memory_space<vmem>>, vector<1x1x128xi32>
    %get3A_1832 = vector.shape_cast %get3A_1831 : vector<1x1x128xi32> to vector<1x128xi32>
    %shift_right_arithmetic3A_1833 = arith.constant 8 : i32
    %shift_right_arithmetic3A_1834 = vector.broadcast %shift_right_arithmetic3A_1833 : i32 to vector<1x128xi32>
    %shift_right_arithmetic3A_1835 = arith.shrsi %get3A_1832, %shift_right_arithmetic3A_1834 : vector<1x128xi32>
    %eq3A_1836 = vector.broadcast %shift_right_arithmetic3A_1835 : vector<1x128xi32> to vector<128x128xi32>
    %eq3A_1837 = arith.cmpi eq, %eq3A_1836, %iota3A : vector<128x128xi32>
    %convert_element_type3A_1838 = arith.extui %eq3A_1837 : vector<128x128xi1> to vector<128x128xi32>
    %convert_element_type3A_1839 = arith.sitofp %convert_element_type3A_1838 : vector<128x128xi32> to vector<128x128xf32>
    %convert_element_type3A_1840 = arith.truncf %convert_element_type3A_1839 : vector<128x128xf32> to vector<128x128xbf16>
    %get3A_1841 = arith.constant 0 : index
    %get3A_1842 = arith.constant 17 : index
    %get3A_1843 = arith.constant 0 : index
    %get3A_1844 = vector.load %arg1[%get3A_1841, %get3A_1842, %get3A_1843] : memref<1x125x128xi32, #tpu.memory_space<vmem>>, vector<1x1x128xi32>
    %get3A_1845 = vector.shape_cast %get3A_1844 : vector<1x1x128xi32> to vector<1x128xi32>
    %shift_right_arithmetic3A_1846 = arith.constant 8 : i32
    %shift_right_arithmetic3A_1847 = vector.broadcast %shift_right_arithmetic3A_1846 : i32 to vector<1x128xi32>
    %shift_right_arithmetic3A_1848 = arith.shrsi %get3A_1845, %shift_right_arithmetic3A_1847 : vector<1x128xi32>
    %eq3A_1849 = vector.broadcast %shift_right_arithmetic3A_1848 : vector<1x128xi32> to vector<128x128xi32>
    %eq3A_1850 = arith.cmpi eq, %eq3A_1849, %iota3A : vector<128x128xi32>
    %convert_element_type3A_1851 = arith.extui %eq3A_1850 : vector<128x128xi1> to vector<128x128xi32>
    %convert_element_type3A_1852 = arith.sitofp %convert_element_type3A_1851 : vector<128x128xi32> to vector<128x128xf32>
    %convert_element_type3A_1853 = arith.truncf %convert_element_type3A_1852 : vector<128x128xf32> to vector<128x128xbf16>
    %get3A_1854 = arith.constant 0 : index
    %get3A_1855 = arith.constant 18 : index
    %get3A_1856 = arith.constant 0 : index
    %get3A_1857 = vector.load %arg1[%get3A_1854, %get3A_1855, %get3A_1856] : memref<1x125x128xi32, #tpu.memory_space<vmem>>, vector<1x1x128xi32>
    %get3A_1858 = vector.shape_cast %get3A_1857 : vector<1x1x128xi32> to vector<1x128xi32>
    %shift_right_arithmetic3A_1859 = arith.constant 8 : i32
    %shift_right_arithmetic3A_1860 = vector.broadcast %shift_right_arithmetic3A_1859 : i32 to vector<1x128xi32>
    %shift_right_arithmetic3A_1861 = arith.shrsi %get3A_1858, %shift_right_arithmetic3A_1860 : vector<1x128xi32>
    %eq3A_1862 = vector.broadcast %shift_right_arithmetic3A_1861 : vector<1x128xi32> to vector<128x128xi32>
    %eq3A_1863 = arith.cmpi eq, %eq3A_1862, %iota3A : vector<128x128xi32>
    %convert_element_type3A_1864 = arith.extui %eq3A_1863 : vector<128x128xi1> to vector<128x128xi32>
    %convert_element_type3A_1865 = arith.sitofp %convert_element_type3A_1864 : vector<128x128xi32> to vector<128x128xf32>
    %convert_element_type3A_1866 = arith.truncf %convert_element_type3A_1865 : vector<128x128xf32> to vector<128x128xbf16>
    %get3A_1867 = arith.constant 0 : index
    %get3A_1868 = arith.constant 19 : index
    %get3A_1869 = arith.constant 0 : index
    %get3A_1870 = vector.load %arg1[%get3A_1867, %get3A_1868, %get3A_1869] : memref<1x125x128xi32, #tpu.memory_space<vmem>>, vector<1x1x128xi32>
    %get3A_1871 = vector.shape_cast %get3A_1870 : vector<1x1x128xi32> to vector<1x128xi32>
    %shift_right_arithmetic3A_1872 = arith.constant 8 : i32
    %shift_right_arithmetic3A_1873 = vector.broadcast %shift_right_arithmetic3A_1872 : i32 to vector<1x128xi32>
    %shift_right_arithmetic3A_1874 = arith.shrsi %get3A_1871, %shift_right_arithmetic3A_1873 : vector<1x128xi32>
    %eq3A_1875 = vector.broadcast %shift_right_arithmetic3A_1874 : vector<1x128xi32> to vector<128x128xi32>
    %eq3A_1876 = arith.cmpi eq, %eq3A_1875, %iota3A : vector<128x128xi32>
    %convert_element_type3A_1877 = arith.extui %eq3A_1876 : vector<128x128xi1> to vector<128x128xi32>
    %convert_element_type3A_1878 = arith.sitofp %convert_element_type3A_1877 : vector<128x128xi32> to vector<128x128xf32>
    %convert_element_type3A_1879 = arith.truncf %convert_element_type3A_1878 : vector<128x128xf32> to vector<128x128xbf16>
    %get3A_1880 = arith.constant 0 : index
    %get3A_1881 = arith.constant 20 : index
    %get3A_1882 = arith.constant 0 : index
    %get3A_1883 = vector.load %arg1[%get3A_1880, %get3A_1881, %get3A_1882] : memref<1x125x128xi32, #tpu.memory_space<vmem>>, vector<1x1x128xi32>
    %get3A_1884 = vector.shape_cast %get3A_1883 : vector<1x1x128xi32> to vector<1x128xi32>
    %shift_right_arithmetic3A_1885 = arith.constant 8 : i32
    %shift_right_arithmetic3A_1886 = vector.broadcast %shift_right_arithmetic3A_1885 : i32 to vector<1x128xi32>
    %shift_right_arithmetic3A_1887 = arith.shrsi %get3A_1884, %shift_right_arithmetic3A_1886 : vector<1x128xi32>
    %eq3A_1888 = vector.broadcast %shift_right_arithmetic3A_1887 : vector<1x128xi32> to vector<128x128xi32>
    %eq3A_1889 = arith.cmpi eq, %eq3A_1888, %iota3A : vector<128x128xi32>
    %convert_element_type3A_1890 = arith.extui %eq3A_1889 : vector<128x128xi1> to vector<128x128xi32>
    %convert_element_type3A_1891 = arith.sitofp %convert_element_type3A_1890 : vector<128x128xi32> to vector<128x128xf32>
    %convert_element_type3A_1892 = arith.truncf %convert_element_type3A_1891 : vector<128x128xf32> to vector<128x128xbf16>
    %get3A_1893 = arith.constant 0 : index
    %get3A_1894 = arith.constant 21 : index
    %get3A_1895 = arith.constant 0 : index
    %get3A_1896 = vector.load %arg1[%get3A_1893, %get3A_1894, %get3A_1895] : memref<1x125x128xi32, #tpu.memory_space<vmem>>, vector<1x1x128xi32>
    %get3A_1897 = vector.shape_cast %get3A_1896 : vector<1x1x128xi32> to vector<1x128xi32>
    %shift_right_arithmetic3A_1898 = arith.constant 8 : i32
    %shift_right_arithmetic3A_1899 = vector.broadcast %shift_right_arithmetic3A_1898 : i32 to vector<1x128xi32>
    %shift_right_arithmetic3A_1900 = arith.shrsi %get3A_1897, %shift_right_arithmetic3A_1899 : vector<1x128xi32>
    %eq3A_1901 = vector.broadcast %shift_right_arithmetic3A_1900 : vector<1x128xi32> to vector<128x128xi32>
    %eq3A_1902 = arith.cmpi eq, %eq3A_1901, %iota3A : vector<128x128xi32>
    %convert_element_type3A_1903 = arith.extui %eq3A_1902 : vector<128x128xi1> to vector<128x128xi32>
    %convert_element_type3A_1904 = arith.sitofp %convert_element_type3A_1903 : vector<128x128xi32> to vector<128x128xf32>
    %convert_element_type3A_1905 = arith.truncf %convert_element_type3A_1904 : vector<128x128xf32> to vector<128x128xbf16>
    %get3A_1906 = arith.constant 0 : index
    %get3A_1907 = arith.constant 22 : index
    %get3A_1908 = arith.constant 0 : index
    %get3A_1909 = vector.load %arg1[%get3A_1906, %get3A_1907, %get3A_1908] : memref<1x125x128xi32, #tpu.memory_space<vmem>>, vector<1x1x128xi32>
    %get3A_1910 = vector.shape_cast %get3A_1909 : vector<1x1x128xi32> to vector<1x128xi32>
    %shift_right_arithmetic3A_1911 = arith.constant 8 : i32
    %shift_right_arithmetic3A_1912 = vector.broadcast %shift_right_arithmetic3A_1911 : i32 to vector<1x128xi32>
    %shift_right_arithmetic3A_1913 = arith.shrsi %get3A_1910, %shift_right_arithmetic3A_1912 : vector<1x128xi32>
    %eq3A_1914 = vector.broadcast %shift_right_arithmetic3A_1913 : vector<1x128xi32> to vector<128x128xi32>
    %eq3A_1915 = arith.cmpi eq, %eq3A_1914, %iota3A : vector<128x128xi32>
    %convert_element_type3A_1916 = arith.extui %eq3A_1915 : vector<128x128xi1> to vector<128x128xi32>
    %convert_element_type3A_1917 = arith.sitofp %convert_element_type3A_1916 : vector<128x128xi32> to vector<128x128xf32>
    %convert_element_type3A_1918 = arith.truncf %convert_element_type3A_1917 : vector<128x128xf32> to vector<128x128xbf16>
    %get3A_1919 = arith.constant 0 : index
    %get3A_1920 = arith.constant 23 : index
    %get3A_1921 = arith.constant 0 : index
    %get3A_1922 = vector.load %arg1[%get3A_1919, %get3A_1920, %get3A_1921] : memref<1x125x128xi32, #tpu.memory_space<vmem>>, vector<1x1x128xi32>
    %get3A_1923 = vector.shape_cast %get3A_1922 : vector<1x1x128xi32> to vector<1x128xi32>
    %shift_right_arithmetic3A_1924 = arith.constant 8 : i32
    %shift_right_arithmetic3A_1925 = vector.broadcast %shift_right_arithmetic3A_1924 : i32 to vector<1x128xi32>
    %shift_right_arithmetic3A_1926 = arith.shrsi %get3A_1923, %shift_right_arithmetic3A_1925 : vector<1x128xi32>
    %eq3A_1927 = vector.broadcast %shift_right_arithmetic3A_1926 : vector<1x128xi32> to vector<128x128xi32>
    %eq3A_1928 = arith.cmpi eq, %eq3A_1927, %iota3A : vector<128x128xi32>
    %convert_element_type3A_1929 = arith.extui %eq3A_1928 : vector<128x128xi1> to vector<128x128xi32>
    %convert_element_type3A_1930 = arith.sitofp %convert_element_type3A_1929 : vector<128x128xi32> to vector<128x128xf32>
    %convert_element_type3A_1931 = arith.truncf %convert_element_type3A_1930 : vector<128x128xf32> to vector<128x128xbf16>
    %get3A_1932 = arith.constant 0 : index
    %get3A_1933 = arith.constant 24 : index
    %get3A_1934 = arith.constant 0 : index
    %get3A_1935 = vector.load %arg1[%get3A_1932, %get3A_1933, %get3A_1934] : memref<1x125x128xi32, #tpu.memory_space<vmem>>, vector<1x1x128xi32>
    %get3A_1936 = vector.shape_cast %get3A_1935 : vector<1x1x128xi32> to vector<1x128xi32>
    %shift_right_arithmetic3A_1937 = arith.constant 8 : i32
    %shift_right_arithmetic3A_1938 = vector.broadcast %shift_right_arithmetic3A_1937 : i32 to vector<1x128xi32>
    %shift_right_arithmetic3A_1939 = arith.shrsi %get3A_1936, %shift_right_arithmetic3A_1938 : vector<1x128xi32>
    %eq3A_1940 = vector.broadcast %shift_right_arithmetic3A_1939 : vector<1x128xi32> to vector<128x128xi32>
    %eq3A_1941 = arith.cmpi eq, %eq3A_1940, %iota3A : vector<128x128xi32>
    %convert_element_type3A_1942 = arith.extui %eq3A_1941 : vector<128x128xi1> to vector<128x128xi32>
    %convert_element_type3A_1943 = arith.sitofp %convert_element_type3A_1942 : vector<128x128xi32> to vector<128x128xf32>
    %convert_element_type3A_1944 = arith.truncf %convert_element_type3A_1943 : vector<128x128xf32> to vector<128x128xbf16>
    %get3A_1945 = arith.constant 0 : index
    %get3A_1946 = arith.constant 25 : index
    %get3A_1947 = arith.constant 0 : index
    %get3A_1948 = vector.load %arg1[%get3A_1945, %get3A_1946, %get3A_1947] : memref<1x125x128xi32, #tpu.memory_space<vmem>>, vector<1x1x128xi32>
    %get3A_1949 = vector.shape_cast %get3A_1948 : vector<1x1x128xi32> to vector<1x128xi32>
    %shift_right_arithmetic3A_1950 = arith.constant 8 : i32
    %shift_right_arithmetic3A_1951 = vector.broadcast %shift_right_arithmetic3A_1950 : i32 to vector<1x128xi32>
    %shift_right_arithmetic3A_1952 = arith.shrsi %get3A_1949, %shift_right_arithmetic3A_1951 : vector<1x128xi32>
    %eq3A_1953 = vector.broadcast %shift_right_arithmetic3A_1952 : vector<1x128xi32> to vector<128x128xi32>
    %eq3A_1954 = arith.cmpi eq, %eq3A_1953, %iota3A : vector<128x128xi32>
    %convert_element_type3A_1955 = arith.extui %eq3A_1954 : vector<128x128xi1> to vector<128x128xi32>
    %convert_element_type3A_1956 = arith.sitofp %convert_element_type3A_1955 : vector<128x128xi32> to vector<128x128xf32>
    %convert_element_type3A_1957 = arith.truncf %convert_element_type3A_1956 : vector<128x128xf32> to vector<128x128xbf16>
    %get3A_1958 = arith.constant 0 : index
    %get3A_1959 = arith.constant 26 : index
    %get3A_1960 = arith.constant 0 : index
    %get3A_1961 = vector.load %arg1[%get3A_1958, %get3A_1959, %get3A_1960] : memref<1x125x128xi32, #tpu.memory_space<vmem>>, vector<1x1x128xi32>
    %get3A_1962 = vector.shape_cast %get3A_1961 : vector<1x1x128xi32> to vector<1x128xi32>
    %shift_right_arithmetic3A_1963 = arith.constant 8 : i32
    %shift_right_arithmetic3A_1964 = vector.broadcast %shift_right_arithmetic3A_1963 : i32 to vector<1x128xi32>
    %shift_right_arithmetic3A_1965 = arith.shrsi %get3A_1962, %shift_right_arithmetic3A_1964 : vector<1x128xi32>
    %eq3A_1966 = vector.broadcast %shift_right_arithmetic3A_1965 : vector<1x128xi32> to vector<128x128xi32>
    %eq3A_1967 = arith.cmpi eq, %eq3A_1966, %iota3A : vector<128x128xi32>
    %convert_element_type3A_1968 = arith.extui %eq3A_1967 : vector<128x128xi1> to vector<128x128xi32>
    %convert_element_type3A_1969 = arith.sitofp %convert_element_type3A_1968 : vector<128x128xi32> to vector<128x128xf32>
    %convert_element_type3A_1970 = arith.truncf %convert_element_type3A_1969 : vector<128x128xf32> to vector<128x128xbf16>
    %get3A_1971 = arith.constant 0 : index
    %get3A_1972 = arith.constant 27 : index
    %get3A_1973 = arith.constant 0 : index
    %get3A_1974 = vector.load %arg1[%get3A_1971, %get3A_1972, %get3A_1973] : memref<1x125x128xi32, #tpu.memory_space<vmem>>, vector<1x1x128xi32>
    %get3A_1975 = vector.shape_cast %get3A_1974 : vector<1x1x128xi32> to vector<1x128xi32>
    %shift_right_arithmetic3A_1976 = arith.constant 8 : i32
    %shift_right_arithmetic3A_1977 = vector.broadcast %shift_right_arithmetic3A_1976 : i32 to vector<1x128xi32>
    %shift_right_arithmetic3A_1978 = arith.shrsi %get3A_1975, %shift_right_arithmetic3A_1977 : vector<1x128xi32>
    %eq3A_1979 = vector.broadcast %shift_right_arithmetic3A_1978 : vector<1x128xi32> to vector<128x128xi32>
    %eq3A_1980 = arith.cmpi eq, %eq3A_1979, %iota3A : vector<128x128xi32>
    %convert_element_type3A_1981 = arith.extui %eq3A_1980 : vector<128x128xi1> to vector<128x128xi32>
    %convert_element_type3A_1982 = arith.sitofp %convert_element_type3A_1981 : vector<128x128xi32> to vector<128x128xf32>
    %convert_element_type3A_1983 = arith.truncf %convert_element_type3A_1982 : vector<128x128xf32> to vector<128x128xbf16>
    %get3A_1984 = arith.constant 0 : index
    %get3A_1985 = arith.constant 28 : index
    %get3A_1986 = arith.constant 0 : index
    %get3A_1987 = vector.load %arg1[%get3A_1984, %get3A_1985, %get3A_1986] : memref<1x125x128xi32, #tpu.memory_space<vmem>>, vector<1x1x128xi32>
    %get3A_1988 = vector.shape_cast %get3A_1987 : vector<1x1x128xi32> to vector<1x128xi32>
    %shift_right_arithmetic3A_1989 = arith.constant 8 : i32
    %shift_right_arithmetic3A_1990 = vector.broadcast %shift_right_arithmetic3A_1989 : i32 to vector<1x128xi32>
    %shift_right_arithmetic3A_1991 = arith.shrsi %get3A_1988, %shift_right_arithmetic3A_1990 : vector<1x128xi32>
    %eq3A_1992 = vector.broadcast %shift_right_arithmetic3A_1991 : vector<1x128xi32> to vector<128x128xi32>
    %eq3A_1993 = arith.cmpi eq, %eq3A_1992, %iota3A : vector<128x128xi32>
    %convert_element_type3A_1994 = arith.extui %eq3A_1993 : vector<128x128xi1> to vector<128x128xi32>
    %convert_element_type3A_1995 = arith.sitofp %convert_element_type3A_1994 : vector<128x128xi32> to vector<128x128xf32>
    %convert_element_type3A_1996 = arith.truncf %convert_element_type3A_1995 : vector<128x128xf32> to vector<128x128xbf16>
    %get3A_1997 = arith.constant 0 : index
    %get3A_1998 = arith.constant 29 : index
    %get3A_1999 = arith.constant 0 : index
    %get3A_2000 = vector.load %arg1[%get3A_1997, %get3A_1998, %get3A_1999] : memref<1x125x128xi32, #tpu.memory_space<vmem>>, vector<1x1x128xi32>
    %get3A_2001 = vector.shape_cast %get3A_2000 : vector<1x1x128xi32> to vector<1x128xi32>
    %shift_right_arithmetic3A_2002 = arith.constant 8 : i32
    %shift_right_arithmetic3A_2003 = vector.broadcast %shift_right_arithmetic3A_2002 : i32 to vector<1x128xi32>
    %shift_right_arithmetic3A_2004 = arith.shrsi %get3A_2001, %shift_right_arithmetic3A_2003 : vector<1x128xi32>
    %eq3A_2005 = vector.broadcast %shift_right_arithmetic3A_2004 : vector<1x128xi32> to vector<128x128xi32>
    %eq3A_2006 = arith.cmpi eq, %eq3A_2005, %iota3A : vector<128x128xi32>
    %convert_element_type3A_2007 = arith.extui %eq3A_2006 : vector<128x128xi1> to vector<128x128xi32>
    %convert_element_type3A_2008 = arith.sitofp %convert_element_type3A_2007 : vector<128x128xi32> to vector<128x128xf32>
    %convert_element_type3A_2009 = arith.truncf %convert_element_type3A_2008 : vector<128x128xf32> to vector<128x128xbf16>
    %get3A_2010 = arith.constant 0 : index
    %get3A_2011 = arith.constant 30 : index
    %get3A_2012 = arith.constant 0 : index
    %get3A_2013 = vector.load %arg1[%get3A_2010, %get3A_2011, %get3A_2012] : memref<1x125x128xi32, #tpu.memory_space<vmem>>, vector<1x1x128xi32>
    %get3A_2014 = vector.shape_cast %get3A_2013 : vector<1x1x128xi32> to vector<1x128xi32>
    %shift_right_arithmetic3A_2015 = arith.constant 8 : i32
    %shift_right_arithmetic3A_2016 = vector.broadcast %shift_right_arithmetic3A_2015 : i32 to vector<1x128xi32>
    %shift_right_arithmetic3A_2017 = arith.shrsi %get3A_2014, %shift_right_arithmetic3A_2016 : vector<1x128xi32>
    %eq3A_2018 = vector.broadcast %shift_right_arithmetic3A_2017 : vector<1x128xi32> to vector<128x128xi32>
    %eq3A_2019 = arith.cmpi eq, %eq3A_2018, %iota3A : vector<128x128xi32>
    %convert_element_type3A_2020 = arith.extui %eq3A_2019 : vector<128x128xi1> to vector<128x128xi32>
    %convert_element_type3A_2021 = arith.sitofp %convert_element_type3A_2020 : vector<128x128xi32> to vector<128x128xf32>
    %convert_element_type3A_2022 = arith.truncf %convert_element_type3A_2021 : vector<128x128xf32> to vector<128x128xbf16>
    %get3A_2023 = arith.constant 0 : index
    %get3A_2024 = arith.constant 31 : index
    %get3A_2025 = arith.constant 0 : index
    %get3A_2026 = vector.load %arg1[%get3A_2023, %get3A_2024, %get3A_2025] : memref<1x125x128xi32, #tpu.memory_space<vmem>>, vector<1x1x128xi32>
    %get3A_2027 = vector.shape_cast %get3A_2026 : vector<1x1x128xi32> to vector<1x128xi32>
    %shift_right_arithmetic3A_2028 = arith.constant 8 : i32
    %shift_right_arithmetic3A_2029 = vector.broadcast %shift_right_arithmetic3A_2028 : i32 to vector<1x128xi32>
    %shift_right_arithmetic3A_2030 = arith.shrsi %get3A_2027, %shift_right_arithmetic3A_2029 : vector<1x128xi32>
    %eq3A_2031 = vector.broadcast %shift_right_arithmetic3A_2030 : vector<1x128xi32> to vector<128x128xi32>
    %eq3A_2032 = arith.cmpi eq, %eq3A_2031, %iota3A : vector<128x128xi32>
    %convert_element_type3A_2033 = arith.extui %eq3A_2032 : vector<128x128xi1> to vector<128x128xi32>
    %convert_element_type3A_2034 = arith.sitofp %convert_element_type3A_2033 : vector<128x128xi32> to vector<128x128xf32>
    %convert_element_type3A_2035 = arith.truncf %convert_element_type3A_2034 : vector<128x128xf32> to vector<128x128xbf16>
    %get3A_2036 = arith.constant 0 : index
    %get3A_2037 = arith.constant 32 : index
    %get3A_2038 = arith.constant 0 : index
    %get3A_2039 = vector.load %arg1[%get3A_2036, %get3A_2037, %get3A_2038] : memref<1x125x128xi32, #tpu.memory_space<vmem>>, vector<1x1x128xi32>
    %get3A_2040 = vector.shape_cast %get3A_2039 : vector<1x1x128xi32> to vector<1x128xi32>
    %shift_right_arithmetic3A_2041 = arith.constant 8 : i32
    %shift_right_arithmetic3A_2042 = vector.broadcast %shift_right_arithmetic3A_2041 : i32 to vector<1x128xi32>
    %shift_right_arithmetic3A_2043 = arith.shrsi %get3A_2040, %shift_right_arithmetic3A_2042 : vector<1x128xi32>
    %eq3A_2044 = vector.broadcast %shift_right_arithmetic3A_2043 : vector<1x128xi32> to vector<128x128xi32>
    %eq3A_2045 = arith.cmpi eq, %eq3A_2044, %iota3A : vector<128x128xi32>
    %convert_element_type3A_2046 = arith.extui %eq3A_2045 : vector<128x128xi1> to vector<128x128xi32>
    %convert_element_type3A_2047 = arith.sitofp %convert_element_type3A_2046 : vector<128x128xi32> to vector<128x128xf32>
    %convert_element_type3A_2048 = arith.truncf %convert_element_type3A_2047 : vector<128x128xf32> to vector<128x128xbf16>
    %get3A_2049 = arith.constant 0 : index
    %get3A_2050 = arith.constant 33 : index
    %get3A_2051 = arith.constant 0 : index
    %get3A_2052 = vector.load %arg1[%get3A_2049, %get3A_2050, %get3A_2051] : memref<1x125x128xi32, #tpu.memory_space<vmem>>, vector<1x1x128xi32>
    %get3A_2053 = vector.shape_cast %get3A_2052 : vector<1x1x128xi32> to vector<1x128xi32>
    %shift_right_arithmetic3A_2054 = arith.constant 8 : i32
    %shift_right_arithmetic3A_2055 = vector.broadcast %shift_right_arithmetic3A_2054 : i32 to vector<1x128xi32>
    %shift_right_arithmetic3A_2056 = arith.shrsi %get3A_2053, %shift_right_arithmetic3A_2055 : vector<1x128xi32>
    %eq3A_2057 = vector.broadcast %shift_right_arithmetic3A_2056 : vector<1x128xi32> to vector<128x128xi32>
    %eq3A_2058 = arith.cmpi eq, %eq3A_2057, %iota3A : vector<128x128xi32>
    %convert_element_type3A_2059 = arith.extui %eq3A_2058 : vector<128x128xi1> to vector<128x128xi32>
    %convert_element_type3A_2060 = arith.sitofp %convert_element_type3A_2059 : vector<128x128xi32> to vector<128x128xf32>
    %convert_element_type3A_2061 = arith.truncf %convert_element_type3A_2060 : vector<128x128xf32> to vector<128x128xbf16>
    %get3A_2062 = arith.constant 0 : index
    %get3A_2063 = arith.constant 34 : index
    %get3A_2064 = arith.constant 0 : index
    %get3A_2065 = vector.load %arg1[%get3A_2062, %get3A_2063, %get3A_2064] : memref<1x125x128xi32, #tpu.memory_space<vmem>>, vector<1x1x128xi32>
    %get3A_2066 = vector.shape_cast %get3A_2065 : vector<1x1x128xi32> to vector<1x128xi32>
    %shift_right_arithmetic3A_2067 = arith.constant 8 : i32
    %shift_right_arithmetic3A_2068 = vector.broadcast %shift_right_arithmetic3A_2067 : i32 to vector<1x128xi32>
    %shift_right_arithmetic3A_2069 = arith.shrsi %get3A_2066, %shift_right_arithmetic3A_2068 : vector<1x128xi32>
    %eq3A_2070 = vector.broadcast %shift_right_arithmetic3A_2069 : vector<1x128xi32> to vector<128x128xi32>
    %eq3A_2071 = arith.cmpi eq, %eq3A_2070, %iota3A : vector<128x128xi32>
    %convert_element_type3A_2072 = arith.extui %eq3A_2071 : vector<128x128xi1> to vector<128x128xi32>
    %convert_element_type3A_2073 = arith.sitofp %convert_element_type3A_2072 : vector<128x128xi32> to vector<128x128xf32>
    %convert_element_type3A_2074 = arith.truncf %convert_element_type3A_2073 : vector<128x128xf32> to vector<128x128xbf16>
    %get3A_2075 = arith.constant 0 : index
    %get3A_2076 = arith.constant 35 : index
    %get3A_2077 = arith.constant 0 : index
    %get3A_2078 = vector.load %arg1[%get3A_2075, %get3A_2076, %get3A_2077] : memref<1x125x128xi32, #tpu.memory_space<vmem>>, vector<1x1x128xi32>
    %get3A_2079 = vector.shape_cast %get3A_2078 : vector<1x1x128xi32> to vector<1x128xi32>
    %shift_right_arithmetic3A_2080 = arith.constant 8 : i32
    %shift_right_arithmetic3A_2081 = vector.broadcast %shift_right_arithmetic3A_2080 : i32 to vector<1x128xi32>
    %shift_right_arithmetic3A_2082 = arith.shrsi %get3A_2079, %shift_right_arithmetic3A_2081 : vector<1x128xi32>
    %eq3A_2083 = vector.broadcast %shift_right_arithmetic3A_2082 : vector<1x128xi32> to vector<128x128xi32>
    %eq3A_2084 = arith.cmpi eq, %eq3A_2083, %iota3A : vector<128x128xi32>
    %convert_element_type3A_2085 = arith.extui %eq3A_2084 : vector<128x128xi1> to vector<128x128xi32>
    %convert_element_type3A_2086 = arith.sitofp %convert_element_type3A_2085 : vector<128x128xi32> to vector<128x128xf32>
    %convert_element_type3A_2087 = arith.truncf %convert_element_type3A_2086 : vector<128x128xf32> to vector<128x128xbf16>
    %get3A_2088 = arith.constant 0 : index
    %get3A_2089 = arith.constant 36 : index
    %get3A_2090 = arith.constant 0 : index
    %get3A_2091 = vector.load %arg1[%get3A_2088, %get3A_2089, %get3A_2090] : memref<1x125x128xi32, #tpu.memory_space<vmem>>, vector<1x1x128xi32>
    %get3A_2092 = vector.shape_cast %get3A_2091 : vector<1x1x128xi32> to vector<1x128xi32>
    %shift_right_arithmetic3A_2093 = arith.constant 8 : i32
    %shift_right_arithmetic3A_2094 = vector.broadcast %shift_right_arithmetic3A_2093 : i32 to vector<1x128xi32>
    %shift_right_arithmetic3A_2095 = arith.shrsi %get3A_2092, %shift_right_arithmetic3A_2094 : vector<1x128xi32>
    %eq3A_2096 = vector.broadcast %shift_right_arithmetic3A_2095 : vector<1x128xi32> to vector<128x128xi32>
    %eq3A_2097 = arith.cmpi eq, %eq3A_2096, %iota3A : vector<128x128xi32>
    %convert_element_type3A_2098 = arith.extui %eq3A_2097 : vector<128x128xi1> to vector<128x128xi32>
    %convert_element_type3A_2099 = arith.sitofp %convert_element_type3A_2098 : vector<128x128xi32> to vector<128x128xf32>
    %convert_element_type3A_2100 = arith.truncf %convert_element_type3A_2099 : vector<128x128xf32> to vector<128x128xbf16>
    %get3A_2101 = arith.constant 0 : index
    %get3A_2102 = arith.constant 37 : index
    %get3A_2103 = arith.constant 0 : index
    %get3A_2104 = vector.load %arg1[%get3A_2101, %get3A_2102, %get3A_2103] : memref<1x125x128xi32, #tpu.memory_space<vmem>>, vector<1x1x128xi32>
    %get3A_2105 = vector.shape_cast %get3A_2104 : vector<1x1x128xi32> to vector<1x128xi32>
    %shift_right_arithmetic3A_2106 = arith.constant 8 : i32
    %shift_right_arithmetic3A_2107 = vector.broadcast %shift_right_arithmetic3A_2106 : i32 to vector<1x128xi32>
    %shift_right_arithmetic3A_2108 = arith.shrsi %get3A_2105, %shift_right_arithmetic3A_2107 : vector<1x128xi32>
    %eq3A_2109 = vector.broadcast %shift_right_arithmetic3A_2108 : vector<1x128xi32> to vector<128x128xi32>
    %eq3A_2110 = arith.cmpi eq, %eq3A_2109, %iota3A : vector<128x128xi32>
    %convert_element_type3A_2111 = arith.extui %eq3A_2110 : vector<128x128xi1> to vector<128x128xi32>
    %convert_element_type3A_2112 = arith.sitofp %convert_element_type3A_2111 : vector<128x128xi32> to vector<128x128xf32>
    %convert_element_type3A_2113 = arith.truncf %convert_element_type3A_2112 : vector<128x128xf32> to vector<128x128xbf16>
    %get3A_2114 = arith.constant 0 : index
    %get3A_2115 = arith.constant 38 : index
    %get3A_2116 = arith.constant 0 : index
    %get3A_2117 = vector.load %arg1[%get3A_2114, %get3A_2115, %get3A_2116] : memref<1x125x128xi32, #tpu.memory_space<vmem>>, vector<1x1x128xi32>
    %get3A_2118 = vector.shape_cast %get3A_2117 : vector<1x1x128xi32> to vector<1x128xi32>
    %shift_right_arithmetic3A_2119 = arith.constant 8 : i32
    %shift_right_arithmetic3A_2120 = vector.broadcast %shift_right_arithmetic3A_2119 : i32 to vector<1x128xi32>
    %shift_right_arithmetic3A_2121 = arith.shrsi %get3A_2118, %shift_right_arithmetic3A_2120 : vector<1x128xi32>
    %eq3A_2122 = vector.broadcast %shift_right_arithmetic3A_2121 : vector<1x128xi32> to vector<128x128xi32>
    %eq3A_2123 = arith.cmpi eq, %eq3A_2122, %iota3A : vector<128x128xi32>
    %convert_element_type3A_2124 = arith.extui %eq3A_2123 : vector<128x128xi1> to vector<128x128xi32>
    %convert_element_type3A_2125 = arith.sitofp %convert_element_type3A_2124 : vector<128x128xi32> to vector<128x128xf32>
    %convert_element_type3A_2126 = arith.truncf %convert_element_type3A_2125 : vector<128x128xf32> to vector<128x128xbf16>
    %get3A_2127 = arith.constant 0 : index
    %get3A_2128 = arith.constant 39 : index
    %get3A_2129 = arith.constant 0 : index
    %get3A_2130 = vector.load %arg1[%get3A_2127, %get3A_2128, %get3A_2129] : memref<1x125x128xi32, #tpu.memory_space<vmem>>, vector<1x1x128xi32>
    %get3A_2131 = vector.shape_cast %get3A_2130 : vector<1x1x128xi32> to vector<1x128xi32>
    %shift_right_arithmetic3A_2132 = arith.constant 8 : i32
    %shift_right_arithmetic3A_2133 = vector.broadcast %shift_right_arithmetic3A_2132 : i32 to vector<1x128xi32>
    %shift_right_arithmetic3A_2134 = arith.shrsi %get3A_2131, %shift_right_arithmetic3A_2133 : vector<1x128xi32>
    %eq3A_2135 = vector.broadcast %shift_right_arithmetic3A_2134 : vector<1x128xi32> to vector<128x128xi32>
    %eq3A_2136 = arith.cmpi eq, %eq3A_2135, %iota3A : vector<128x128xi32>
    %convert_element_type3A_2137 = arith.extui %eq3A_2136 : vector<128x128xi1> to vector<128x128xi32>
    %convert_element_type3A_2138 = arith.sitofp %convert_element_type3A_2137 : vector<128x128xi32> to vector<128x128xf32>
    %convert_element_type3A_2139 = arith.truncf %convert_element_type3A_2138 : vector<128x128xf32> to vector<128x128xbf16>
    %get3A_2140 = arith.constant 0 : index
    %get3A_2141 = arith.constant 40 : index
    %get3A_2142 = arith.constant 0 : index
    %get3A_2143 = vector.load %arg1[%get3A_2140, %get3A_2141, %get3A_2142] : memref<1x125x128xi32, #tpu.memory_space<vmem>>, vector<1x1x128xi32>
    %get3A_2144 = vector.shape_cast %get3A_2143 : vector<1x1x128xi32> to vector<1x128xi32>
    %shift_right_arithmetic3A_2145 = arith.constant 8 : i32
    %shift_right_arithmetic3A_2146 = vector.broadcast %shift_right_arithmetic3A_2145 : i32 to vector<1x128xi32>
    %shift_right_arithmetic3A_2147 = arith.shrsi %get3A_2144, %shift_right_arithmetic3A_2146 : vector<1x128xi32>
    %eq3A_2148 = vector.broadcast %shift_right_arithmetic3A_2147 : vector<1x128xi32> to vector<128x128xi32>
    %eq3A_2149 = arith.cmpi eq, %eq3A_2148, %iota3A : vector<128x128xi32>
    %convert_element_type3A_2150 = arith.extui %eq3A_2149 : vector<128x128xi1> to vector<128x128xi32>
    %convert_element_type3A_2151 = arith.sitofp %convert_element_type3A_2150 : vector<128x128xi32> to vector<128x128xf32>
    %convert_element_type3A_2152 = arith.truncf %convert_element_type3A_2151 : vector<128x128xf32> to vector<128x128xbf16>
    %get3A_2153 = arith.constant 0 : index
    %get3A_2154 = arith.constant 41 : index
    %get3A_2155 = arith.constant 0 : index
    %get3A_2156 = vector.load %arg1[%get3A_2153, %get3A_2154, %get3A_2155] : memref<1x125x128xi32, #tpu.memory_space<vmem>>, vector<1x1x128xi32>
    %get3A_2157 = vector.shape_cast %get3A_2156 : vector<1x1x128xi32> to vector<1x128xi32>
    %shift_right_arithmetic3A_2158 = arith.constant 8 : i32
    %shift_right_arithmetic3A_2159 = vector.broadcast %shift_right_arithmetic3A_2158 : i32 to vector<1x128xi32>
    %shift_right_arithmetic3A_2160 = arith.shrsi %get3A_2157, %shift_right_arithmetic3A_2159 : vector<1x128xi32>
    %eq3A_2161 = vector.broadcast %shift_right_arithmetic3A_2160 : vector<1x128xi32> to vector<128x128xi32>
    %eq3A_2162 = arith.cmpi eq, %eq3A_2161, %iota3A : vector<128x128xi32>
    %convert_element_type3A_2163 = arith.extui %eq3A_2162 : vector<128x128xi1> to vector<128x128xi32>
    %convert_element_type3A_2164 = arith.sitofp %convert_element_type3A_2163 : vector<128x128xi32> to vector<128x128xf32>
    %convert_element_type3A_2165 = arith.truncf %convert_element_type3A_2164 : vector<128x128xf32> to vector<128x128xbf16>
    %get3A_2166 = arith.constant 0 : index
    %get3A_2167 = arith.constant 42 : index
    %get3A_2168 = arith.constant 0 : index
    %get3A_2169 = vector.load %arg1[%get3A_2166, %get3A_2167, %get3A_2168] : memref<1x125x128xi32, #tpu.memory_space<vmem>>, vector<1x1x128xi32>
    %get3A_2170 = vector.shape_cast %get3A_2169 : vector<1x1x128xi32> to vector<1x128xi32>
    %shift_right_arithmetic3A_2171 = arith.constant 8 : i32
    %shift_right_arithmetic3A_2172 = vector.broadcast %shift_right_arithmetic3A_2171 : i32 to vector<1x128xi32>
    %shift_right_arithmetic3A_2173 = arith.shrsi %get3A_2170, %shift_right_arithmetic3A_2172 : vector<1x128xi32>
    %eq3A_2174 = vector.broadcast %shift_right_arithmetic3A_2173 : vector<1x128xi32> to vector<128x128xi32>
    %eq3A_2175 = arith.cmpi eq, %eq3A_2174, %iota3A : vector<128x128xi32>
    %convert_element_type3A_2176 = arith.extui %eq3A_2175 : vector<128x128xi1> to vector<128x128xi32>
    %convert_element_type3A_2177 = arith.sitofp %convert_element_type3A_2176 : vector<128x128xi32> to vector<128x128xf32>
    %convert_element_type3A_2178 = arith.truncf %convert_element_type3A_2177 : vector<128x128xf32> to vector<128x128xbf16>
    %get3A_2179 = arith.constant 0 : index
    %get3A_2180 = arith.constant 43 : index
    %get3A_2181 = arith.constant 0 : index
    %get3A_2182 = vector.load %arg1[%get3A_2179, %get3A_2180, %get3A_2181] : memref<1x125x128xi32, #tpu.memory_space<vmem>>, vector<1x1x128xi32>
    %get3A_2183 = vector.shape_cast %get3A_2182 : vector<1x1x128xi32> to vector<1x128xi32>
    %shift_right_arithmetic3A_2184 = arith.constant 8 : i32
    %shift_right_arithmetic3A_2185 = vector.broadcast %shift_right_arithmetic3A_2184 : i32 to vector<1x128xi32>
    %shift_right_arithmetic3A_2186 = arith.shrsi %get3A_2183, %shift_right_arithmetic3A_2185 : vector<1x128xi32>
    %eq3A_2187 = vector.broadcast %shift_right_arithmetic3A_2186 : vector<1x128xi32> to vector<128x128xi32>
    %eq3A_2188 = arith.cmpi eq, %eq3A_2187, %iota3A : vector<128x128xi32>
    %convert_element_type3A_2189 = arith.extui %eq3A_2188 : vector<128x128xi1> to vector<128x128xi32>
    %convert_element_type3A_2190 = arith.sitofp %convert_element_type3A_2189 : vector<128x128xi32> to vector<128x128xf32>
    %convert_element_type3A_2191 = arith.truncf %convert_element_type3A_2190 : vector<128x128xf32> to vector<128x128xbf16>
    %get3A_2192 = arith.constant 0 : index
    %get3A_2193 = arith.constant 44 : index
    %get3A_2194 = arith.constant 0 : index
    %get3A_2195 = vector.load %arg1[%get3A_2192, %get3A_2193, %get3A_2194] : memref<1x125x128xi32, #tpu.memory_space<vmem>>, vector<1x1x128xi32>
    %get3A_2196 = vector.shape_cast %get3A_2195 : vector<1x1x128xi32> to vector<1x128xi32>
    %shift_right_arithmetic3A_2197 = arith.constant 8 : i32
    %shift_right_arithmetic3A_2198 = vector.broadcast %shift_right_arithmetic3A_2197 : i32 to vector<1x128xi32>
    %shift_right_arithmetic3A_2199 = arith.shrsi %get3A_2196, %shift_right_arithmetic3A_2198 : vector<1x128xi32>
    %eq3A_2200 = vector.broadcast %shift_right_arithmetic3A_2199 : vector<1x128xi32> to vector<128x128xi32>
    %eq3A_2201 = arith.cmpi eq, %eq3A_2200, %iota3A : vector<128x128xi32>
    %convert_element_type3A_2202 = arith.extui %eq3A_2201 : vector<128x128xi1> to vector<128x128xi32>
    %convert_element_type3A_2203 = arith.sitofp %convert_element_type3A_2202 : vector<128x128xi32> to vector<128x128xf32>
    %convert_element_type3A_2204 = arith.truncf %convert_element_type3A_2203 : vector<128x128xf32> to vector<128x128xbf16>
    %get3A_2205 = arith.constant 0 : index
    %get3A_2206 = arith.constant 45 : index
    %get3A_2207 = arith.constant 0 : index
    %get3A_2208 = vector.load %arg1[%get3A_2205, %get3A_2206, %get3A_2207] : memref<1x125x128xi32, #tpu.memory_space<vmem>>, vector<1x1x128xi32>
    %get3A_2209 = vector.shape_cast %get3A_2208 : vector<1x1x128xi32> to vector<1x128xi32>
    %shift_right_arithmetic3A_2210 = arith.constant 8 : i32
    %shift_right_arithmetic3A_2211 = vector.broadcast %shift_right_arithmetic3A_2210 : i32 to vector<1x128xi32>
    %shift_right_arithmetic3A_2212 = arith.shrsi %get3A_2209, %shift_right_arithmetic3A_2211 : vector<1x128xi32>
    %eq3A_2213 = vector.broadcast %shift_right_arithmetic3A_2212 : vector<1x128xi32> to vector<128x128xi32>
    %eq3A_2214 = arith.cmpi eq, %eq3A_2213, %iota3A : vector<128x128xi32>
    %convert_element_type3A_2215 = arith.extui %eq3A_2214 : vector<128x128xi1> to vector<128x128xi32>
    %convert_element_type3A_2216 = arith.sitofp %convert_element_type3A_2215 : vector<128x128xi32> to vector<128x128xf32>
    %convert_element_type3A_2217 = arith.truncf %convert_element_type3A_2216 : vector<128x128xf32> to vector<128x128xbf16>
    %get3A_2218 = arith.constant 0 : index
    %get3A_2219 = arith.constant 46 : index
    %get3A_2220 = arith.constant 0 : index
    %get3A_2221 = vector.load %arg1[%get3A_2218, %get3A_2219, %get3A_2220] : memref<1x125x128xi32, #tpu.memory_space<vmem>>, vector<1x1x128xi32>
    %get3A_2222 = vector.shape_cast %get3A_2221 : vector<1x1x128xi32> to vector<1x128xi32>
    %shift_right_arithmetic3A_2223 = arith.constant 8 : i32
    %shift_right_arithmetic3A_2224 = vector.broadcast %shift_right_arithmetic3A_2223 : i32 to vector<1x128xi32>
    %shift_right_arithmetic3A_2225 = arith.shrsi %get3A_2222, %shift_right_arithmetic3A_2224 : vector<1x128xi32>
    %eq3A_2226 = vector.broadcast %shift_right_arithmetic3A_2225 : vector<1x128xi32> to vector<128x128xi32>
    %eq3A_2227 = arith.cmpi eq, %eq3A_2226, %iota3A : vector<128x128xi32>
    %convert_element_type3A_2228 = arith.extui %eq3A_2227 : vector<128x128xi1> to vector<128x128xi32>
    %convert_element_type3A_2229 = arith.sitofp %convert_element_type3A_2228 : vector<128x128xi32> to vector<128x128xf32>
    %convert_element_type3A_2230 = arith.truncf %convert_element_type3A_2229 : vector<128x128xf32> to vector<128x128xbf16>
    %get3A_2231 = arith.constant 0 : index
    %get3A_2232 = arith.constant 47 : index
    %get3A_2233 = arith.constant 0 : index
    %get3A_2234 = vector.load %arg1[%get3A_2231, %get3A_2232, %get3A_2233] : memref<1x125x128xi32, #tpu.memory_space<vmem>>, vector<1x1x128xi32>
    %get3A_2235 = vector.shape_cast %get3A_2234 : vector<1x1x128xi32> to vector<1x128xi32>
    %shift_right_arithmetic3A_2236 = arith.constant 8 : i32
    %shift_right_arithmetic3A_2237 = vector.broadcast %shift_right_arithmetic3A_2236 : i32 to vector<1x128xi32>
    %shift_right_arithmetic3A_2238 = arith.shrsi %get3A_2235, %shift_right_arithmetic3A_2237 : vector<1x128xi32>
    %eq3A_2239 = vector.broadcast %shift_right_arithmetic3A_2238 : vector<1x128xi32> to vector<128x128xi32>
    %eq3A_2240 = arith.cmpi eq, %eq3A_2239, %iota3A : vector<128x128xi32>
    %convert_element_type3A_2241 = arith.extui %eq3A_2240 : vector<128x128xi1> to vector<128x128xi32>
    %convert_element_type3A_2242 = arith.sitofp %convert_element_type3A_2241 : vector<128x128xi32> to vector<128x128xf32>
    %convert_element_type3A_2243 = arith.truncf %convert_element_type3A_2242 : vector<128x128xf32> to vector<128x128xbf16>
    %get3A_2244 = arith.constant 0 : index
    %get3A_2245 = arith.constant 48 : index
    %get3A_2246 = arith.constant 0 : index
    %get3A_2247 = vector.load %arg1[%get3A_2244, %get3A_2245, %get3A_2246] : memref<1x125x128xi32, #tpu.memory_space<vmem>>, vector<1x1x128xi32>
    %get3A_2248 = vector.shape_cast %get3A_2247 : vector<1x1x128xi32> to vector<1x128xi32>
    %shift_right_arithmetic3A_2249 = arith.constant 8 : i32
    %shift_right_arithmetic3A_2250 = vector.broadcast %shift_right_arithmetic3A_2249 : i32 to vector<1x128xi32>
    %shift_right_arithmetic3A_2251 = arith.shrsi %get3A_2248, %shift_right_arithmetic3A_2250 : vector<1x128xi32>
    %eq3A_2252 = vector.broadcast %shift_right_arithmetic3A_2251 : vector<1x128xi32> to vector<128x128xi32>
    %eq3A_2253 = arith.cmpi eq, %eq3A_2252, %iota3A : vector<128x128xi32>
    %convert_element_type3A_2254 = arith.extui %eq3A_2253 : vector<128x128xi1> to vector<128x128xi32>
    %convert_element_type3A_2255 = arith.sitofp %convert_element_type3A_2254 : vector<128x128xi32> to vector<128x128xf32>
    %convert_element_type3A_2256 = arith.truncf %convert_element_type3A_2255 : vector<128x128xf32> to vector<128x128xbf16>
    %get3A_2257 = arith.constant 0 : index
    %get3A_2258 = arith.constant 49 : index
    %get3A_2259 = arith.constant 0 : index
    %get3A_2260 = vector.load %arg1[%get3A_2257, %get3A_2258, %get3A_2259] : memref<1x125x128xi32, #tpu.memory_space<vmem>>, vector<1x1x128xi32>
    %get3A_2261 = vector.shape_cast %get3A_2260 : vector<1x1x128xi32> to vector<1x128xi32>
    %shift_right_arithmetic3A_2262 = arith.constant 8 : i32
    %shift_right_arithmetic3A_2263 = vector.broadcast %shift_right_arithmetic3A_2262 : i32 to vector<1x128xi32>
    %shift_right_arithmetic3A_2264 = arith.shrsi %get3A_2261, %shift_right_arithmetic3A_2263 : vector<1x128xi32>
    %eq3A_2265 = vector.broadcast %shift_right_arithmetic3A_2264 : vector<1x128xi32> to vector<128x128xi32>
    %eq3A_2266 = arith.cmpi eq, %eq3A_2265, %iota3A : vector<128x128xi32>
    %convert_element_type3A_2267 = arith.extui %eq3A_2266 : vector<128x128xi1> to vector<128x128xi32>
    %convert_element_type3A_2268 = arith.sitofp %convert_element_type3A_2267 : vector<128x128xi32> to vector<128x128xf32>
    %convert_element_type3A_2269 = arith.truncf %convert_element_type3A_2268 : vector<128x128xf32> to vector<128x128xbf16>
    %get3A_2270 = arith.constant 0 : index
    %get3A_2271 = arith.constant 50 : index
    %get3A_2272 = arith.constant 0 : index
    %get3A_2273 = vector.load %arg1[%get3A_2270, %get3A_2271, %get3A_2272] : memref<1x125x128xi32, #tpu.memory_space<vmem>>, vector<1x1x128xi32>
    %get3A_2274 = vector.shape_cast %get3A_2273 : vector<1x1x128xi32> to vector<1x128xi32>
    %shift_right_arithmetic3A_2275 = arith.constant 8 : i32
    %shift_right_arithmetic3A_2276 = vector.broadcast %shift_right_arithmetic3A_2275 : i32 to vector<1x128xi32>
    %shift_right_arithmetic3A_2277 = arith.shrsi %get3A_2274, %shift_right_arithmetic3A_2276 : vector<1x128xi32>
    %eq3A_2278 = vector.broadcast %shift_right_arithmetic3A_2277 : vector<1x128xi32> to vector<128x128xi32>
    %eq3A_2279 = arith.cmpi eq, %eq3A_2278, %iota3A : vector<128x128xi32>
    %convert_element_type3A_2280 = arith.extui %eq3A_2279 : vector<128x128xi1> to vector<128x128xi32>
    %convert_element_type3A_2281 = arith.sitofp %convert_element_type3A_2280 : vector<128x128xi32> to vector<128x128xf32>
    %convert_element_type3A_2282 = arith.truncf %convert_element_type3A_2281 : vector<128x128xf32> to vector<128x128xbf16>
    %get3A_2283 = arith.constant 0 : index
    %get3A_2284 = arith.constant 51 : index
    %get3A_2285 = arith.constant 0 : index
    %get3A_2286 = vector.load %arg1[%get3A_2283, %get3A_2284, %get3A_2285] : memref<1x125x128xi32, #tpu.memory_space<vmem>>, vector<1x1x128xi32>
    %get3A_2287 = vector.shape_cast %get3A_2286 : vector<1x1x128xi32> to vector<1x128xi32>
    %shift_right_arithmetic3A_2288 = arith.constant 8 : i32
    %shift_right_arithmetic3A_2289 = vector.broadcast %shift_right_arithmetic3A_2288 : i32 to vector<1x128xi32>
    %shift_right_arithmetic3A_2290 = arith.shrsi %get3A_2287, %shift_right_arithmetic3A_2289 : vector<1x128xi32>
    %eq3A_2291 = vector.broadcast %shift_right_arithmetic3A_2290 : vector<1x128xi32> to vector<128x128xi32>
    %eq3A_2292 = arith.cmpi eq, %eq3A_2291, %iota3A : vector<128x128xi32>
    %convert_element_type3A_2293 = arith.extui %eq3A_2292 : vector<128x128xi1> to vector<128x128xi32>
    %convert_element_type3A_2294 = arith.sitofp %convert_element_type3A_2293 : vector<128x128xi32> to vector<128x128xf32>
    %convert_element_type3A_2295 = arith.truncf %convert_element_type3A_2294 : vector<128x128xf32> to vector<128x128xbf16>
    %get3A_2296 = arith.constant 0 : index
    %get3A_2297 = arith.constant 52 : index
    %get3A_2298 = arith.constant 0 : index
    %get3A_2299 = vector.load %arg1[%get3A_2296, %get3A_2297, %get3A_2298] : memref<1x125x128xi32, #tpu.memory_space<vmem>>, vector<1x1x128xi32>
    %get3A_2300 = vector.shape_cast %get3A_2299 : vector<1x1x128xi32> to vector<1x128xi32>
    %shift_right_arithmetic3A_2301 = arith.constant 8 : i32
    %shift_right_arithmetic3A_2302 = vector.broadcast %shift_right_arithmetic3A_2301 : i32 to vector<1x128xi32>
    %shift_right_arithmetic3A_2303 = arith.shrsi %get3A_2300, %shift_right_arithmetic3A_2302 : vector<1x128xi32>
    %eq3A_2304 = vector.broadcast %shift_right_arithmetic3A_2303 : vector<1x128xi32> to vector<128x128xi32>
    %eq3A_2305 = arith.cmpi eq, %eq3A_2304, %iota3A : vector<128x128xi32>
    %convert_element_type3A_2306 = arith.extui %eq3A_2305 : vector<128x128xi1> to vector<128x128xi32>
    %convert_element_type3A_2307 = arith.sitofp %convert_element_type3A_2306 : vector<128x128xi32> to vector<128x128xf32>
    %convert_element_type3A_2308 = arith.truncf %convert_element_type3A_2307 : vector<128x128xf32> to vector<128x128xbf16>
    %get3A_2309 = arith.constant 0 : index
    %get3A_2310 = arith.constant 53 : index
    %get3A_2311 = arith.constant 0 : index
    %get3A_2312 = vector.load %arg1[%get3A_2309, %get3A_2310, %get3A_2311] : memref<1x125x128xi32, #tpu.memory_space<vmem>>, vector<1x1x128xi32>
    %get3A_2313 = vector.shape_cast %get3A_2312 : vector<1x1x128xi32> to vector<1x128xi32>
    %shift_right_arithmetic3A_2314 = arith.constant 8 : i32
    %shift_right_arithmetic3A_2315 = vector.broadcast %shift_right_arithmetic3A_2314 : i32 to vector<1x128xi32>
    %shift_right_arithmetic3A_2316 = arith.shrsi %get3A_2313, %shift_right_arithmetic3A_2315 : vector<1x128xi32>
    %eq3A_2317 = vector.broadcast %shift_right_arithmetic3A_2316 : vector<1x128xi32> to vector<128x128xi32>
    %eq3A_2318 = arith.cmpi eq, %eq3A_2317, %iota3A : vector<128x128xi32>
    %convert_element_type3A_2319 = arith.extui %eq3A_2318 : vector<128x128xi1> to vector<128x128xi32>
    %convert_element_type3A_2320 = arith.sitofp %convert_element_type3A_2319 : vector<128x128xi32> to vector<128x128xf32>
    %convert_element_type3A_2321 = arith.truncf %convert_element_type3A_2320 : vector<128x128xf32> to vector<128x128xbf16>
    %get3A_2322 = arith.constant 0 : index
    %get3A_2323 = arith.constant 54 : index
    %get3A_2324 = arith.constant 0 : index
    %get3A_2325 = vector.load %arg1[%get3A_2322, %get3A_2323, %get3A_2324] : memref<1x125x128xi32, #tpu.memory_space<vmem>>, vector<1x1x128xi32>
    %get3A_2326 = vector.shape_cast %get3A_2325 : vector<1x1x128xi32> to vector<1x128xi32>
    %shift_right_arithmetic3A_2327 = arith.constant 8 : i32
    %shift_right_arithmetic3A_2328 = vector.broadcast %shift_right_arithmetic3A_2327 : i32 to vector<1x128xi32>
    %shift_right_arithmetic3A_2329 = arith.shrsi %get3A_2326, %shift_right_arithmetic3A_2328 : vector<1x128xi32>
    %eq3A_2330 = vector.broadcast %shift_right_arithmetic3A_2329 : vector<1x128xi32> to vector<128x128xi32>
    %eq3A_2331 = arith.cmpi eq, %eq3A_2330, %iota3A : vector<128x128xi32>
    %convert_element_type3A_2332 = arith.extui %eq3A_2331 : vector<128x128xi1> to vector<128x128xi32>
    %convert_element_type3A_2333 = arith.sitofp %convert_element_type3A_2332 : vector<128x128xi32> to vector<128x128xf32>
    %convert_element_type3A_2334 = arith.truncf %convert_element_type3A_2333 : vector<128x128xf32> to vector<128x128xbf16>
    %get3A_2335 = arith.constant 0 : index
    %get3A_2336 = arith.constant 55 : index
    %get3A_2337 = arith.constant 0 : index
    %get3A_2338 = vector.load %arg1[%get3A_2335, %get3A_2336, %get3A_2337] : memref<1x125x128xi32, #tpu.memory_space<vmem>>, vector<1x1x128xi32>
    %get3A_2339 = vector.shape_cast %get3A_2338 : vector<1x1x128xi32> to vector<1x128xi32>
    %shift_right_arithmetic3A_2340 = arith.constant 8 : i32
    %shift_right_arithmetic3A_2341 = vector.broadcast %shift_right_arithmetic3A_2340 : i32 to vector<1x128xi32>
    %shift_right_arithmetic3A_2342 = arith.shrsi %get3A_2339, %shift_right_arithmetic3A_2341 : vector<1x128xi32>
    %eq3A_2343 = vector.broadcast %shift_right_arithmetic3A_2342 : vector<1x128xi32> to vector<128x128xi32>
    %eq3A_2344 = arith.cmpi eq, %eq3A_2343, %iota3A : vector<128x128xi32>
    %convert_element_type3A_2345 = arith.extui %eq3A_2344 : vector<128x128xi1> to vector<128x128xi32>
    %convert_element_type3A_2346 = arith.sitofp %convert_element_type3A_2345 : vector<128x128xi32> to vector<128x128xf32>
    %convert_element_type3A_2347 = arith.truncf %convert_element_type3A_2346 : vector<128x128xf32> to vector<128x128xbf16>
    %get3A_2348 = arith.constant 0 : index
    %get3A_2349 = arith.constant 56 : index
    %get3A_2350 = arith.constant 0 : index
    %get3A_2351 = vector.load %arg1[%get3A_2348, %get3A_2349, %get3A_2350] : memref<1x125x128xi32, #tpu.memory_space<vmem>>, vector<1x1x128xi32>
    %get3A_2352 = vector.shape_cast %get3A_2351 : vector<1x1x128xi32> to vector<1x128xi32>
    %shift_right_arithmetic3A_2353 = arith.constant 8 : i32
    %shift_right_arithmetic3A_2354 = vector.broadcast %shift_right_arithmetic3A_2353 : i32 to vector<1x128xi32>
    %shift_right_arithmetic3A_2355 = arith.shrsi %get3A_2352, %shift_right_arithmetic3A_2354 : vector<1x128xi32>
    %eq3A_2356 = vector.broadcast %shift_right_arithmetic3A_2355 : vector<1x128xi32> to vector<128x128xi32>
    %eq3A_2357 = arith.cmpi eq, %eq3A_2356, %iota3A : vector<128x128xi32>
    %convert_element_type3A_2358 = arith.extui %eq3A_2357 : vector<128x128xi1> to vector<128x128xi32>
    %convert_element_type3A_2359 = arith.sitofp %convert_element_type3A_2358 : vector<128x128xi32> to vector<128x128xf32>
    %convert_element_type3A_2360 = arith.truncf %convert_element_type3A_2359 : vector<128x128xf32> to vector<128x128xbf16>
    %get3A_2361 = arith.constant 0 : index
    %get3A_2362 = arith.constant 57 : index
    %get3A_2363 = arith.constant 0 : index
    %get3A_2364 = vector.load %arg1[%get3A_2361, %get3A_2362, %get3A_2363] : memref<1x125x128xi32, #tpu.memory_space<vmem>>, vector<1x1x128xi32>
    %get3A_2365 = vector.shape_cast %get3A_2364 : vector<1x1x128xi32> to vector<1x128xi32>
    %shift_right_arithmetic3A_2366 = arith.constant 8 : i32
    %shift_right_arithmetic3A_2367 = vector.broadcast %shift_right_arithmetic3A_2366 : i32 to vector<1x128xi32>
    %shift_right_arithmetic3A_2368 = arith.shrsi %get3A_2365, %shift_right_arithmetic3A_2367 : vector<1x128xi32>
    %eq3A_2369 = vector.broadcast %shift_right_arithmetic3A_2368 : vector<1x128xi32> to vector<128x128xi32>
    %eq3A_2370 = arith.cmpi eq, %eq3A_2369, %iota3A : vector<128x128xi32>
    %convert_element_type3A_2371 = arith.extui %eq3A_2370 : vector<128x128xi1> to vector<128x128xi32>
    %convert_element_type3A_2372 = arith.sitofp %convert_element_type3A_2371 : vector<128x128xi32> to vector<128x128xf32>
    %convert_element_type3A_2373 = arith.truncf %convert_element_type3A_2372 : vector<128x128xf32> to vector<128x128xbf16>
    %get3A_2374 = arith.constant 0 : index
    %get3A_2375 = arith.constant 58 : index
    %get3A_2376 = arith.constant 0 : index
    %get3A_2377 = vector.load %arg1[%get3A_2374, %get3A_2375, %get3A_2376] : memref<1x125x128xi32, #tpu.memory_space<vmem>>, vector<1x1x128xi32>
    %get3A_2378 = vector.shape_cast %get3A_2377 : vector<1x1x128xi32> to vector<1x128xi32>
    %shift_right_arithmetic3A_2379 = arith.constant 8 : i32
    %shift_right_arithmetic3A_2380 = vector.broadcast %shift_right_arithmetic3A_2379 : i32 to vector<1x128xi32>
    %shift_right_arithmetic3A_2381 = arith.shrsi %get3A_2378, %shift_right_arithmetic3A_2380 : vector<1x128xi32>
    %eq3A_2382 = vector.broadcast %shift_right_arithmetic3A_2381 : vector<1x128xi32> to vector<128x128xi32>
    %eq3A_2383 = arith.cmpi eq, %eq3A_2382, %iota3A : vector<128x128xi32>
    %convert_element_type3A_2384 = arith.extui %eq3A_2383 : vector<128x128xi1> to vector<128x128xi32>
    %convert_element_type3A_2385 = arith.sitofp %convert_element_type3A_2384 : vector<128x128xi32> to vector<128x128xf32>
    %convert_element_type3A_2386 = arith.truncf %convert_element_type3A_2385 : vector<128x128xf32> to vector<128x128xbf16>
    %get3A_2387 = arith.constant 0 : index
    %get3A_2388 = arith.constant 59 : index
    %get3A_2389 = arith.constant 0 : index
    %get3A_2390 = vector.load %arg1[%get3A_2387, %get3A_2388, %get3A_2389] : memref<1x125x128xi32, #tpu.memory_space<vmem>>, vector<1x1x128xi32>
    %get3A_2391 = vector.shape_cast %get3A_2390 : vector<1x1x128xi32> to vector<1x128xi32>
    %shift_right_arithmetic3A_2392 = arith.constant 8 : i32
    %shift_right_arithmetic3A_2393 = vector.broadcast %shift_right_arithmetic3A_2392 : i32 to vector<1x128xi32>
    %shift_right_arithmetic3A_2394 = arith.shrsi %get3A_2391, %shift_right_arithmetic3A_2393 : vector<1x128xi32>
    %eq3A_2395 = vector.broadcast %shift_right_arithmetic3A_2394 : vector<1x128xi32> to vector<128x128xi32>
    %eq3A_2396 = arith.cmpi eq, %eq3A_2395, %iota3A : vector<128x128xi32>
    %convert_element_type3A_2397 = arith.extui %eq3A_2396 : vector<128x128xi1> to vector<128x128xi32>
    %convert_element_type3A_2398 = arith.sitofp %convert_element_type3A_2397 : vector<128x128xi32> to vector<128x128xf32>
    %convert_element_type3A_2399 = arith.truncf %convert_element_type3A_2398 : vector<128x128xf32> to vector<128x128xbf16>
    %get3A_2400 = arith.constant 0 : index
    %get3A_2401 = arith.constant 60 : index
    %get3A_2402 = arith.constant 0 : index
    %get3A_2403 = vector.load %arg1[%get3A_2400, %get3A_2401, %get3A_2402] : memref<1x125x128xi32, #tpu.memory_space<vmem>>, vector<1x1x128xi32>
    %get3A_2404 = vector.shape_cast %get3A_2403 : vector<1x1x128xi32> to vector<1x128xi32>
    %shift_right_arithmetic3A_2405 = arith.constant 8 : i32
    %shift_right_arithmetic3A_2406 = vector.broadcast %shift_right_arithmetic3A_2405 : i32 to vector<1x128xi32>
    %shift_right_arithmetic3A_2407 = arith.shrsi %get3A_2404, %shift_right_arithmetic3A_2406 : vector<1x128xi32>
    %eq3A_2408 = vector.broadcast %shift_right_arithmetic3A_2407 : vector<1x128xi32> to vector<128x128xi32>
    %eq3A_2409 = arith.cmpi eq, %eq3A_2408, %iota3A : vector<128x128xi32>
    %convert_element_type3A_2410 = arith.extui %eq3A_2409 : vector<128x128xi1> to vector<128x128xi32>
    %convert_element_type3A_2411 = arith.sitofp %convert_element_type3A_2410 : vector<128x128xi32> to vector<128x128xf32>
    %convert_element_type3A_2412 = arith.truncf %convert_element_type3A_2411 : vector<128x128xf32> to vector<128x128xbf16>
    %get3A_2413 = arith.constant 0 : index
    %get3A_2414 = arith.constant 61 : index
    %get3A_2415 = arith.constant 0 : index
    %get3A_2416 = vector.load %arg1[%get3A_2413, %get3A_2414, %get3A_2415] : memref<1x125x128xi32, #tpu.memory_space<vmem>>, vector<1x1x128xi32>
    %get3A_2417 = vector.shape_cast %get3A_2416 : vector<1x1x128xi32> to vector<1x128xi32>
    %shift_right_arithmetic3A_2418 = arith.constant 8 : i32
    %shift_right_arithmetic3A_2419 = vector.broadcast %shift_right_arithmetic3A_2418 : i32 to vector<1x128xi32>
    %shift_right_arithmetic3A_2420 = arith.shrsi %get3A_2417, %shift_right_arithmetic3A_2419 : vector<1x128xi32>
    %eq3A_2421 = vector.broadcast %shift_right_arithmetic3A_2420 : vector<1x128xi32> to vector<128x128xi32>
    %eq3A_2422 = arith.cmpi eq, %eq3A_2421, %iota3A : vector<128x128xi32>
    %convert_element_type3A_2423 = arith.extui %eq3A_2422 : vector<128x128xi1> to vector<128x128xi32>
    %convert_element_type3A_2424 = arith.sitofp %convert_element_type3A_2423 : vector<128x128xi32> to vector<128x128xf32>
    %convert_element_type3A_2425 = arith.truncf %convert_element_type3A_2424 : vector<128x128xf32> to vector<128x128xbf16>
    %get3A_2426 = arith.constant 0 : index
    %get3A_2427 = arith.constant 62 : index
    %get3A_2428 = arith.constant 0 : index
    %get3A_2429 = vector.load %arg1[%get3A_2426, %get3A_2427, %get3A_2428] : memref<1x125x128xi32, #tpu.memory_space<vmem>>, vector<1x1x128xi32>
    %get3A_2430 = vector.shape_cast %get3A_2429 : vector<1x1x128xi32> to vector<1x128xi32>
    %shift_right_arithmetic3A_2431 = arith.constant 8 : i32
    %shift_right_arithmetic3A_2432 = vector.broadcast %shift_right_arithmetic3A_2431 : i32 to vector<1x128xi32>
    %shift_right_arithmetic3A_2433 = arith.shrsi %get3A_2430, %shift_right_arithmetic3A_2432 : vector<1x128xi32>
    %eq3A_2434 = vector.broadcast %shift_right_arithmetic3A_2433 : vector<1x128xi32> to vector<128x128xi32>
    %eq3A_2435 = arith.cmpi eq, %eq3A_2434, %iota3A : vector<128x128xi32>
    %convert_element_type3A_2436 = arith.extui %eq3A_2435 : vector<128x128xi1> to vector<128x128xi32>
    %convert_element_type3A_2437 = arith.sitofp %convert_element_type3A_2436 : vector<128x128xi32> to vector<128x128xf32>
    %convert_element_type3A_2438 = arith.truncf %convert_element_type3A_2437 : vector<128x128xf32> to vector<128x128xbf16>
    %get3A_2439 = arith.constant 0 : index
    %get3A_2440 = arith.constant 63 : index
    %get3A_2441 = arith.constant 0 : index
    %get3A_2442 = vector.load %arg1[%get3A_2439, %get3A_2440, %get3A_2441] : memref<1x125x128xi32, #tpu.memory_space<vmem>>, vector<1x1x128xi32>
    %get3A_2443 = vector.shape_cast %get3A_2442 : vector<1x1x128xi32> to vector<1x128xi32>
    %shift_right_arithmetic3A_2444 = arith.constant 8 : i32
    %shift_right_arithmetic3A_2445 = vector.broadcast %shift_right_arithmetic3A_2444 : i32 to vector<1x128xi32>
    %shift_right_arithmetic3A_2446 = arith.shrsi %get3A_2443, %shift_right_arithmetic3A_2445 : vector<1x128xi32>
    %eq3A_2447 = vector.broadcast %shift_right_arithmetic3A_2446 : vector<1x128xi32> to vector<128x128xi32>
    %eq3A_2448 = arith.cmpi eq, %eq3A_2447, %iota3A : vector<128x128xi32>
    %convert_element_type3A_2449 = arith.extui %eq3A_2448 : vector<128x128xi1> to vector<128x128xi32>
    %convert_element_type3A_2450 = arith.sitofp %convert_element_type3A_2449 : vector<128x128xi32> to vector<128x128xf32>
    %convert_element_type3A_2451 = arith.truncf %convert_element_type3A_2450 : vector<128x128xf32> to vector<128x128xbf16>
    %get3A_2452 = arith.constant 0 : index
    %get3A_2453 = arith.constant 64 : index
    %get3A_2454 = arith.constant 0 : index
    %get3A_2455 = vector.load %arg1[%get3A_2452, %get3A_2453, %get3A_2454] : memref<1x125x128xi32, #tpu.memory_space<vmem>>, vector<1x1x128xi32>
    %get3A_2456 = vector.shape_cast %get3A_2455 : vector<1x1x128xi32> to vector<1x128xi32>
    %shift_right_arithmetic3A_2457 = arith.constant 8 : i32
    %shift_right_arithmetic3A_2458 = vector.broadcast %shift_right_arithmetic3A_2457 : i32 to vector<1x128xi32>
    %shift_right_arithmetic3A_2459 = arith.shrsi %get3A_2456, %shift_right_arithmetic3A_2458 : vector<1x128xi32>
    %eq3A_2460 = vector.broadcast %shift_right_arithmetic3A_2459 : vector<1x128xi32> to vector<128x128xi32>
    %eq3A_2461 = arith.cmpi eq, %eq3A_2460, %iota3A : vector<128x128xi32>
    %convert_element_type3A_2462 = arith.extui %eq3A_2461 : vector<128x128xi1> to vector<128x128xi32>
    %convert_element_type3A_2463 = arith.sitofp %convert_element_type3A_2462 : vector<128x128xi32> to vector<128x128xf32>
    %convert_element_type3A_2464 = arith.truncf %convert_element_type3A_2463 : vector<128x128xf32> to vector<128x128xbf16>
    %get3A_2465 = arith.constant 0 : index
    %get3A_2466 = arith.constant 65 : index
    %get3A_2467 = arith.constant 0 : index
    %get3A_2468 = vector.load %arg1[%get3A_2465, %get3A_2466, %get3A_2467] : memref<1x125x128xi32, #tpu.memory_space<vmem>>, vector<1x1x128xi32>
    %get3A_2469 = vector.shape_cast %get3A_2468 : vector<1x1x128xi32> to vector<1x128xi32>
    %shift_right_arithmetic3A_2470 = arith.constant 8 : i32
    %shift_right_arithmetic3A_2471 = vector.broadcast %shift_right_arithmetic3A_2470 : i32 to vector<1x128xi32>
    %shift_right_arithmetic3A_2472 = arith.shrsi %get3A_2469, %shift_right_arithmetic3A_2471 : vector<1x128xi32>
    %eq3A_2473 = vector.broadcast %shift_right_arithmetic3A_2472 : vector<1x128xi32> to vector<128x128xi32>
    %eq3A_2474 = arith.cmpi eq, %eq3A_2473, %iota3A : vector<128x128xi32>
    %convert_element_type3A_2475 = arith.extui %eq3A_2474 : vector<128x128xi1> to vector<128x128xi32>
    %convert_element_type3A_2476 = arith.sitofp %convert_element_type3A_2475 : vector<128x128xi32> to vector<128x128xf32>
    %convert_element_type3A_2477 = arith.truncf %convert_element_type3A_2476 : vector<128x128xf32> to vector<128x128xbf16>
    %get3A_2478 = arith.constant 0 : index
    %get3A_2479 = arith.constant 66 : index
    %get3A_2480 = arith.constant 0 : index
    %get3A_2481 = vector.load %arg1[%get3A_2478, %get3A_2479, %get3A_2480] : memref<1x125x128xi32, #tpu.memory_space<vmem>>, vector<1x1x128xi32>
    %get3A_2482 = vector.shape_cast %get3A_2481 : vector<1x1x128xi32> to vector<1x128xi32>
    %shift_right_arithmetic3A_2483 = arith.constant 8 : i32
    %shift_right_arithmetic3A_2484 = vector.broadcast %shift_right_arithmetic3A_2483 : i32 to vector<1x128xi32>
    %shift_right_arithmetic3A_2485 = arith.shrsi %get3A_2482, %shift_right_arithmetic3A_2484 : vector<1x128xi32>
    %eq3A_2486 = vector.broadcast %shift_right_arithmetic3A_2485 : vector<1x128xi32> to vector<128x128xi32>
    %eq3A_2487 = arith.cmpi eq, %eq3A_2486, %iota3A : vector<128x128xi32>
    %convert_element_type3A_2488 = arith.extui %eq3A_2487 : vector<128x128xi1> to vector<128x128xi32>
    %convert_element_type3A_2489 = arith.sitofp %convert_element_type3A_2488 : vector<128x128xi32> to vector<128x128xf32>
    %convert_element_type3A_2490 = arith.truncf %convert_element_type3A_2489 : vector<128x128xf32> to vector<128x128xbf16>
    %get3A_2491 = arith.constant 0 : index
    %get3A_2492 = arith.constant 67 : index
    %get3A_2493 = arith.constant 0 : index
    %get3A_2494 = vector.load %arg1[%get3A_2491, %get3A_2492, %get3A_2493] : memref<1x125x128xi32, #tpu.memory_space<vmem>>, vector<1x1x128xi32>
    %get3A_2495 = vector.shape_cast %get3A_2494 : vector<1x1x128xi32> to vector<1x128xi32>
    %shift_right_arithmetic3A_2496 = arith.constant 8 : i32
    %shift_right_arithmetic3A_2497 = vector.broadcast %shift_right_arithmetic3A_2496 : i32 to vector<1x128xi32>
    %shift_right_arithmetic3A_2498 = arith.shrsi %get3A_2495, %shift_right_arithmetic3A_2497 : vector<1x128xi32>
    %eq3A_2499 = vector.broadcast %shift_right_arithmetic3A_2498 : vector<1x128xi32> to vector<128x128xi32>
    %eq3A_2500 = arith.cmpi eq, %eq3A_2499, %iota3A : vector<128x128xi32>
    %convert_element_type3A_2501 = arith.extui %eq3A_2500 : vector<128x128xi1> to vector<128x128xi32>
    %convert_element_type3A_2502 = arith.sitofp %convert_element_type3A_2501 : vector<128x128xi32> to vector<128x128xf32>
    %convert_element_type3A_2503 = arith.truncf %convert_element_type3A_2502 : vector<128x128xf32> to vector<128x128xbf16>
    %get3A_2504 = arith.constant 0 : index
    %get3A_2505 = arith.constant 68 : index
    %get3A_2506 = arith.constant 0 : index
    %get3A_2507 = vector.load %arg1[%get3A_2504, %get3A_2505, %get3A_2506] : memref<1x125x128xi32, #tpu.memory_space<vmem>>, vector<1x1x128xi32>
    %get3A_2508 = vector.shape_cast %get3A_2507 : vector<1x1x128xi32> to vector<1x128xi32>
    %shift_right_arithmetic3A_2509 = arith.constant 8 : i32
    %shift_right_arithmetic3A_2510 = vector.broadcast %shift_right_arithmetic3A_2509 : i32 to vector<1x128xi32>
    %shift_right_arithmetic3A_2511 = arith.shrsi %get3A_2508, %shift_right_arithmetic3A_2510 : vector<1x128xi32>
    %eq3A_2512 = vector.broadcast %shift_right_arithmetic3A_2511 : vector<1x128xi32> to vector<128x128xi32>
    %eq3A_2513 = arith.cmpi eq, %eq3A_2512, %iota3A : vector<128x128xi32>
    %convert_element_type3A_2514 = arith.extui %eq3A_2513 : vector<128x128xi1> to vector<128x128xi32>
    %convert_element_type3A_2515 = arith.sitofp %convert_element_type3A_2514 : vector<128x128xi32> to vector<128x128xf32>
    %convert_element_type3A_2516 = arith.truncf %convert_element_type3A_2515 : vector<128x128xf32> to vector<128x128xbf16>
    %get3A_2517 = arith.constant 0 : index
    %get3A_2518 = arith.constant 69 : index
    %get3A_2519 = arith.constant 0 : index
    %get3A_2520 = vector.load %arg1[%get3A_2517, %get3A_2518, %get3A_2519] : memref<1x125x128xi32, #tpu.memory_space<vmem>>, vector<1x1x128xi32>
    %get3A_2521 = vector.shape_cast %get3A_2520 : vector<1x1x128xi32> to vector<1x128xi32>
    %shift_right_arithmetic3A_2522 = arith.constant 8 : i32
    %shift_right_arithmetic3A_2523 = vector.broadcast %shift_right_arithmetic3A_2522 : i32 to vector<1x128xi32>
    %shift_right_arithmetic3A_2524 = arith.shrsi %get3A_2521, %shift_right_arithmetic3A_2523 : vector<1x128xi32>
    %eq3A_2525 = vector.broadcast %shift_right_arithmetic3A_2524 : vector<1x128xi32> to vector<128x128xi32>
    %eq3A_2526 = arith.cmpi eq, %eq3A_2525, %iota3A : vector<128x128xi32>
    %convert_element_type3A_2527 = arith.extui %eq3A_2526 : vector<128x128xi1> to vector<128x128xi32>
    %convert_element_type3A_2528 = arith.sitofp %convert_element_type3A_2527 : vector<128x128xi32> to vector<128x128xf32>
    %convert_element_type3A_2529 = arith.truncf %convert_element_type3A_2528 : vector<128x128xf32> to vector<128x128xbf16>
    %get3A_2530 = arith.constant 0 : index
    %get3A_2531 = arith.constant 70 : index
    %get3A_2532 = arith.constant 0 : index
    %get3A_2533 = vector.load %arg1[%get3A_2530, %get3A_2531, %get3A_2532] : memref<1x125x128xi32, #tpu.memory_space<vmem>>, vector<1x1x128xi32>
    %get3A_2534 = vector.shape_cast %get3A_2533 : vector<1x1x128xi32> to vector<1x128xi32>
    %shift_right_arithmetic3A_2535 = arith.constant 8 : i32
    %shift_right_arithmetic3A_2536 = vector.broadcast %shift_right_arithmetic3A_2535 : i32 to vector<1x128xi32>
    %shift_right_arithmetic3A_2537 = arith.shrsi %get3A_2534, %shift_right_arithmetic3A_2536 : vector<1x128xi32>
    %eq3A_2538 = vector.broadcast %shift_right_arithmetic3A_2537 : vector<1x128xi32> to vector<128x128xi32>
    %eq3A_2539 = arith.cmpi eq, %eq3A_2538, %iota3A : vector<128x128xi32>
    %convert_element_type3A_2540 = arith.extui %eq3A_2539 : vector<128x128xi1> to vector<128x128xi32>
    %convert_element_type3A_2541 = arith.sitofp %convert_element_type3A_2540 : vector<128x128xi32> to vector<128x128xf32>
    %convert_element_type3A_2542 = arith.truncf %convert_element_type3A_2541 : vector<128x128xf32> to vector<128x128xbf16>
    %get3A_2543 = arith.constant 0 : index
    %get3A_2544 = arith.constant 71 : index
    %get3A_2545 = arith.constant 0 : index
    %get3A_2546 = vector.load %arg1[%get3A_2543, %get3A_2544, %get3A_2545] : memref<1x125x128xi32, #tpu.memory_space<vmem>>, vector<1x1x128xi32>
    %get3A_2547 = vector.shape_cast %get3A_2546 : vector<1x1x128xi32> to vector<1x128xi32>
    %shift_right_arithmetic3A_2548 = arith.constant 8 : i32
    %shift_right_arithmetic3A_2549 = vector.broadcast %shift_right_arithmetic3A_2548 : i32 to vector<1x128xi32>
    %shift_right_arithmetic3A_2550 = arith.shrsi %get3A_2547, %shift_right_arithmetic3A_2549 : vector<1x128xi32>
    %eq3A_2551 = vector.broadcast %shift_right_arithmetic3A_2550 : vector<1x128xi32> to vector<128x128xi32>
    %eq3A_2552 = arith.cmpi eq, %eq3A_2551, %iota3A : vector<128x128xi32>
    %convert_element_type3A_2553 = arith.extui %eq3A_2552 : vector<128x128xi1> to vector<128x128xi32>
    %convert_element_type3A_2554 = arith.sitofp %convert_element_type3A_2553 : vector<128x128xi32> to vector<128x128xf32>
    %convert_element_type3A_2555 = arith.truncf %convert_element_type3A_2554 : vector<128x128xf32> to vector<128x128xbf16>
    %get3A_2556 = arith.constant 0 : index
    %get3A_2557 = arith.constant 72 : index
    %get3A_2558 = arith.constant 0 : index
    %get3A_2559 = vector.load %arg1[%get3A_2556, %get3A_2557, %get3A_2558] : memref<1x125x128xi32, #tpu.memory_space<vmem>>, vector<1x1x128xi32>
    %get3A_2560 = vector.shape_cast %get3A_2559 : vector<1x1x128xi32> to vector<1x128xi32>
    %shift_right_arithmetic3A_2561 = arith.constant 8 : i32
    %shift_right_arithmetic3A_2562 = vector.broadcast %shift_right_arithmetic3A_2561 : i32 to vector<1x128xi32>
    %shift_right_arithmetic3A_2563 = arith.shrsi %get3A_2560, %shift_right_arithmetic3A_2562 : vector<1x128xi32>
    %eq3A_2564 = vector.broadcast %shift_right_arithmetic3A_2563 : vector<1x128xi32> to vector<128x128xi32>
    %eq3A_2565 = arith.cmpi eq, %eq3A_2564, %iota3A : vector<128x128xi32>
    %convert_element_type3A_2566 = arith.extui %eq3A_2565 : vector<128x128xi1> to vector<128x128xi32>
    %convert_element_type3A_2567 = arith.sitofp %convert_element_type3A_2566 : vector<128x128xi32> to vector<128x128xf32>
    %convert_element_type3A_2568 = arith.truncf %convert_element_type3A_2567 : vector<128x128xf32> to vector<128x128xbf16>
    %get3A_2569 = arith.constant 0 : index
    %get3A_2570 = arith.constant 73 : index
    %get3A_2571 = arith.constant 0 : index
    %get3A_2572 = vector.load %arg1[%get3A_2569, %get3A_2570, %get3A_2571] : memref<1x125x128xi32, #tpu.memory_space<vmem>>, vector<1x1x128xi32>
    %get3A_2573 = vector.shape_cast %get3A_2572 : vector<1x1x128xi32> to vector<1x128xi32>
    %shift_right_arithmetic3A_2574 = arith.constant 8 : i32
    %shift_right_arithmetic3A_2575 = vector.broadcast %shift_right_arithmetic3A_2574 : i32 to vector<1x128xi32>
    %shift_right_arithmetic3A_2576 = arith.shrsi %get3A_2573, %shift_right_arithmetic3A_2575 : vector<1x128xi32>
    %eq3A_2577 = vector.broadcast %shift_right_arithmetic3A_2576 : vector<1x128xi32> to vector<128x128xi32>
    %eq3A_2578 = arith.cmpi eq, %eq3A_2577, %iota3A : vector<128x128xi32>
    %convert_element_type3A_2579 = arith.extui %eq3A_2578 : vector<128x128xi1> to vector<128x128xi32>
    %convert_element_type3A_2580 = arith.sitofp %convert_element_type3A_2579 : vector<128x128xi32> to vector<128x128xf32>
    %convert_element_type3A_2581 = arith.truncf %convert_element_type3A_2580 : vector<128x128xf32> to vector<128x128xbf16>
    %get3A_2582 = arith.constant 0 : index
    %get3A_2583 = arith.constant 74 : index
    %get3A_2584 = arith.constant 0 : index
    %get3A_2585 = vector.load %arg1[%get3A_2582, %get3A_2583, %get3A_2584] : memref<1x125x128xi32, #tpu.memory_space<vmem>>, vector<1x1x128xi32>
    %get3A_2586 = vector.shape_cast %get3A_2585 : vector<1x1x128xi32> to vector<1x128xi32>
    %shift_right_arithmetic3A_2587 = arith.constant 8 : i32
    %shift_right_arithmetic3A_2588 = vector.broadcast %shift_right_arithmetic3A_2587 : i32 to vector<1x128xi32>
    %shift_right_arithmetic3A_2589 = arith.shrsi %get3A_2586, %shift_right_arithmetic3A_2588 : vector<1x128xi32>
    %eq3A_2590 = vector.broadcast %shift_right_arithmetic3A_2589 : vector<1x128xi32> to vector<128x128xi32>
    %eq3A_2591 = arith.cmpi eq, %eq3A_2590, %iota3A : vector<128x128xi32>
    %convert_element_type3A_2592 = arith.extui %eq3A_2591 : vector<128x128xi1> to vector<128x128xi32>
    %convert_element_type3A_2593 = arith.sitofp %convert_element_type3A_2592 : vector<128x128xi32> to vector<128x128xf32>
    %convert_element_type3A_2594 = arith.truncf %convert_element_type3A_2593 : vector<128x128xf32> to vector<128x128xbf16>
    %get3A_2595 = arith.constant 0 : index
    %get3A_2596 = arith.constant 75 : index
    %get3A_2597 = arith.constant 0 : index
    %get3A_2598 = vector.load %arg1[%get3A_2595, %get3A_2596, %get3A_2597] : memref<1x125x128xi32, #tpu.memory_space<vmem>>, vector<1x1x128xi32>
    %get3A_2599 = vector.shape_cast %get3A_2598 : vector<1x1x128xi32> to vector<1x128xi32>
    %shift_right_arithmetic3A_2600 = arith.constant 8 : i32
    %shift_right_arithmetic3A_2601 = vector.broadcast %shift_right_arithmetic3A_2600 : i32 to vector<1x128xi32>
    %shift_right_arithmetic3A_2602 = arith.shrsi %get3A_2599, %shift_right_arithmetic3A_2601 : vector<1x128xi32>
    %eq3A_2603 = vector.broadcast %shift_right_arithmetic3A_2602 : vector<1x128xi32> to vector<128x128xi32>
    %eq3A_2604 = arith.cmpi eq, %eq3A_2603, %iota3A : vector<128x128xi32>
    %convert_element_type3A_2605 = arith.extui %eq3A_2604 : vector<128x128xi1> to vector<128x128xi32>
    %convert_element_type3A_2606 = arith.sitofp %convert_element_type3A_2605 : vector<128x128xi32> to vector<128x128xf32>
    %convert_element_type3A_2607 = arith.truncf %convert_element_type3A_2606 : vector<128x128xf32> to vector<128x128xbf16>
    %get3A_2608 = arith.constant 0 : index
    %get3A_2609 = arith.constant 76 : index
    %get3A_2610 = arith.constant 0 : index
    %get3A_2611 = vector.load %arg1[%get3A_2608, %get3A_2609, %get3A_2610] : memref<1x125x128xi32, #tpu.memory_space<vmem>>, vector<1x1x128xi32>
    %get3A_2612 = vector.shape_cast %get3A_2611 : vector<1x1x128xi32> to vector<1x128xi32>
    %shift_right_arithmetic3A_2613 = arith.constant 8 : i32
    %shift_right_arithmetic3A_2614 = vector.broadcast %shift_right_arithmetic3A_2613 : i32 to vector<1x128xi32>
    %shift_right_arithmetic3A_2615 = arith.shrsi %get3A_2612, %shift_right_arithmetic3A_2614 : vector<1x128xi32>
    %eq3A_2616 = vector.broadcast %shift_right_arithmetic3A_2615 : vector<1x128xi32> to vector<128x128xi32>
    %eq3A_2617 = arith.cmpi eq, %eq3A_2616, %iota3A : vector<128x128xi32>
    %convert_element_type3A_2618 = arith.extui %eq3A_2617 : vector<128x128xi1> to vector<128x128xi32>
    %convert_element_type3A_2619 = arith.sitofp %convert_element_type3A_2618 : vector<128x128xi32> to vector<128x128xf32>
    %convert_element_type3A_2620 = arith.truncf %convert_element_type3A_2619 : vector<128x128xf32> to vector<128x128xbf16>
    %get3A_2621 = arith.constant 0 : index
    %get3A_2622 = arith.constant 77 : index
    %get3A_2623 = arith.constant 0 : index
    %get3A_2624 = vector.load %arg1[%get3A_2621, %get3A_2622, %get3A_2623] : memref<1x125x128xi32, #tpu.memory_space<vmem>>, vector<1x1x128xi32>
    %get3A_2625 = vector.shape_cast %get3A_2624 : vector<1x1x128xi32> to vector<1x128xi32>
    %shift_right_arithmetic3A_2626 = arith.constant 8 : i32
    %shift_right_arithmetic3A_2627 = vector.broadcast %shift_right_arithmetic3A_2626 : i32 to vector<1x128xi32>
    %shift_right_arithmetic3A_2628 = arith.shrsi %get3A_2625, %shift_right_arithmetic3A_2627 : vector<1x128xi32>
    %eq3A_2629 = vector.broadcast %shift_right_arithmetic3A_2628 : vector<1x128xi32> to vector<128x128xi32>
    %eq3A_2630 = arith.cmpi eq, %eq3A_2629, %iota3A : vector<128x128xi32>
    %convert_element_type3A_2631 = arith.extui %eq3A_2630 : vector<128x128xi1> to vector<128x128xi32>
    %convert_element_type3A_2632 = arith.sitofp %convert_element_type3A_2631 : vector<128x128xi32> to vector<128x128xf32>
    %convert_element_type3A_2633 = arith.truncf %convert_element_type3A_2632 : vector<128x128xf32> to vector<128x128xbf16>
    %get3A_2634 = arith.constant 0 : index
    %get3A_2635 = arith.constant 78 : index
    %get3A_2636 = arith.constant 0 : index
    %get3A_2637 = vector.load %arg1[%get3A_2634, %get3A_2635, %get3A_2636] : memref<1x125x128xi32, #tpu.memory_space<vmem>>, vector<1x1x128xi32>
    %get3A_2638 = vector.shape_cast %get3A_2637 : vector<1x1x128xi32> to vector<1x128xi32>
    %shift_right_arithmetic3A_2639 = arith.constant 8 : i32
    %shift_right_arithmetic3A_2640 = vector.broadcast %shift_right_arithmetic3A_2639 : i32 to vector<1x128xi32>
    %shift_right_arithmetic3A_2641 = arith.shrsi %get3A_2638, %shift_right_arithmetic3A_2640 : vector<1x128xi32>
    %eq3A_2642 = vector.broadcast %shift_right_arithmetic3A_2641 : vector<1x128xi32> to vector<128x128xi32>
    %eq3A_2643 = arith.cmpi eq, %eq3A_2642, %iota3A : vector<128x128xi32>
    %convert_element_type3A_2644 = arith.extui %eq3A_2643 : vector<128x128xi1> to vector<128x128xi32>
    %convert_element_type3A_2645 = arith.sitofp %convert_element_type3A_2644 : vector<128x128xi32> to vector<128x128xf32>
    %convert_element_type3A_2646 = arith.truncf %convert_element_type3A_2645 : vector<128x128xf32> to vector<128x128xbf16>
    %get3A_2647 = arith.constant 0 : index
    %get3A_2648 = arith.constant 79 : index
    %get3A_2649 = arith.constant 0 : index
    %get3A_2650 = vector.load %arg1[%get3A_2647, %get3A_2648, %get3A_2649] : memref<1x125x128xi32, #tpu.memory_space<vmem>>, vector<1x1x128xi32>
    %get3A_2651 = vector.shape_cast %get3A_2650 : vector<1x1x128xi32> to vector<1x128xi32>
    %shift_right_arithmetic3A_2652 = arith.constant 8 : i32
    %shift_right_arithmetic3A_2653 = vector.broadcast %shift_right_arithmetic3A_2652 : i32 to vector<1x128xi32>
    %shift_right_arithmetic3A_2654 = arith.shrsi %get3A_2651, %shift_right_arithmetic3A_2653 : vector<1x128xi32>
    %eq3A_2655 = vector.broadcast %shift_right_arithmetic3A_2654 : vector<1x128xi32> to vector<128x128xi32>
    %eq3A_2656 = arith.cmpi eq, %eq3A_2655, %iota3A : vector<128x128xi32>
    %convert_element_type3A_2657 = arith.extui %eq3A_2656 : vector<128x128xi1> to vector<128x128xi32>
    %convert_element_type3A_2658 = arith.sitofp %convert_element_type3A_2657 : vector<128x128xi32> to vector<128x128xf32>
    %convert_element_type3A_2659 = arith.truncf %convert_element_type3A_2658 : vector<128x128xf32> to vector<128x128xbf16>
    %get3A_2660 = arith.constant 0 : index
    %get3A_2661 = arith.constant 80 : index
    %get3A_2662 = arith.constant 0 : index
    %get3A_2663 = vector.load %arg1[%get3A_2660, %get3A_2661, %get3A_2662] : memref<1x125x128xi32, #tpu.memory_space<vmem>>, vector<1x1x128xi32>
    %get3A_2664 = vector.shape_cast %get3A_2663 : vector<1x1x128xi32> to vector<1x128xi32>
    %shift_right_arithmetic3A_2665 = arith.constant 8 : i32
    %shift_right_arithmetic3A_2666 = vector.broadcast %shift_right_arithmetic3A_2665 : i32 to vector<1x128xi32>
    %shift_right_arithmetic3A_2667 = arith.shrsi %get3A_2664, %shift_right_arithmetic3A_2666 : vector<1x128xi32>
    %eq3A_2668 = vector.broadcast %shift_right_arithmetic3A_2667 : vector<1x128xi32> to vector<128x128xi32>
    %eq3A_2669 = arith.cmpi eq, %eq3A_2668, %iota3A : vector<128x128xi32>
    %convert_element_type3A_2670 = arith.extui %eq3A_2669 : vector<128x128xi1> to vector<128x128xi32>
    %convert_element_type3A_2671 = arith.sitofp %convert_element_type3A_2670 : vector<128x128xi32> to vector<128x128xf32>
    %convert_element_type3A_2672 = arith.truncf %convert_element_type3A_2671 : vector<128x128xf32> to vector<128x128xbf16>
    %get3A_2673 = arith.constant 0 : index
    %get3A_2674 = arith.constant 81 : index
    %get3A_2675 = arith.constant 0 : index
    %get3A_2676 = vector.load %arg1[%get3A_2673, %get3A_2674, %get3A_2675] : memref<1x125x128xi32, #tpu.memory_space<vmem>>, vector<1x1x128xi32>
    %get3A_2677 = vector.shape_cast %get3A_2676 : vector<1x1x128xi32> to vector<1x128xi32>
    %shift_right_arithmetic3A_2678 = arith.constant 8 : i32
    %shift_right_arithmetic3A_2679 = vector.broadcast %shift_right_arithmetic3A_2678 : i32 to vector<1x128xi32>
    %shift_right_arithmetic3A_2680 = arith.shrsi %get3A_2677, %shift_right_arithmetic3A_2679 : vector<1x128xi32>
    %eq3A_2681 = vector.broadcast %shift_right_arithmetic3A_2680 : vector<1x128xi32> to vector<128x128xi32>
    %eq3A_2682 = arith.cmpi eq, %eq3A_2681, %iota3A : vector<128x128xi32>
    %convert_element_type3A_2683 = arith.extui %eq3A_2682 : vector<128x128xi1> to vector<128x128xi32>
    %convert_element_type3A_2684 = arith.sitofp %convert_element_type3A_2683 : vector<128x128xi32> to vector<128x128xf32>
    %convert_element_type3A_2685 = arith.truncf %convert_element_type3A_2684 : vector<128x128xf32> to vector<128x128xbf16>
    %get3A_2686 = arith.constant 0 : index
    %get3A_2687 = arith.constant 82 : index
    %get3A_2688 = arith.constant 0 : index
    %get3A_2689 = vector.load %arg1[%get3A_2686, %get3A_2687, %get3A_2688] : memref<1x125x128xi32, #tpu.memory_space<vmem>>, vector<1x1x128xi32>
    %get3A_2690 = vector.shape_cast %get3A_2689 : vector<1x1x128xi32> to vector<1x128xi32>
    %shift_right_arithmetic3A_2691 = arith.constant 8 : i32
    %shift_right_arithmetic3A_2692 = vector.broadcast %shift_right_arithmetic3A_2691 : i32 to vector<1x128xi32>
    %shift_right_arithmetic3A_2693 = arith.shrsi %get3A_2690, %shift_right_arithmetic3A_2692 : vector<1x128xi32>
    %eq3A_2694 = vector.broadcast %shift_right_arithmetic3A_2693 : vector<1x128xi32> to vector<128x128xi32>
    %eq3A_2695 = arith.cmpi eq, %eq3A_2694, %iota3A : vector<128x128xi32>
    %convert_element_type3A_2696 = arith.extui %eq3A_2695 : vector<128x128xi1> to vector<128x128xi32>
    %convert_element_type3A_2697 = arith.sitofp %convert_element_type3A_2696 : vector<128x128xi32> to vector<128x128xf32>
    %convert_element_type3A_2698 = arith.truncf %convert_element_type3A_2697 : vector<128x128xf32> to vector<128x128xbf16>
    %get3A_2699 = arith.constant 0 : index
    %get3A_2700 = arith.constant 83 : index
    %get3A_2701 = arith.constant 0 : index
    %get3A_2702 = vector.load %arg1[%get3A_2699, %get3A_2700, %get3A_2701] : memref<1x125x128xi32, #tpu.memory_space<vmem>>, vector<1x1x128xi32>
    %get3A_2703 = vector.shape_cast %get3A_2702 : vector<1x1x128xi32> to vector<1x128xi32>
    %shift_right_arithmetic3A_2704 = arith.constant 8 : i32
    %shift_right_arithmetic3A_2705 = vector.broadcast %shift_right_arithmetic3A_2704 : i32 to vector<1x128xi32>
    %shift_right_arithmetic3A_2706 = arith.shrsi %get3A_2703, %shift_right_arithmetic3A_2705 : vector<1x128xi32>
    %eq3A_2707 = vector.broadcast %shift_right_arithmetic3A_2706 : vector<1x128xi32> to vector<128x128xi32>
    %eq3A_2708 = arith.cmpi eq, %eq3A_2707, %iota3A : vector<128x128xi32>
    %convert_element_type3A_2709 = arith.extui %eq3A_2708 : vector<128x128xi1> to vector<128x128xi32>
    %convert_element_type3A_2710 = arith.sitofp %convert_element_type3A_2709 : vector<128x128xi32> to vector<128x128xf32>
    %convert_element_type3A_2711 = arith.truncf %convert_element_type3A_2710 : vector<128x128xf32> to vector<128x128xbf16>
    %get3A_2712 = arith.constant 0 : index
    %get3A_2713 = arith.constant 84 : index
    %get3A_2714 = arith.constant 0 : index
    %get3A_2715 = vector.load %arg1[%get3A_2712, %get3A_2713, %get3A_2714] : memref<1x125x128xi32, #tpu.memory_space<vmem>>, vector<1x1x128xi32>
    %get3A_2716 = vector.shape_cast %get3A_2715 : vector<1x1x128xi32> to vector<1x128xi32>
    %shift_right_arithmetic3A_2717 = arith.constant 8 : i32
    %shift_right_arithmetic3A_2718 = vector.broadcast %shift_right_arithmetic3A_2717 : i32 to vector<1x128xi32>
    %shift_right_arithmetic3A_2719 = arith.shrsi %get3A_2716, %shift_right_arithmetic3A_2718 : vector<1x128xi32>
    %eq3A_2720 = vector.broadcast %shift_right_arithmetic3A_2719 : vector<1x128xi32> to vector<128x128xi32>
    %eq3A_2721 = arith.cmpi eq, %eq3A_2720, %iota3A : vector<128x128xi32>
    %convert_element_type3A_2722 = arith.extui %eq3A_2721 : vector<128x128xi1> to vector<128x128xi32>
    %convert_element_type3A_2723 = arith.sitofp %convert_element_type3A_2722 : vector<128x128xi32> to vector<128x128xf32>
    %convert_element_type3A_2724 = arith.truncf %convert_element_type3A_2723 : vector<128x128xf32> to vector<128x128xbf16>
    %get3A_2725 = arith.constant 0 : index
    %get3A_2726 = arith.constant 85 : index
    %get3A_2727 = arith.constant 0 : index
    %get3A_2728 = vector.load %arg1[%get3A_2725, %get3A_2726, %get3A_2727] : memref<1x125x128xi32, #tpu.memory_space<vmem>>, vector<1x1x128xi32>
    %get3A_2729 = vector.shape_cast %get3A_2728 : vector<1x1x128xi32> to vector<1x128xi32>
    %shift_right_arithmetic3A_2730 = arith.constant 8 : i32
    %shift_right_arithmetic3A_2731 = vector.broadcast %shift_right_arithmetic3A_2730 : i32 to vector<1x128xi32>
    %shift_right_arithmetic3A_2732 = arith.shrsi %get3A_2729, %shift_right_arithmetic3A_2731 : vector<1x128xi32>
    %eq3A_2733 = vector.broadcast %shift_right_arithmetic3A_2732 : vector<1x128xi32> to vector<128x128xi32>
    %eq3A_2734 = arith.cmpi eq, %eq3A_2733, %iota3A : vector<128x128xi32>
    %convert_element_type3A_2735 = arith.extui %eq3A_2734 : vector<128x128xi1> to vector<128x128xi32>
    %convert_element_type3A_2736 = arith.sitofp %convert_element_type3A_2735 : vector<128x128xi32> to vector<128x128xf32>
    %convert_element_type3A_2737 = arith.truncf %convert_element_type3A_2736 : vector<128x128xf32> to vector<128x128xbf16>
    %get3A_2738 = arith.constant 0 : index
    %get3A_2739 = arith.constant 86 : index
    %get3A_2740 = arith.constant 0 : index
    %get3A_2741 = vector.load %arg1[%get3A_2738, %get3A_2739, %get3A_2740] : memref<1x125x128xi32, #tpu.memory_space<vmem>>, vector<1x1x128xi32>
    %get3A_2742 = vector.shape_cast %get3A_2741 : vector<1x1x128xi32> to vector<1x128xi32>
    %shift_right_arithmetic3A_2743 = arith.constant 8 : i32
    %shift_right_arithmetic3A_2744 = vector.broadcast %shift_right_arithmetic3A_2743 : i32 to vector<1x128xi32>
    %shift_right_arithmetic3A_2745 = arith.shrsi %get3A_2742, %shift_right_arithmetic3A_2744 : vector<1x128xi32>
    %eq3A_2746 = vector.broadcast %shift_right_arithmetic3A_2745 : vector<1x128xi32> to vector<128x128xi32>
    %eq3A_2747 = arith.cmpi eq, %eq3A_2746, %iota3A : vector<128x128xi32>
    %convert_element_type3A_2748 = arith.extui %eq3A_2747 : vector<128x128xi1> to vector<128x128xi32>
    %convert_element_type3A_2749 = arith.sitofp %convert_element_type3A_2748 : vector<128x128xi32> to vector<128x128xf32>
    %convert_element_type3A_2750 = arith.truncf %convert_element_type3A_2749 : vector<128x128xf32> to vector<128x128xbf16>
    %get3A_2751 = arith.constant 0 : index
    %get3A_2752 = arith.constant 87 : index
    %get3A_2753 = arith.constant 0 : index
    %get3A_2754 = vector.load %arg1[%get3A_2751, %get3A_2752, %get3A_2753] : memref<1x125x128xi32, #tpu.memory_space<vmem>>, vector<1x1x128xi32>
    %get3A_2755 = vector.shape_cast %get3A_2754 : vector<1x1x128xi32> to vector<1x128xi32>
    %shift_right_arithmetic3A_2756 = arith.constant 8 : i32
    %shift_right_arithmetic3A_2757 = vector.broadcast %shift_right_arithmetic3A_2756 : i32 to vector<1x128xi32>
    %shift_right_arithmetic3A_2758 = arith.shrsi %get3A_2755, %shift_right_arithmetic3A_2757 : vector<1x128xi32>
    %eq3A_2759 = vector.broadcast %shift_right_arithmetic3A_2758 : vector<1x128xi32> to vector<128x128xi32>
    %eq3A_2760 = arith.cmpi eq, %eq3A_2759, %iota3A : vector<128x128xi32>
    %convert_element_type3A_2761 = arith.extui %eq3A_2760 : vector<128x128xi1> to vector<128x128xi32>
    %convert_element_type3A_2762 = arith.sitofp %convert_element_type3A_2761 : vector<128x128xi32> to vector<128x128xf32>
    %convert_element_type3A_2763 = arith.truncf %convert_element_type3A_2762 : vector<128x128xf32> to vector<128x128xbf16>
    %get3A_2764 = arith.constant 0 : index
    %get3A_2765 = arith.constant 88 : index
    %get3A_2766 = arith.constant 0 : index
    %get3A_2767 = vector.load %arg1[%get3A_2764, %get3A_2765, %get3A_2766] : memref<1x125x128xi32, #tpu.memory_space<vmem>>, vector<1x1x128xi32>
    %get3A_2768 = vector.shape_cast %get3A_2767 : vector<1x1x128xi32> to vector<1x128xi32>
    %shift_right_arithmetic3A_2769 = arith.constant 8 : i32
    %shift_right_arithmetic3A_2770 = vector.broadcast %shift_right_arithmetic3A_2769 : i32 to vector<1x128xi32>
    %shift_right_arithmetic3A_2771 = arith.shrsi %get3A_2768, %shift_right_arithmetic3A_2770 : vector<1x128xi32>
    %eq3A_2772 = vector.broadcast %shift_right_arithmetic3A_2771 : vector<1x128xi32> to vector<128x128xi32>
    %eq3A_2773 = arith.cmpi eq, %eq3A_2772, %iota3A : vector<128x128xi32>
    %convert_element_type3A_2774 = arith.extui %eq3A_2773 : vector<128x128xi1> to vector<128x128xi32>
    %convert_element_type3A_2775 = arith.sitofp %convert_element_type3A_2774 : vector<128x128xi32> to vector<128x128xf32>
    %convert_element_type3A_2776 = arith.truncf %convert_element_type3A_2775 : vector<128x128xf32> to vector<128x128xbf16>
    %get3A_2777 = arith.constant 0 : index
    %get3A_2778 = arith.constant 89 : index
    %get3A_2779 = arith.constant 0 : index
    %get3A_2780 = vector.load %arg1[%get3A_2777, %get3A_2778, %get3A_2779] : memref<1x125x128xi32, #tpu.memory_space<vmem>>, vector<1x1x128xi32>
    %get3A_2781 = vector.shape_cast %get3A_2780 : vector<1x1x128xi32> to vector<1x128xi32>
    %shift_right_arithmetic3A_2782 = arith.constant 8 : i32
    %shift_right_arithmetic3A_2783 = vector.broadcast %shift_right_arithmetic3A_2782 : i32 to vector<1x128xi32>
    %shift_right_arithmetic3A_2784 = arith.shrsi %get3A_2781, %shift_right_arithmetic3A_2783 : vector<1x128xi32>
    %eq3A_2785 = vector.broadcast %shift_right_arithmetic3A_2784 : vector<1x128xi32> to vector<128x128xi32>
    %eq3A_2786 = arith.cmpi eq, %eq3A_2785, %iota3A : vector<128x128xi32>
    %convert_element_type3A_2787 = arith.extui %eq3A_2786 : vector<128x128xi1> to vector<128x128xi32>
    %convert_element_type3A_2788 = arith.sitofp %convert_element_type3A_2787 : vector<128x128xi32> to vector<128x128xf32>
    %convert_element_type3A_2789 = arith.truncf %convert_element_type3A_2788 : vector<128x128xf32> to vector<128x128xbf16>
    %get3A_2790 = arith.constant 0 : index
    %get3A_2791 = arith.constant 90 : index
    %get3A_2792 = arith.constant 0 : index
    %get3A_2793 = vector.load %arg1[%get3A_2790, %get3A_2791, %get3A_2792] : memref<1x125x128xi32, #tpu.memory_space<vmem>>, vector<1x1x128xi32>
    %get3A_2794 = vector.shape_cast %get3A_2793 : vector<1x1x128xi32> to vector<1x128xi32>
    %shift_right_arithmetic3A_2795 = arith.constant 8 : i32
    %shift_right_arithmetic3A_2796 = vector.broadcast %shift_right_arithmetic3A_2795 : i32 to vector<1x128xi32>
    %shift_right_arithmetic3A_2797 = arith.shrsi %get3A_2794, %shift_right_arithmetic3A_2796 : vector<1x128xi32>
    %eq3A_2798 = vector.broadcast %shift_right_arithmetic3A_2797 : vector<1x128xi32> to vector<128x128xi32>
    %eq3A_2799 = arith.cmpi eq, %eq3A_2798, %iota3A : vector<128x128xi32>
    %convert_element_type3A_2800 = arith.extui %eq3A_2799 : vector<128x128xi1> to vector<128x128xi32>
    %convert_element_type3A_2801 = arith.sitofp %convert_element_type3A_2800 : vector<128x128xi32> to vector<128x128xf32>
    %convert_element_type3A_2802 = arith.truncf %convert_element_type3A_2801 : vector<128x128xf32> to vector<128x128xbf16>
    %get3A_2803 = arith.constant 0 : index
    %get3A_2804 = arith.constant 91 : index
    %get3A_2805 = arith.constant 0 : index
    %get3A_2806 = vector.load %arg1[%get3A_2803, %get3A_2804, %get3A_2805] : memref<1x125x128xi32, #tpu.memory_space<vmem>>, vector<1x1x128xi32>
    %get3A_2807 = vector.shape_cast %get3A_2806 : vector<1x1x128xi32> to vector<1x128xi32>
    %shift_right_arithmetic3A_2808 = arith.constant 8 : i32
    %shift_right_arithmetic3A_2809 = vector.broadcast %shift_right_arithmetic3A_2808 : i32 to vector<1x128xi32>
    %shift_right_arithmetic3A_2810 = arith.shrsi %get3A_2807, %shift_right_arithmetic3A_2809 : vector<1x128xi32>
    %eq3A_2811 = vector.broadcast %shift_right_arithmetic3A_2810 : vector<1x128xi32> to vector<128x128xi32>
    %eq3A_2812 = arith.cmpi eq, %eq3A_2811, %iota3A : vector<128x128xi32>
    %convert_element_type3A_2813 = arith.extui %eq3A_2812 : vector<128x128xi1> to vector<128x128xi32>
    %convert_element_type3A_2814 = arith.sitofp %convert_element_type3A_2813 : vector<128x128xi32> to vector<128x128xf32>
    %convert_element_type3A_2815 = arith.truncf %convert_element_type3A_2814 : vector<128x128xf32> to vector<128x128xbf16>
    %get3A_2816 = arith.constant 0 : index
    %get3A_2817 = arith.constant 92 : index
    %get3A_2818 = arith.constant 0 : index
    %get3A_2819 = vector.load %arg1[%get3A_2816, %get3A_2817, %get3A_2818] : memref<1x125x128xi32, #tpu.memory_space<vmem>>, vector<1x1x128xi32>
    %get3A_2820 = vector.shape_cast %get3A_2819 : vector<1x1x128xi32> to vector<1x128xi32>
    %shift_right_arithmetic3A_2821 = arith.constant 8 : i32
    %shift_right_arithmetic3A_2822 = vector.broadcast %shift_right_arithmetic3A_2821 : i32 to vector<1x128xi32>
    %shift_right_arithmetic3A_2823 = arith.shrsi %get3A_2820, %shift_right_arithmetic3A_2822 : vector<1x128xi32>
    %eq3A_2824 = vector.broadcast %shift_right_arithmetic3A_2823 : vector<1x128xi32> to vector<128x128xi32>
    %eq3A_2825 = arith.cmpi eq, %eq3A_2824, %iota3A : vector<128x128xi32>
    %convert_element_type3A_2826 = arith.extui %eq3A_2825 : vector<128x128xi1> to vector<128x128xi32>
    %convert_element_type3A_2827 = arith.sitofp %convert_element_type3A_2826 : vector<128x128xi32> to vector<128x128xf32>
    %convert_element_type3A_2828 = arith.truncf %convert_element_type3A_2827 : vector<128x128xf32> to vector<128x128xbf16>
    %get3A_2829 = arith.constant 0 : index
    %get3A_2830 = arith.constant 93 : index
    %get3A_2831 = arith.constant 0 : index
    %get3A_2832 = vector.load %arg1[%get3A_2829, %get3A_2830, %get3A_2831] : memref<1x125x128xi32, #tpu.memory_space<vmem>>, vector<1x1x128xi32>
    %get3A_2833 = vector.shape_cast %get3A_2832 : vector<1x1x128xi32> to vector<1x128xi32>
    %shift_right_arithmetic3A_2834 = arith.constant 8 : i32
    %shift_right_arithmetic3A_2835 = vector.broadcast %shift_right_arithmetic3A_2834 : i32 to vector<1x128xi32>
    %shift_right_arithmetic3A_2836 = arith.shrsi %get3A_2833, %shift_right_arithmetic3A_2835 : vector<1x128xi32>
    %eq3A_2837 = vector.broadcast %shift_right_arithmetic3A_2836 : vector<1x128xi32> to vector<128x128xi32>
    %eq3A_2838 = arith.cmpi eq, %eq3A_2837, %iota3A : vector<128x128xi32>
    %convert_element_type3A_2839 = arith.extui %eq3A_2838 : vector<128x128xi1> to vector<128x128xi32>
    %convert_element_type3A_2840 = arith.sitofp %convert_element_type3A_2839 : vector<128x128xi32> to vector<128x128xf32>
    %convert_element_type3A_2841 = arith.truncf %convert_element_type3A_2840 : vector<128x128xf32> to vector<128x128xbf16>
    %get3A_2842 = arith.constant 0 : index
    %get3A_2843 = arith.constant 94 : index
    %get3A_2844 = arith.constant 0 : index
    %get3A_2845 = vector.load %arg1[%get3A_2842, %get3A_2843, %get3A_2844] : memref<1x125x128xi32, #tpu.memory_space<vmem>>, vector<1x1x128xi32>
    %get3A_2846 = vector.shape_cast %get3A_2845 : vector<1x1x128xi32> to vector<1x128xi32>
    %shift_right_arithmetic3A_2847 = arith.constant 8 : i32
    %shift_right_arithmetic3A_2848 = vector.broadcast %shift_right_arithmetic3A_2847 : i32 to vector<1x128xi32>
    %shift_right_arithmetic3A_2849 = arith.shrsi %get3A_2846, %shift_right_arithmetic3A_2848 : vector<1x128xi32>
    %eq3A_2850 = vector.broadcast %shift_right_arithmetic3A_2849 : vector<1x128xi32> to vector<128x128xi32>
    %eq3A_2851 = arith.cmpi eq, %eq3A_2850, %iota3A : vector<128x128xi32>
    %convert_element_type3A_2852 = arith.extui %eq3A_2851 : vector<128x128xi1> to vector<128x128xi32>
    %convert_element_type3A_2853 = arith.sitofp %convert_element_type3A_2852 : vector<128x128xi32> to vector<128x128xf32>
    %convert_element_type3A_2854 = arith.truncf %convert_element_type3A_2853 : vector<128x128xf32> to vector<128x128xbf16>
    %get3A_2855 = arith.constant 0 : index
    %get3A_2856 = arith.constant 95 : index
    %get3A_2857 = arith.constant 0 : index
    %get3A_2858 = vector.load %arg1[%get3A_2855, %get3A_2856, %get3A_2857] : memref<1x125x128xi32, #tpu.memory_space<vmem>>, vector<1x1x128xi32>
    %get3A_2859 = vector.shape_cast %get3A_2858 : vector<1x1x128xi32> to vector<1x128xi32>
    %shift_right_arithmetic3A_2860 = arith.constant 8 : i32
    %shift_right_arithmetic3A_2861 = vector.broadcast %shift_right_arithmetic3A_2860 : i32 to vector<1x128xi32>
    %shift_right_arithmetic3A_2862 = arith.shrsi %get3A_2859, %shift_right_arithmetic3A_2861 : vector<1x128xi32>
    %eq3A_2863 = vector.broadcast %shift_right_arithmetic3A_2862 : vector<1x128xi32> to vector<128x128xi32>
    %eq3A_2864 = arith.cmpi eq, %eq3A_2863, %iota3A : vector<128x128xi32>
    %convert_element_type3A_2865 = arith.extui %eq3A_2864 : vector<128x128xi1> to vector<128x128xi32>
    %convert_element_type3A_2866 = arith.sitofp %convert_element_type3A_2865 : vector<128x128xi32> to vector<128x128xf32>
    %convert_element_type3A_2867 = arith.truncf %convert_element_type3A_2866 : vector<128x128xf32> to vector<128x128xbf16>
    %get3A_2868 = arith.constant 0 : index
    %get3A_2869 = arith.constant 96 : index
    %get3A_2870 = arith.constant 0 : index
    %get3A_2871 = vector.load %arg1[%get3A_2868, %get3A_2869, %get3A_2870] : memref<1x125x128xi32, #tpu.memory_space<vmem>>, vector<1x1x128xi32>
    %get3A_2872 = vector.shape_cast %get3A_2871 : vector<1x1x128xi32> to vector<1x128xi32>
    %shift_right_arithmetic3A_2873 = arith.constant 8 : i32
    %shift_right_arithmetic3A_2874 = vector.broadcast %shift_right_arithmetic3A_2873 : i32 to vector<1x128xi32>
    %shift_right_arithmetic3A_2875 = arith.shrsi %get3A_2872, %shift_right_arithmetic3A_2874 : vector<1x128xi32>
    %eq3A_2876 = vector.broadcast %shift_right_arithmetic3A_2875 : vector<1x128xi32> to vector<128x128xi32>
    %eq3A_2877 = arith.cmpi eq, %eq3A_2876, %iota3A : vector<128x128xi32>
    %convert_element_type3A_2878 = arith.extui %eq3A_2877 : vector<128x128xi1> to vector<128x128xi32>
    %convert_element_type3A_2879 = arith.sitofp %convert_element_type3A_2878 : vector<128x128xi32> to vector<128x128xf32>
    %convert_element_type3A_2880 = arith.truncf %convert_element_type3A_2879 : vector<128x128xf32> to vector<128x128xbf16>
    %get3A_2881 = arith.constant 0 : index
    %get3A_2882 = arith.constant 97 : index
    %get3A_2883 = arith.constant 0 : index
    %get3A_2884 = vector.load %arg1[%get3A_2881, %get3A_2882, %get3A_2883] : memref<1x125x128xi32, #tpu.memory_space<vmem>>, vector<1x1x128xi32>
    %get3A_2885 = vector.shape_cast %get3A_2884 : vector<1x1x128xi32> to vector<1x128xi32>
    %shift_right_arithmetic3A_2886 = arith.constant 8 : i32
    %shift_right_arithmetic3A_2887 = vector.broadcast %shift_right_arithmetic3A_2886 : i32 to vector<1x128xi32>
    %shift_right_arithmetic3A_2888 = arith.shrsi %get3A_2885, %shift_right_arithmetic3A_2887 : vector<1x128xi32>
    %eq3A_2889 = vector.broadcast %shift_right_arithmetic3A_2888 : vector<1x128xi32> to vector<128x128xi32>
    %eq3A_2890 = arith.cmpi eq, %eq3A_2889, %iota3A : vector<128x128xi32>
    %convert_element_type3A_2891 = arith.extui %eq3A_2890 : vector<128x128xi1> to vector<128x128xi32>
    %convert_element_type3A_2892 = arith.sitofp %convert_element_type3A_2891 : vector<128x128xi32> to vector<128x128xf32>
    %convert_element_type3A_2893 = arith.truncf %convert_element_type3A_2892 : vector<128x128xf32> to vector<128x128xbf16>
    %get3A_2894 = arith.constant 0 : index
    %get3A_2895 = arith.constant 98 : index
    %get3A_2896 = arith.constant 0 : index
    %get3A_2897 = vector.load %arg1[%get3A_2894, %get3A_2895, %get3A_2896] : memref<1x125x128xi32, #tpu.memory_space<vmem>>, vector<1x1x128xi32>
    %get3A_2898 = vector.shape_cast %get3A_2897 : vector<1x1x128xi32> to vector<1x128xi32>
    %shift_right_arithmetic3A_2899 = arith.constant 8 : i32
    %shift_right_arithmetic3A_2900 = vector.broadcast %shift_right_arithmetic3A_2899 : i32 to vector<1x128xi32>
    %shift_right_arithmetic3A_2901 = arith.shrsi %get3A_2898, %shift_right_arithmetic3A_2900 : vector<1x128xi32>
    %eq3A_2902 = vector.broadcast %shift_right_arithmetic3A_2901 : vector<1x128xi32> to vector<128x128xi32>
    %eq3A_2903 = arith.cmpi eq, %eq3A_2902, %iota3A : vector<128x128xi32>
    %convert_element_type3A_2904 = arith.extui %eq3A_2903 : vector<128x128xi1> to vector<128x128xi32>
    %convert_element_type3A_2905 = arith.sitofp %convert_element_type3A_2904 : vector<128x128xi32> to vector<128x128xf32>
    %convert_element_type3A_2906 = arith.truncf %convert_element_type3A_2905 : vector<128x128xf32> to vector<128x128xbf16>
    %get3A_2907 = arith.constant 0 : index
    %get3A_2908 = arith.constant 99 : index
    %get3A_2909 = arith.constant 0 : index
    %get3A_2910 = vector.load %arg1[%get3A_2907, %get3A_2908, %get3A_2909] : memref<1x125x128xi32, #tpu.memory_space<vmem>>, vector<1x1x128xi32>
    %get3A_2911 = vector.shape_cast %get3A_2910 : vector<1x1x128xi32> to vector<1x128xi32>
    %shift_right_arithmetic3A_2912 = arith.constant 8 : i32
    %shift_right_arithmetic3A_2913 = vector.broadcast %shift_right_arithmetic3A_2912 : i32 to vector<1x128xi32>
    %shift_right_arithmetic3A_2914 = arith.shrsi %get3A_2911, %shift_right_arithmetic3A_2913 : vector<1x128xi32>
    %eq3A_2915 = vector.broadcast %shift_right_arithmetic3A_2914 : vector<1x128xi32> to vector<128x128xi32>
    %eq3A_2916 = arith.cmpi eq, %eq3A_2915, %iota3A : vector<128x128xi32>
    %convert_element_type3A_2917 = arith.extui %eq3A_2916 : vector<128x128xi1> to vector<128x128xi32>
    %convert_element_type3A_2918 = arith.sitofp %convert_element_type3A_2917 : vector<128x128xi32> to vector<128x128xf32>
    %convert_element_type3A_2919 = arith.truncf %convert_element_type3A_2918 : vector<128x128xf32> to vector<128x128xbf16>
    %get3A_2920 = arith.constant 0 : index
    %get3A_2921 = arith.constant 100 : index
    %get3A_2922 = arith.constant 0 : index
    %get3A_2923 = vector.load %arg1[%get3A_2920, %get3A_2921, %get3A_2922] : memref<1x125x128xi32, #tpu.memory_space<vmem>>, vector<1x1x128xi32>
    %get3A_2924 = vector.shape_cast %get3A_2923 : vector<1x1x128xi32> to vector<1x128xi32>
    %shift_right_arithmetic3A_2925 = arith.constant 8 : i32
    %shift_right_arithmetic3A_2926 = vector.broadcast %shift_right_arithmetic3A_2925 : i32 to vector<1x128xi32>
    %shift_right_arithmetic3A_2927 = arith.shrsi %get3A_2924, %shift_right_arithmetic3A_2926 : vector<1x128xi32>
    %eq3A_2928 = vector.broadcast %shift_right_arithmetic3A_2927 : vector<1x128xi32> to vector<128x128xi32>
    %eq3A_2929 = arith.cmpi eq, %eq3A_2928, %iota3A : vector<128x128xi32>
    %convert_element_type3A_2930 = arith.extui %eq3A_2929 : vector<128x128xi1> to vector<128x128xi32>
    %convert_element_type3A_2931 = arith.sitofp %convert_element_type3A_2930 : vector<128x128xi32> to vector<128x128xf32>
    %convert_element_type3A_2932 = arith.truncf %convert_element_type3A_2931 : vector<128x128xf32> to vector<128x128xbf16>
    %get3A_2933 = arith.constant 0 : index
    %get3A_2934 = arith.constant 101 : index
    %get3A_2935 = arith.constant 0 : index
    %get3A_2936 = vector.load %arg1[%get3A_2933, %get3A_2934, %get3A_2935] : memref<1x125x128xi32, #tpu.memory_space<vmem>>, vector<1x1x128xi32>
    %get3A_2937 = vector.shape_cast %get3A_2936 : vector<1x1x128xi32> to vector<1x128xi32>
    %shift_right_arithmetic3A_2938 = arith.constant 8 : i32
    %shift_right_arithmetic3A_2939 = vector.broadcast %shift_right_arithmetic3A_2938 : i32 to vector<1x128xi32>
    %shift_right_arithmetic3A_2940 = arith.shrsi %get3A_2937, %shift_right_arithmetic3A_2939 : vector<1x128xi32>
    %eq3A_2941 = vector.broadcast %shift_right_arithmetic3A_2940 : vector<1x128xi32> to vector<128x128xi32>
    %eq3A_2942 = arith.cmpi eq, %eq3A_2941, %iota3A : vector<128x128xi32>
    %convert_element_type3A_2943 = arith.extui %eq3A_2942 : vector<128x128xi1> to vector<128x128xi32>
    %convert_element_type3A_2944 = arith.sitofp %convert_element_type3A_2943 : vector<128x128xi32> to vector<128x128xf32>
    %convert_element_type3A_2945 = arith.truncf %convert_element_type3A_2944 : vector<128x128xf32> to vector<128x128xbf16>
    %get3A_2946 = arith.constant 0 : index
    %get3A_2947 = arith.constant 102 : index
    %get3A_2948 = arith.constant 0 : index
    %get3A_2949 = vector.load %arg1[%get3A_2946, %get3A_2947, %get3A_2948] : memref<1x125x128xi32, #tpu.memory_space<vmem>>, vector<1x1x128xi32>
    %get3A_2950 = vector.shape_cast %get3A_2949 : vector<1x1x128xi32> to vector<1x128xi32>
    %shift_right_arithmetic3A_2951 = arith.constant 8 : i32
    %shift_right_arithmetic3A_2952 = vector.broadcast %shift_right_arithmetic3A_2951 : i32 to vector<1x128xi32>
    %shift_right_arithmetic3A_2953 = arith.shrsi %get3A_2950, %shift_right_arithmetic3A_2952 : vector<1x128xi32>
    %eq3A_2954 = vector.broadcast %shift_right_arithmetic3A_2953 : vector<1x128xi32> to vector<128x128xi32>
    %eq3A_2955 = arith.cmpi eq, %eq3A_2954, %iota3A : vector<128x128xi32>
    %convert_element_type3A_2956 = arith.extui %eq3A_2955 : vector<128x128xi1> to vector<128x128xi32>
    %convert_element_type3A_2957 = arith.sitofp %convert_element_type3A_2956 : vector<128x128xi32> to vector<128x128xf32>
    %convert_element_type3A_2958 = arith.truncf %convert_element_type3A_2957 : vector<128x128xf32> to vector<128x128xbf16>
    %get3A_2959 = arith.constant 0 : index
    %get3A_2960 = arith.constant 103 : index
    %get3A_2961 = arith.constant 0 : index
    %get3A_2962 = vector.load %arg1[%get3A_2959, %get3A_2960, %get3A_2961] : memref<1x125x128xi32, #tpu.memory_space<vmem>>, vector<1x1x128xi32>
    %get3A_2963 = vector.shape_cast %get3A_2962 : vector<1x1x128xi32> to vector<1x128xi32>
    %shift_right_arithmetic3A_2964 = arith.constant 8 : i32
    %shift_right_arithmetic3A_2965 = vector.broadcast %shift_right_arithmetic3A_2964 : i32 to vector<1x128xi32>
    %shift_right_arithmetic3A_2966 = arith.shrsi %get3A_2963, %shift_right_arithmetic3A_2965 : vector<1x128xi32>
    %eq3A_2967 = vector.broadcast %shift_right_arithmetic3A_2966 : vector<1x128xi32> to vector<128x128xi32>
    %eq3A_2968 = arith.cmpi eq, %eq3A_2967, %iota3A : vector<128x128xi32>
    %convert_element_type3A_2969 = arith.extui %eq3A_2968 : vector<128x128xi1> to vector<128x128xi32>
    %convert_element_type3A_2970 = arith.sitofp %convert_element_type3A_2969 : vector<128x128xi32> to vector<128x128xf32>
    %convert_element_type3A_2971 = arith.truncf %convert_element_type3A_2970 : vector<128x128xf32> to vector<128x128xbf16>
    %get3A_2972 = arith.constant 0 : index
    %get3A_2973 = arith.constant 104 : index
    %get3A_2974 = arith.constant 0 : index
    %get3A_2975 = vector.load %arg1[%get3A_2972, %get3A_2973, %get3A_2974] : memref<1x125x128xi32, #tpu.memory_space<vmem>>, vector<1x1x128xi32>
    %get3A_2976 = vector.shape_cast %get3A_2975 : vector<1x1x128xi32> to vector<1x128xi32>
    %shift_right_arithmetic3A_2977 = arith.constant 8 : i32
    %shift_right_arithmetic3A_2978 = vector.broadcast %shift_right_arithmetic3A_2977 : i32 to vector<1x128xi32>
    %shift_right_arithmetic3A_2979 = arith.shrsi %get3A_2976, %shift_right_arithmetic3A_2978 : vector<1x128xi32>
    %eq3A_2980 = vector.broadcast %shift_right_arithmetic3A_2979 : vector<1x128xi32> to vector<128x128xi32>
    %eq3A_2981 = arith.cmpi eq, %eq3A_2980, %iota3A : vector<128x128xi32>
    %convert_element_type3A_2982 = arith.extui %eq3A_2981 : vector<128x128xi1> to vector<128x128xi32>
    %convert_element_type3A_2983 = arith.sitofp %convert_element_type3A_2982 : vector<128x128xi32> to vector<128x128xf32>
    %convert_element_type3A_2984 = arith.truncf %convert_element_type3A_2983 : vector<128x128xf32> to vector<128x128xbf16>
    %get3A_2985 = arith.constant 0 : index
    %get3A_2986 = arith.constant 105 : index
    %get3A_2987 = arith.constant 0 : index
    %get3A_2988 = vector.load %arg1[%get3A_2985, %get3A_2986, %get3A_2987] : memref<1x125x128xi32, #tpu.memory_space<vmem>>, vector<1x1x128xi32>
    %get3A_2989 = vector.shape_cast %get3A_2988 : vector<1x1x128xi32> to vector<1x128xi32>
    %shift_right_arithmetic3A_2990 = arith.constant 8 : i32
    %shift_right_arithmetic3A_2991 = vector.broadcast %shift_right_arithmetic3A_2990 : i32 to vector<1x128xi32>
    %shift_right_arithmetic3A_2992 = arith.shrsi %get3A_2989, %shift_right_arithmetic3A_2991 : vector<1x128xi32>
    %eq3A_2993 = vector.broadcast %shift_right_arithmetic3A_2992 : vector<1x128xi32> to vector<128x128xi32>
    %eq3A_2994 = arith.cmpi eq, %eq3A_2993, %iota3A : vector<128x128xi32>
    %convert_element_type3A_2995 = arith.extui %eq3A_2994 : vector<128x128xi1> to vector<128x128xi32>
    %convert_element_type3A_2996 = arith.sitofp %convert_element_type3A_2995 : vector<128x128xi32> to vector<128x128xf32>
    %convert_element_type3A_2997 = arith.truncf %convert_element_type3A_2996 : vector<128x128xf32> to vector<128x128xbf16>
    %get3A_2998 = arith.constant 0 : index
    %get3A_2999 = arith.constant 106 : index
    %get3A_3000 = arith.constant 0 : index
    %get3A_3001 = vector.load %arg1[%get3A_2998, %get3A_2999, %get3A_3000] : memref<1x125x128xi32, #tpu.memory_space<vmem>>, vector<1x1x128xi32>
    %get3A_3002 = vector.shape_cast %get3A_3001 : vector<1x1x128xi32> to vector<1x128xi32>
    %shift_right_arithmetic3A_3003 = arith.constant 8 : i32
    %shift_right_arithmetic3A_3004 = vector.broadcast %shift_right_arithmetic3A_3003 : i32 to vector<1x128xi32>
    %shift_right_arithmetic3A_3005 = arith.shrsi %get3A_3002, %shift_right_arithmetic3A_3004 : vector<1x128xi32>
    %eq3A_3006 = vector.broadcast %shift_right_arithmetic3A_3005 : vector<1x128xi32> to vector<128x128xi32>
    %eq3A_3007 = arith.cmpi eq, %eq3A_3006, %iota3A : vector<128x128xi32>
    %convert_element_type3A_3008 = arith.extui %eq3A_3007 : vector<128x128xi1> to vector<128x128xi32>
    %convert_element_type3A_3009 = arith.sitofp %convert_element_type3A_3008 : vector<128x128xi32> to vector<128x128xf32>
    %convert_element_type3A_3010 = arith.truncf %convert_element_type3A_3009 : vector<128x128xf32> to vector<128x128xbf16>
    %get3A_3011 = arith.constant 0 : index
    %get3A_3012 = arith.constant 107 : index
    %get3A_3013 = arith.constant 0 : index
    %get3A_3014 = vector.load %arg1[%get3A_3011, %get3A_3012, %get3A_3013] : memref<1x125x128xi32, #tpu.memory_space<vmem>>, vector<1x1x128xi32>
    %get3A_3015 = vector.shape_cast %get3A_3014 : vector<1x1x128xi32> to vector<1x128xi32>
    %shift_right_arithmetic3A_3016 = arith.constant 8 : i32
    %shift_right_arithmetic3A_3017 = vector.broadcast %shift_right_arithmetic3A_3016 : i32 to vector<1x128xi32>
    %shift_right_arithmetic3A_3018 = arith.shrsi %get3A_3015, %shift_right_arithmetic3A_3017 : vector<1x128xi32>
    %eq3A_3019 = vector.broadcast %shift_right_arithmetic3A_3018 : vector<1x128xi32> to vector<128x128xi32>
    %eq3A_3020 = arith.cmpi eq, %eq3A_3019, %iota3A : vector<128x128xi32>
    %convert_element_type3A_3021 = arith.extui %eq3A_3020 : vector<128x128xi1> to vector<128x128xi32>
    %convert_element_type3A_3022 = arith.sitofp %convert_element_type3A_3021 : vector<128x128xi32> to vector<128x128xf32>
    %convert_element_type3A_3023 = arith.truncf %convert_element_type3A_3022 : vector<128x128xf32> to vector<128x128xbf16>
    %get3A_3024 = arith.constant 0 : index
    %get3A_3025 = arith.constant 108 : index
    %get3A_3026 = arith.constant 0 : index
    %get3A_3027 = vector.load %arg1[%get3A_3024, %get3A_3025, %get3A_3026] : memref<1x125x128xi32, #tpu.memory_space<vmem>>, vector<1x1x128xi32>
    %get3A_3028 = vector.shape_cast %get3A_3027 : vector<1x1x128xi32> to vector<1x128xi32>
    %shift_right_arithmetic3A_3029 = arith.constant 8 : i32
    %shift_right_arithmetic3A_3030 = vector.broadcast %shift_right_arithmetic3A_3029 : i32 to vector<1x128xi32>
    %shift_right_arithmetic3A_3031 = arith.shrsi %get3A_3028, %shift_right_arithmetic3A_3030 : vector<1x128xi32>
    %eq3A_3032 = vector.broadcast %shift_right_arithmetic3A_3031 : vector<1x128xi32> to vector<128x128xi32>
    %eq3A_3033 = arith.cmpi eq, %eq3A_3032, %iota3A : vector<128x128xi32>
    %convert_element_type3A_3034 = arith.extui %eq3A_3033 : vector<128x128xi1> to vector<128x128xi32>
    %convert_element_type3A_3035 = arith.sitofp %convert_element_type3A_3034 : vector<128x128xi32> to vector<128x128xf32>
    %convert_element_type3A_3036 = arith.truncf %convert_element_type3A_3035 : vector<128x128xf32> to vector<128x128xbf16>
    %get3A_3037 = arith.constant 0 : index
    %get3A_3038 = arith.constant 109 : index
    %get3A_3039 = arith.constant 0 : index
    %get3A_3040 = vector.load %arg1[%get3A_3037, %get3A_3038, %get3A_3039] : memref<1x125x128xi32, #tpu.memory_space<vmem>>, vector<1x1x128xi32>
    %get3A_3041 = vector.shape_cast %get3A_3040 : vector<1x1x128xi32> to vector<1x128xi32>
    %shift_right_arithmetic3A_3042 = arith.constant 8 : i32
    %shift_right_arithmetic3A_3043 = vector.broadcast %shift_right_arithmetic3A_3042 : i32 to vector<1x128xi32>
    %shift_right_arithmetic3A_3044 = arith.shrsi %get3A_3041, %shift_right_arithmetic3A_3043 : vector<1x128xi32>
    %eq3A_3045 = vector.broadcast %shift_right_arithmetic3A_3044 : vector<1x128xi32> to vector<128x128xi32>
    %eq3A_3046 = arith.cmpi eq, %eq3A_3045, %iota3A : vector<128x128xi32>
    %convert_element_type3A_3047 = arith.extui %eq3A_3046 : vector<128x128xi1> to vector<128x128xi32>
    %convert_element_type3A_3048 = arith.sitofp %convert_element_type3A_3047 : vector<128x128xi32> to vector<128x128xf32>
    %convert_element_type3A_3049 = arith.truncf %convert_element_type3A_3048 : vector<128x128xf32> to vector<128x128xbf16>
    %get3A_3050 = arith.constant 0 : index
    %get3A_3051 = arith.constant 110 : index
    %get3A_3052 = arith.constant 0 : index
    %get3A_3053 = vector.load %arg1[%get3A_3050, %get3A_3051, %get3A_3052] : memref<1x125x128xi32, #tpu.memory_space<vmem>>, vector<1x1x128xi32>
    %get3A_3054 = vector.shape_cast %get3A_3053 : vector<1x1x128xi32> to vector<1x128xi32>
    %shift_right_arithmetic3A_3055 = arith.constant 8 : i32
    %shift_right_arithmetic3A_3056 = vector.broadcast %shift_right_arithmetic3A_3055 : i32 to vector<1x128xi32>
    %shift_right_arithmetic3A_3057 = arith.shrsi %get3A_3054, %shift_right_arithmetic3A_3056 : vector<1x128xi32>
    %eq3A_3058 = vector.broadcast %shift_right_arithmetic3A_3057 : vector<1x128xi32> to vector<128x128xi32>
    %eq3A_3059 = arith.cmpi eq, %eq3A_3058, %iota3A : vector<128x128xi32>
    %convert_element_type3A_3060 = arith.extui %eq3A_3059 : vector<128x128xi1> to vector<128x128xi32>
    %convert_element_type3A_3061 = arith.sitofp %convert_element_type3A_3060 : vector<128x128xi32> to vector<128x128xf32>
    %convert_element_type3A_3062 = arith.truncf %convert_element_type3A_3061 : vector<128x128xf32> to vector<128x128xbf16>
    %get3A_3063 = arith.constant 0 : index
    %get3A_3064 = arith.constant 111 : index
    %get3A_3065 = arith.constant 0 : index
    %get3A_3066 = vector.load %arg1[%get3A_3063, %get3A_3064, %get3A_3065] : memref<1x125x128xi32, #tpu.memory_space<vmem>>, vector<1x1x128xi32>
    %get3A_3067 = vector.shape_cast %get3A_3066 : vector<1x1x128xi32> to vector<1x128xi32>
    %shift_right_arithmetic3A_3068 = arith.constant 8 : i32
    %shift_right_arithmetic3A_3069 = vector.broadcast %shift_right_arithmetic3A_3068 : i32 to vector<1x128xi32>
    %shift_right_arithmetic3A_3070 = arith.shrsi %get3A_3067, %shift_right_arithmetic3A_3069 : vector<1x128xi32>
    %eq3A_3071 = vector.broadcast %shift_right_arithmetic3A_3070 : vector<1x128xi32> to vector<128x128xi32>
    %eq3A_3072 = arith.cmpi eq, %eq3A_3071, %iota3A : vector<128x128xi32>
    %convert_element_type3A_3073 = arith.extui %eq3A_3072 : vector<128x128xi1> to vector<128x128xi32>
    %convert_element_type3A_3074 = arith.sitofp %convert_element_type3A_3073 : vector<128x128xi32> to vector<128x128xf32>
    %convert_element_type3A_3075 = arith.truncf %convert_element_type3A_3074 : vector<128x128xf32> to vector<128x128xbf16>
    %get3A_3076 = arith.constant 0 : index
    %get3A_3077 = arith.constant 112 : index
    %get3A_3078 = arith.constant 0 : index
    %get3A_3079 = vector.load %arg1[%get3A_3076, %get3A_3077, %get3A_3078] : memref<1x125x128xi32, #tpu.memory_space<vmem>>, vector<1x1x128xi32>
    %get3A_3080 = vector.shape_cast %get3A_3079 : vector<1x1x128xi32> to vector<1x128xi32>
    %shift_right_arithmetic3A_3081 = arith.constant 8 : i32
    %shift_right_arithmetic3A_3082 = vector.broadcast %shift_right_arithmetic3A_3081 : i32 to vector<1x128xi32>
    %shift_right_arithmetic3A_3083 = arith.shrsi %get3A_3080, %shift_right_arithmetic3A_3082 : vector<1x128xi32>
    %eq3A_3084 = vector.broadcast %shift_right_arithmetic3A_3083 : vector<1x128xi32> to vector<128x128xi32>
    %eq3A_3085 = arith.cmpi eq, %eq3A_3084, %iota3A : vector<128x128xi32>
    %convert_element_type3A_3086 = arith.extui %eq3A_3085 : vector<128x128xi1> to vector<128x128xi32>
    %convert_element_type3A_3087 = arith.sitofp %convert_element_type3A_3086 : vector<128x128xi32> to vector<128x128xf32>
    %convert_element_type3A_3088 = arith.truncf %convert_element_type3A_3087 : vector<128x128xf32> to vector<128x128xbf16>
    %get3A_3089 = arith.constant 0 : index
    %get3A_3090 = arith.constant 113 : index
    %get3A_3091 = arith.constant 0 : index
    %get3A_3092 = vector.load %arg1[%get3A_3089, %get3A_3090, %get3A_3091] : memref<1x125x128xi32, #tpu.memory_space<vmem>>, vector<1x1x128xi32>
    %get3A_3093 = vector.shape_cast %get3A_3092 : vector<1x1x128xi32> to vector<1x128xi32>
    %shift_right_arithmetic3A_3094 = arith.constant 8 : i32
    %shift_right_arithmetic3A_3095 = vector.broadcast %shift_right_arithmetic3A_3094 : i32 to vector<1x128xi32>
    %shift_right_arithmetic3A_3096 = arith.shrsi %get3A_3093, %shift_right_arithmetic3A_3095 : vector<1x128xi32>
    %eq3A_3097 = vector.broadcast %shift_right_arithmetic3A_3096 : vector<1x128xi32> to vector<128x128xi32>
    %eq3A_3098 = arith.cmpi eq, %eq3A_3097, %iota3A : vector<128x128xi32>
    %convert_element_type3A_3099 = arith.extui %eq3A_3098 : vector<128x128xi1> to vector<128x128xi32>
    %convert_element_type3A_3100 = arith.sitofp %convert_element_type3A_3099 : vector<128x128xi32> to vector<128x128xf32>
    %convert_element_type3A_3101 = arith.truncf %convert_element_type3A_3100 : vector<128x128xf32> to vector<128x128xbf16>
    %get3A_3102 = arith.constant 0 : index
    %get3A_3103 = arith.constant 114 : index
    %get3A_3104 = arith.constant 0 : index
    %get3A_3105 = vector.load %arg1[%get3A_3102, %get3A_3103, %get3A_3104] : memref<1x125x128xi32, #tpu.memory_space<vmem>>, vector<1x1x128xi32>
    %get3A_3106 = vector.shape_cast %get3A_3105 : vector<1x1x128xi32> to vector<1x128xi32>
    %shift_right_arithmetic3A_3107 = arith.constant 8 : i32
    %shift_right_arithmetic3A_3108 = vector.broadcast %shift_right_arithmetic3A_3107 : i32 to vector<1x128xi32>
    %shift_right_arithmetic3A_3109 = arith.shrsi %get3A_3106, %shift_right_arithmetic3A_3108 : vector<1x128xi32>
    %eq3A_3110 = vector.broadcast %shift_right_arithmetic3A_3109 : vector<1x128xi32> to vector<128x128xi32>
    %eq3A_3111 = arith.cmpi eq, %eq3A_3110, %iota3A : vector<128x128xi32>
    %convert_element_type3A_3112 = arith.extui %eq3A_3111 : vector<128x128xi1> to vector<128x128xi32>
    %convert_element_type3A_3113 = arith.sitofp %convert_element_type3A_3112 : vector<128x128xi32> to vector<128x128xf32>
    %convert_element_type3A_3114 = arith.truncf %convert_element_type3A_3113 : vector<128x128xf32> to vector<128x128xbf16>
    %get3A_3115 = arith.constant 0 : index
    %get3A_3116 = arith.constant 115 : index
    %get3A_3117 = arith.constant 0 : index
    %get3A_3118 = vector.load %arg1[%get3A_3115, %get3A_3116, %get3A_3117] : memref<1x125x128xi32, #tpu.memory_space<vmem>>, vector<1x1x128xi32>
    %get3A_3119 = vector.shape_cast %get3A_3118 : vector<1x1x128xi32> to vector<1x128xi32>
    %shift_right_arithmetic3A_3120 = arith.constant 8 : i32
    %shift_right_arithmetic3A_3121 = vector.broadcast %shift_right_arithmetic3A_3120 : i32 to vector<1x128xi32>
    %shift_right_arithmetic3A_3122 = arith.shrsi %get3A_3119, %shift_right_arithmetic3A_3121 : vector<1x128xi32>
    %eq3A_3123 = vector.broadcast %shift_right_arithmetic3A_3122 : vector<1x128xi32> to vector<128x128xi32>
    %eq3A_3124 = arith.cmpi eq, %eq3A_3123, %iota3A : vector<128x128xi32>
    %convert_element_type3A_3125 = arith.extui %eq3A_3124 : vector<128x128xi1> to vector<128x128xi32>
    %convert_element_type3A_3126 = arith.sitofp %convert_element_type3A_3125 : vector<128x128xi32> to vector<128x128xf32>
    %convert_element_type3A_3127 = arith.truncf %convert_element_type3A_3126 : vector<128x128xf32> to vector<128x128xbf16>
    %get3A_3128 = arith.constant 0 : index
    %get3A_3129 = arith.constant 116 : index
    %get3A_3130 = arith.constant 0 : index
    %get3A_3131 = vector.load %arg1[%get3A_3128, %get3A_3129, %get3A_3130] : memref<1x125x128xi32, #tpu.memory_space<vmem>>, vector<1x1x128xi32>
    %get3A_3132 = vector.shape_cast %get3A_3131 : vector<1x1x128xi32> to vector<1x128xi32>
    %shift_right_arithmetic3A_3133 = arith.constant 8 : i32
    %shift_right_arithmetic3A_3134 = vector.broadcast %shift_right_arithmetic3A_3133 : i32 to vector<1x128xi32>
    %shift_right_arithmetic3A_3135 = arith.shrsi %get3A_3132, %shift_right_arithmetic3A_3134 : vector<1x128xi32>
    %eq3A_3136 = vector.broadcast %shift_right_arithmetic3A_3135 : vector<1x128xi32> to vector<128x128xi32>
    %eq3A_3137 = arith.cmpi eq, %eq3A_3136, %iota3A : vector<128x128xi32>
    %convert_element_type3A_3138 = arith.extui %eq3A_3137 : vector<128x128xi1> to vector<128x128xi32>
    %convert_element_type3A_3139 = arith.sitofp %convert_element_type3A_3138 : vector<128x128xi32> to vector<128x128xf32>
    %convert_element_type3A_3140 = arith.truncf %convert_element_type3A_3139 : vector<128x128xf32> to vector<128x128xbf16>
    %get3A_3141 = arith.constant 0 : index
    %get3A_3142 = arith.constant 117 : index
    %get3A_3143 = arith.constant 0 : index
    %get3A_3144 = vector.load %arg1[%get3A_3141, %get3A_3142, %get3A_3143] : memref<1x125x128xi32, #tpu.memory_space<vmem>>, vector<1x1x128xi32>
    %get3A_3145 = vector.shape_cast %get3A_3144 : vector<1x1x128xi32> to vector<1x128xi32>
    %shift_right_arithmetic3A_3146 = arith.constant 8 : i32
    %shift_right_arithmetic3A_3147 = vector.broadcast %shift_right_arithmetic3A_3146 : i32 to vector<1x128xi32>
    %shift_right_arithmetic3A_3148 = arith.shrsi %get3A_3145, %shift_right_arithmetic3A_3147 : vector<1x128xi32>
    %eq3A_3149 = vector.broadcast %shift_right_arithmetic3A_3148 : vector<1x128xi32> to vector<128x128xi32>
    %eq3A_3150 = arith.cmpi eq, %eq3A_3149, %iota3A : vector<128x128xi32>
    %convert_element_type3A_3151 = arith.extui %eq3A_3150 : vector<128x128xi1> to vector<128x128xi32>
    %convert_element_type3A_3152 = arith.sitofp %convert_element_type3A_3151 : vector<128x128xi32> to vector<128x128xf32>
    %convert_element_type3A_3153 = arith.truncf %convert_element_type3A_3152 : vector<128x128xf32> to vector<128x128xbf16>
    %get3A_3154 = arith.constant 0 : index
    %get3A_3155 = arith.constant 118 : index
    %get3A_3156 = arith.constant 0 : index
    %get3A_3157 = vector.load %arg1[%get3A_3154, %get3A_3155, %get3A_3156] : memref<1x125x128xi32, #tpu.memory_space<vmem>>, vector<1x1x128xi32>
    %get3A_3158 = vector.shape_cast %get3A_3157 : vector<1x1x128xi32> to vector<1x128xi32>
    %shift_right_arithmetic3A_3159 = arith.constant 8 : i32
    %shift_right_arithmetic3A_3160 = vector.broadcast %shift_right_arithmetic3A_3159 : i32 to vector<1x128xi32>
    %shift_right_arithmetic3A_3161 = arith.shrsi %get3A_3158, %shift_right_arithmetic3A_3160 : vector<1x128xi32>
    %eq3A_3162 = vector.broadcast %shift_right_arithmetic3A_3161 : vector<1x128xi32> to vector<128x128xi32>
    %eq3A_3163 = arith.cmpi eq, %eq3A_3162, %iota3A : vector<128x128xi32>
    %convert_element_type3A_3164 = arith.extui %eq3A_3163 : vector<128x128xi1> to vector<128x128xi32>
    %convert_element_type3A_3165 = arith.sitofp %convert_element_type3A_3164 : vector<128x128xi32> to vector<128x128xf32>
    %convert_element_type3A_3166 = arith.truncf %convert_element_type3A_3165 : vector<128x128xf32> to vector<128x128xbf16>
    %get3A_3167 = arith.constant 0 : index
    %get3A_3168 = arith.constant 119 : index
    %get3A_3169 = arith.constant 0 : index
    %get3A_3170 = vector.load %arg1[%get3A_3167, %get3A_3168, %get3A_3169] : memref<1x125x128xi32, #tpu.memory_space<vmem>>, vector<1x1x128xi32>
    %get3A_3171 = vector.shape_cast %get3A_3170 : vector<1x1x128xi32> to vector<1x128xi32>
    %shift_right_arithmetic3A_3172 = arith.constant 8 : i32
    %shift_right_arithmetic3A_3173 = vector.broadcast %shift_right_arithmetic3A_3172 : i32 to vector<1x128xi32>
    %shift_right_arithmetic3A_3174 = arith.shrsi %get3A_3171, %shift_right_arithmetic3A_3173 : vector<1x128xi32>
    %eq3A_3175 = vector.broadcast %shift_right_arithmetic3A_3174 : vector<1x128xi32> to vector<128x128xi32>
    %eq3A_3176 = arith.cmpi eq, %eq3A_3175, %iota3A : vector<128x128xi32>
    %convert_element_type3A_3177 = arith.extui %eq3A_3176 : vector<128x128xi1> to vector<128x128xi32>
    %convert_element_type3A_3178 = arith.sitofp %convert_element_type3A_3177 : vector<128x128xi32> to vector<128x128xf32>
    %convert_element_type3A_3179 = arith.truncf %convert_element_type3A_3178 : vector<128x128xf32> to vector<128x128xbf16>
    %get3A_3180 = arith.constant 0 : index
    %get3A_3181 = arith.constant 120 : index
    %get3A_3182 = arith.constant 0 : index
    %get3A_3183 = vector.load %arg1[%get3A_3180, %get3A_3181, %get3A_3182] : memref<1x125x128xi32, #tpu.memory_space<vmem>>, vector<1x1x128xi32>
    %get3A_3184 = vector.shape_cast %get3A_3183 : vector<1x1x128xi32> to vector<1x128xi32>
    %shift_right_arithmetic3A_3185 = arith.constant 8 : i32
    %shift_right_arithmetic3A_3186 = vector.broadcast %shift_right_arithmetic3A_3185 : i32 to vector<1x128xi32>
    %shift_right_arithmetic3A_3187 = arith.shrsi %get3A_3184, %shift_right_arithmetic3A_3186 : vector<1x128xi32>
    %eq3A_3188 = vector.broadcast %shift_right_arithmetic3A_3187 : vector<1x128xi32> to vector<128x128xi32>
    %eq3A_3189 = arith.cmpi eq, %eq3A_3188, %iota3A : vector<128x128xi32>
    %convert_element_type3A_3190 = arith.extui %eq3A_3189 : vector<128x128xi1> to vector<128x128xi32>
    %convert_element_type3A_3191 = arith.sitofp %convert_element_type3A_3190 : vector<128x128xi32> to vector<128x128xf32>
    %convert_element_type3A_3192 = arith.truncf %convert_element_type3A_3191 : vector<128x128xf32> to vector<128x128xbf16>
    %get3A_3193 = arith.constant 0 : index
    %get3A_3194 = arith.constant 121 : index
    %get3A_3195 = arith.constant 0 : index
    %get3A_3196 = vector.load %arg1[%get3A_3193, %get3A_3194, %get3A_3195] : memref<1x125x128xi32, #tpu.memory_space<vmem>>, vector<1x1x128xi32>
    %get3A_3197 = vector.shape_cast %get3A_3196 : vector<1x1x128xi32> to vector<1x128xi32>
    %shift_right_arithmetic3A_3198 = arith.constant 8 : i32
    %shift_right_arithmetic3A_3199 = vector.broadcast %shift_right_arithmetic3A_3198 : i32 to vector<1x128xi32>
    %shift_right_arithmetic3A_3200 = arith.shrsi %get3A_3197, %shift_right_arithmetic3A_3199 : vector<1x128xi32>
    %eq3A_3201 = vector.broadcast %shift_right_arithmetic3A_3200 : vector<1x128xi32> to vector<128x128xi32>
    %eq3A_3202 = arith.cmpi eq, %eq3A_3201, %iota3A : vector<128x128xi32>
    %convert_element_type3A_3203 = arith.extui %eq3A_3202 : vector<128x128xi1> to vector<128x128xi32>
    %convert_element_type3A_3204 = arith.sitofp %convert_element_type3A_3203 : vector<128x128xi32> to vector<128x128xf32>
    %convert_element_type3A_3205 = arith.truncf %convert_element_type3A_3204 : vector<128x128xf32> to vector<128x128xbf16>
    %get3A_3206 = arith.constant 0 : index
    %get3A_3207 = arith.constant 122 : index
    %get3A_3208 = arith.constant 0 : index
    %get3A_3209 = vector.load %arg1[%get3A_3206, %get3A_3207, %get3A_3208] : memref<1x125x128xi32, #tpu.memory_space<vmem>>, vector<1x1x128xi32>
    %get3A_3210 = vector.shape_cast %get3A_3209 : vector<1x1x128xi32> to vector<1x128xi32>
    %shift_right_arithmetic3A_3211 = arith.constant 8 : i32
    %shift_right_arithmetic3A_3212 = vector.broadcast %shift_right_arithmetic3A_3211 : i32 to vector<1x128xi32>
    %shift_right_arithmetic3A_3213 = arith.shrsi %get3A_3210, %shift_right_arithmetic3A_3212 : vector<1x128xi32>
    %eq3A_3214 = vector.broadcast %shift_right_arithmetic3A_3213 : vector<1x128xi32> to vector<128x128xi32>
    %eq3A_3215 = arith.cmpi eq, %eq3A_3214, %iota3A : vector<128x128xi32>
    %convert_element_type3A_3216 = arith.extui %eq3A_3215 : vector<128x128xi1> to vector<128x128xi32>
    %convert_element_type3A_3217 = arith.sitofp %convert_element_type3A_3216 : vector<128x128xi32> to vector<128x128xf32>
    %convert_element_type3A_3218 = arith.truncf %convert_element_type3A_3217 : vector<128x128xf32> to vector<128x128xbf16>
    %get3A_3219 = arith.constant 0 : index
    %get3A_3220 = arith.constant 123 : index
    %get3A_3221 = arith.constant 0 : index
    %get3A_3222 = vector.load %arg1[%get3A_3219, %get3A_3220, %get3A_3221] : memref<1x125x128xi32, #tpu.memory_space<vmem>>, vector<1x1x128xi32>
    %get3A_3223 = vector.shape_cast %get3A_3222 : vector<1x1x128xi32> to vector<1x128xi32>
    %shift_right_arithmetic3A_3224 = arith.constant 8 : i32
    %shift_right_arithmetic3A_3225 = vector.broadcast %shift_right_arithmetic3A_3224 : i32 to vector<1x128xi32>
    %shift_right_arithmetic3A_3226 = arith.shrsi %get3A_3223, %shift_right_arithmetic3A_3225 : vector<1x128xi32>
    %eq3A_3227 = vector.broadcast %shift_right_arithmetic3A_3226 : vector<1x128xi32> to vector<128x128xi32>
    %eq3A_3228 = arith.cmpi eq, %eq3A_3227, %iota3A : vector<128x128xi32>
    %convert_element_type3A_3229 = arith.extui %eq3A_3228 : vector<128x128xi1> to vector<128x128xi32>
    %convert_element_type3A_3230 = arith.sitofp %convert_element_type3A_3229 : vector<128x128xi32> to vector<128x128xf32>
    %convert_element_type3A_3231 = arith.truncf %convert_element_type3A_3230 : vector<128x128xf32> to vector<128x128xbf16>
    %get3A_3232 = arith.constant 0 : index
    %get3A_3233 = arith.constant 124 : index
    %get3A_3234 = arith.constant 0 : index
    %get3A_3235 = vector.load %arg1[%get3A_3232, %get3A_3233, %get3A_3234] : memref<1x125x128xi32, #tpu.memory_space<vmem>>, vector<1x1x128xi32>
    %get3A_3236 = vector.shape_cast %get3A_3235 : vector<1x1x128xi32> to vector<1x128xi32>
    %shift_right_arithmetic3A_3237 = arith.constant 8 : i32
    %shift_right_arithmetic3A_3238 = vector.broadcast %shift_right_arithmetic3A_3237 : i32 to vector<1x128xi32>
    %shift_right_arithmetic3A_3239 = arith.shrsi %get3A_3236, %shift_right_arithmetic3A_3238 : vector<1x128xi32>
    %eq3A_3240 = vector.broadcast %shift_right_arithmetic3A_3239 : vector<1x128xi32> to vector<128x128xi32>
    %eq3A_3241 = arith.cmpi eq, %eq3A_3240, %iota3A : vector<128x128xi32>
    %convert_element_type3A_3242 = arith.extui %eq3A_3241 : vector<128x128xi1> to vector<128x128xi32>
    %convert_element_type3A_3243 = arith.sitofp %convert_element_type3A_3242 : vector<128x128xi32> to vector<128x128xf32>
    %convert_element_type3A_3244 = arith.truncf %convert_element_type3A_3243 : vector<128x128xf32> to vector<128x128xbf16>
    %concatenate3A_3245 = tpu.concatenate %convert_element_type3A_1632, %convert_element_type3A_1645, %convert_element_type3A_1658, %convert_element_type3A_1671, %convert_element_type3A_1684, %convert_element_type3A_1697, %convert_element_type3A_1710, %convert_element_type3A_1723, %convert_element_type3A_1736, %convert_element_type3A_1749, %convert_element_type3A_1762, %convert_element_type3A_1775, %convert_element_type3A_1788, %convert_element_type3A_1801, %convert_element_type3A_1814, %convert_element_type3A_1827, %convert_element_type3A_1840, %convert_element_type3A_1853, %convert_element_type3A_1866, %convert_element_type3A_1879, %convert_element_type3A_1892, %convert_element_type3A_1905, %convert_element_type3A_1918, %convert_element_type3A_1931, %convert_element_type3A_1944, %convert_element_type3A_1957, %convert_element_type3A_1970, %convert_element_type3A_1983, %convert_element_type3A_1996, %convert_element_type3A_2009, %convert_element_type3A_2022, %convert_element_type3A_2035, %convert_element_type3A_2048, %convert_element_type3A_2061, %convert_element_type3A_2074, %convert_element_type3A_2087, %convert_element_type3A_2100, %convert_element_type3A_2113, %convert_element_type3A_2126, %convert_element_type3A_2139, %convert_element_type3A_2152, %convert_element_type3A_2165, %convert_element_type3A_2178, %convert_element_type3A_2191, %convert_element_type3A_2204, %convert_element_type3A_2217, %convert_element_type3A_2230, %convert_element_type3A_2243, %convert_element_type3A_2256, %convert_element_type3A_2269, %convert_element_type3A_2282, %convert_element_type3A_2295, %convert_element_type3A_2308, %convert_element_type3A_2321, %convert_element_type3A_2334, %convert_element_type3A_2347, %convert_element_type3A_2360, %convert_element_type3A_2373, %convert_element_type3A_2386, %convert_element_type3A_2399, %convert_element_type3A_2412, %convert_element_type3A_2425, %convert_element_type3A_2438, %convert_element_type3A_2451, %convert_element_type3A_2464, %convert_element_type3A_2477, %convert_element_type3A_2490, %convert_element_type3A_2503, %convert_element_type3A_2516, %convert_element_type3A_2529, %convert_element_type3A_2542, %convert_element_type3A_2555, %convert_element_type3A_2568, %convert_element_type3A_2581, %convert_element_type3A_2594, %convert_element_type3A_2607, %convert_element_type3A_2620, %convert_element_type3A_2633, %convert_element_type3A_2646, %convert_element_type3A_2659, %convert_element_type3A_2672, %convert_element_type3A_2685, %convert_element_type3A_2698, %convert_element_type3A_2711, %convert_element_type3A_2724, %convert_element_type3A_2737, %convert_element_type3A_2750, %convert_element_type3A_2763, %convert_element_type3A_2776, %convert_element_type3A_2789, %convert_element_type3A_2802, %convert_element_type3A_2815, %convert_element_type3A_2828, %convert_element_type3A_2841, %convert_element_type3A_2854, %convert_element_type3A_2867, %convert_element_type3A_2880, %convert_element_type3A_2893, %convert_element_type3A_2906, %convert_element_type3A_2919, %convert_element_type3A_2932, %convert_element_type3A_2945, %convert_element_type3A_2958, %convert_element_type3A_2971, %convert_element_type3A_2984, %convert_element_type3A_2997, %convert_element_type3A_3010, %convert_element_type3A_3023, %convert_element_type3A_3036, %convert_element_type3A_3049, %convert_element_type3A_3062, %convert_element_type3A_3075, %convert_element_type3A_3088, %convert_element_type3A_3101, %convert_element_type3A_3114, %convert_element_type3A_3127, %convert_element_type3A_3140, %convert_element_type3A_3153, %convert_element_type3A_3166, %convert_element_type3A_3179, %convert_element_type3A_3192, %convert_element_type3A_3205, %convert_element_type3A_3218, %convert_element_type3A_3231, %convert_element_type3A_3244 in 1 : vector<128x128xbf16>, vector<128x128xbf16>, vector<128x128xbf16>, vector<128x128xbf16>, vector<128x128xbf16>, vector<128x128xbf16>, vector<128x128xbf16>, vector<128x128xbf16>, vector<128x128xbf16>, vector<128x128xbf16>, vector<128x128xbf16>, vector<128x128xbf16>, vector<128x128xbf16>, vector<128x128xbf16>, vector<128x128xbf16>, vector<128x128xbf16>, vector<128x128xbf16>, vector<128x128xbf16>, vector<128x128xbf16>, vector<128x128xbf16>, vector<128x128xbf16>, vector<128x128xbf16>, vector<128x128xbf16>, vector<128x128xbf16>, vector<128x128xbf16>, vector<128x128xbf16>, vector<128x128xbf16>, vector<128x128xbf16>, vector<128x128xbf16>, vector<128x128xbf16>, vector<128x128xbf16>, vector<128x128xbf16>, vector<128x128xbf16>, vector<128x128xbf16>, vector<128x128xbf16>, vector<128x128xbf16>, vector<128x128xbf16>, vector<128x128xbf16>, vector<128x128xbf16>, vector<128x128xbf16>, vector<128x128xbf16>, vector<128x128xbf16>, vector<128x128xbf16>, vector<128x128xbf16>, vector<128x128xbf16>, vector<128x128xbf16>, vector<128x128xbf16>, vector<128x128xbf16>, vector<128x128xbf16>, vector<128x128xbf16>, vector<128x128xbf16>, vector<128x128xbf16>, vector<128x128xbf16>, vector<128x128xbf16>, vector<128x128xbf16>, vector<128x128xbf16>, vector<128x128xbf16>, vector<128x128xbf16>, vector<128x128xbf16>, vector<128x128xbf16>, vector<128x128xbf16>, vector<128x128xbf16>, vector<128x128xbf16>, vector<128x128xbf16>, vector<128x128xbf16>, vector<128x128xbf16>, vector<128x128xbf16>, vector<128x128xbf16>, vector<128x128xbf16>, vector<128x128xbf16>, vector<128x128xbf16>, vector<128x128xbf16>, vector<128x128xbf16>, vector<128x128xbf16>, vector<128x128xbf16>, vector<128x128xbf16>, vector<128x128xbf16>, vector<128x128xbf16>, vector<128x128xbf16>, vector<128x128xbf16>, vector<128x128xbf16>, vector<128x128xbf16>, vector<128x128xbf16>, vector<128x128xbf16>, vector<128x128xbf16>, vector<128x128xbf16>, vector<128x128xbf16>, vector<128x128xbf16>, vector<128x128xbf16>, vector<128x128xbf16>, vector<128x128xbf16>, vector<128x128xbf16>, vector<128x128xbf16>, vector<128x128xbf16>, vector<128x128xbf16>, vector<128x128xbf16>, vector<128x128xbf16>, vector<128x128xbf16>, vector<128x128xbf16>, vector<128x128xbf16>, vector<128x128xbf16>, vector<128x128xbf16>, vector<128x128xbf16>, vector<128x128xbf16>, vector<128x128xbf16>, vector<128x128xbf16>, vector<128x128xbf16>, vector<128x128xbf16>, vector<128x128xbf16>, vector<128x128xbf16>, vector<128x128xbf16>, vector<128x128xbf16>, vector<128x128xbf16>, vector<128x128xbf16>, vector<128x128xbf16>, vector<128x128xbf16>, vector<128x128xbf16>, vector<128x128xbf16>, vector<128x128xbf16>, vector<128x128xbf16>, vector<128x128xbf16>, vector<128x128xbf16>, vector<128x128xbf16>, vector<128x128xbf16>, vector<128x128xbf16> -> vector<128x16000xbf16>
    %get3A_3246 = arith.constant 0 : index
    %get3A_3247 = arith.constant 0 : index
    %get3A_3248 = vector.load %arg3[%get3A_3246, %get3A_3247] : memref<128x128xbf16, #tpu.memory_space<vmem>>, vector<128x128xbf16>
    %dot_general3A = arith.constant dense<0.000000e+00> : vector<16000x128xf32>
    %dot_general3A_3249 = tpu.matmul %concatenate3A, %get3A_3248, %dot_general3A {dimension_numbers = #tpu.dot_dimension_numbers<[0], [0], [1], [1], [0, 1, 1, 1], [], []>, transpose_lhs_hint = false} : vector<128x16000xbf16>, vector<128x128xbf16>, vector<16000x128xf32> -> vector<16000x128xf32>
    %get3A_3250 = arith.constant 0 : index
    %get3A_3251 = arith.constant 0 : index
    %get3A_3252 = vector.load %arg4[%get3A_3250, %get3A_3251] : memref<128x128xbf16, #tpu.memory_space<vmem>>, vector<128x128xbf16>
    %dot_general3A_3253 = arith.constant dense<0.000000e+00> : vector<16000x128xf32>
    %dot_general3A_3254 = tpu.matmul %concatenate3A_3245, %get3A_3252, %dot_general3A_3253 {dimension_numbers = #tpu.dot_dimension_numbers<[0], [0], [1], [1], [0, 1, 1, 1], [], []>, transpose_lhs_hint = false} : vector<128x16000xbf16>, vector<128x128xbf16>, vector<16000x128xf32> -> vector<16000x128xf32>
    %add3A = arith.addf %dot_general3A_3249, %dot_general3A_3254 : vector<16000x128xf32>
    %get3A_3255 = arith.constant 0 : index
    %get3A_3256 = arith.constant 0 : index
    %get3A_3257 = vector.load %arg2[%get3A_3255, %get3A_3256] : memref<6x16000xf32, #tpu.memory_space<vmem>>, vector<6x16000xf32>
    %convert_element_type3A_3258 = arith.truncf %get3A_3257 : vector<6x16000xf32> to vector<6x16000xbf16>
    %get3A_3259 = arith.constant 0 : index
    %get3A_3260 = arith.constant 0 : index
    %get3A_3261 = vector.load %arg5[%get3A_3259, %get3A_3260] : memref<6x128xbf16, #tpu.memory_space<vmem>>, vector<6x128xbf16>
    %dot_general3A_3262 = arith.constant dense<0.000000e+00> : vector<16000x128xf32>
    %dot_general3A_3263 = tpu.matmul %convert_element_type3A_3258, %get3A_3261, %dot_general3A_3262 {dimension_numbers = #tpu.dot_dimension_numbers<[0], [0], [1], [1], [0, 1, 1, 1], [], []>, transpose_lhs_hint = false} : vector<6x16000xbf16>, vector<6x128xbf16>, vector<16000x128xf32> -> vector<16000x128xf32>
    %add3A_3264 = arith.addf %add3A, %dot_general3A_3263 : vector<16000x128xf32>
    %get3A_3265 = arith.constant 0 : index
    %get3A_3266 = arith.constant 0 : index
    %get3A_3267 = vector.load %arg6[%get3A_3265, %get3A_3266] : memref<1x128xf32, #tpu.memory_space<vmem>>, vector<1x128xf32>
    %add3A_3268 = vector.broadcast %get3A_3267 : vector<1x128xf32> to vector<16000x128xf32>
    %add3A_3269 = arith.addf %add3A_3264, %add3A_3268 : vector<16000x128xf32>
    %logistic3A = arith.negf %add3A_3269 : vector<16000x128xf32>
    %logistic3A_3270 = math.exp %logistic3A : vector<16000x128xf32>
    %logistic3A_3271 = arith.constant 1.000000e+00 : f32
    %logistic3A_3272 = vector.broadcast %logistic3A_3271 : f32 to vector<16000x128xf32>
    %logistic3A_3273 = arith.addf %logistic3A_3272, %logistic3A_3270 : vector<16000x128xf32>
    %logistic3A_3274 = arith.divf %logistic3A_3272, %logistic3A_3273 : vector<16000x128xf32>
    %mul3A = arith.mulf %add3A_3269, %logistic3A_3274 : vector<16000x128xf32>
    %swap3A = arith.constant 0 : index
    %swap3A_3275 = arith.constant 0 : index
    %swap3A_3276 = vector.load %arg7[%swap3A, %swap3A_3275] : memref<16000x128xf32, #tpu.memory_space<vmem>>, vector<16000x128xf32>
    tpu.vector_store %arg7[%swap3A, %swap3A_3275], %mul3A {strides = array<i32>} : memref<16000x128xf32, #tpu.memory_space<vmem>>, vector<16000x128xf32>,
    return
  }
  func.func @transform_0(%arg0: i32) -> (i32, i32, i32) {
    %c0_i32 = arith.constant 0 : i32
    %c0_i32_0 = arith.constant 0 : i32
    %c0_i32_1 = arith.constant 0 : i32
    return %arg0, %c0_i32, %c0_i32_0 : i32, i32, i32
  }
  func.func @transform_1(%arg0: i32) -> (i32, i32) {
    %c0_i32 = arith.constant 0 : i32
    %c0_i32_0 = arith.constant 0 : i32
    return %c0_i32, %arg0 : i32, i32
  }
  func.func @transform_2(%arg0: i32) -> (i32, i32) {
    %c0_i32 = arith.constant 0 : i32
    %c0_i32_0 = arith.constant 0 : i32
    %c0_i32_1 = arith.constant 0 : i32
    return %c0_i32, %c0_i32_0 : i32, i32
  }
  func.func @transform_3(%arg0: i32) -> (i32, i32) {
    %c0_i32 = arith.constant 0 : i32
    %c0_i32_0 = arith.constant 0 : i32
    %c0_i32_1 = arith.constant 0 : i32
    return %c0_i32, %c0_i32_0 : i32, i32
  }
  func.func @transform_4(%arg0: i32) -> (i32, i32) {
    %c0_i32 = arith.constant 0 : i32
    %c0_i32_0 = arith.constant 0 : i32
    %c0_i32_1 = arith.constant 0 : i32
    return %c0_i32, %c0_i32_0 : i32, i32
  }
  func.func @transform_5(%arg0: i32) -> (i32, i32) {
    %c0_i32 = arith.constant 0 : i32
    %c0_i32_0 = arith.constant 0 : i32
    %c0_i32_1 = arith.constant 0 : i32
    return %c0_i32, %c0_i32_0 : i32, i32
  }
  func.func @transform_6(%arg0: i32) -> (i32, i32) {
    %c0_i32 = arith.constant 0 : i32
    %c0_i32_0 = arith.constant 0 : i32
    return %arg0, %c0_i32 : i32, i32
  }
}

</mosaic_0001>

<sc_bundles>
// kernel: kernel.4.cloned.1.call-start
scs
__scs_entry_jumppad:
0x0: {  	(pc) =	sbr.rel $0x88, $3  }
0x1: {  	(tag) =	ssettag $0x0;
	lr =	simm.s32 $0x1  }
0x2: {  	[smem:$0x3F99] =	sst lr;
	_ =	strace $0xD0000000  }
0x3: {  	_ = 	snop  }
0x4: {  	_ = 	snop  }
0x5: {  	_ = 	snop  }
0x6: {  	_ = 	snop  }
0x7: {  	_ = 	snop  }
__scs_overlays_trampoline_lowered:
0x8: {  	[smem:$0x3FA8] =	sst s0  }
0x9: {  	[smem:$0x3FA9] =	sst s1  }
0xa: {  	[smem:$0x3FAA] =	sst s2  }
0xb: {  	[smem:$0x3FAB] =	sst s3  }
0xc: {  	[smem:$0x3FAC] =	sst s4  }
0xd: {  	[smem:$0x3FAD] =	sst s5  }
0xe: {  	[smem:$0x3FAE] =	sst s6  }
0xf: {  	[smem:$0x3FAF] =	sst s7  }
0x10: {  	[smem:$0x3FB0] =	sst s8  }
0x11: {  	[smem:$0x3FB1] =	sst s9;
	s0 =	simm.s32 @!p0 $0x0  }
0x12: {  	s1 =	sld [smem:$0x3F97];
	s0 =	simm.s32 @p0 $0x1  }
0x13: {  	[smem:$0x3FB2] =	sst s0;
	s0 =	simm.s32 @!p1 $0x0  }
0x14: {  	s2 =	sld [smem:$0x3F96];
	s0 =	simm.s32 @p1 $0x1  }
0x15: {  	[smem:$0x3FB3] =	sst s0;
	s0 =	simm.s32 @!p2 $0x0  }
0x16: {  	s3 =	sld [smem:$0x3FDB];
	s0 =	simm.s32 @p2 $0x1  }
0x17: {  	s4 =	simm.s32 $0x1BF5;
	[smem:$0x3FB5] =	sst s0  }
0x18: {  	s0 =	sld [smem:$0x3F98];
	_ =	swait.ge [sflag:s4], $0x0  }
0x19: {  	s7 =	sld [smem:$0x3F99]  }
0x1a: {  	s8 =	sadd.s32 $0xFFFFE003, lr  }
0x1b: {  	s9 =	sadd.s32 $0xFFFFFEF7, lr;
	s5 =	simm.s32 $0xFFFFFFFF;
	p2 =	slt.u32 s8, $0xFFFFF086  }
0x1c: {  	p1 =	slt.u32 s9, $0xF7A;
	s5 =	simm.s32 @!p2 $0x0  }
0x1d: {  	s5 =	simm.s32 @p1 $0x1;
	p0 =	seq.s32 s7, s2  }
0x1e: {  	s7 =	smul.u32 @!p0 $0xF7A, s2;
	p2 =	seq.s32 @!p0 s5, $0x0  }
0x1f: {  	s9 =	smul.u32 $0xF7A, s1;
	s8 =	simm.s32 @!p0 $0x1BF5;
	p2 =	por !p2, p0  }
0x20: {  	[sflag:s8] =	ssyncset.s32 @!p0 $0xFFFFF086;
	s6 =	sadd.s32 @!p0 s3, s7;
	s7 =	simm.s32 @!p0 $0x108  }
0x21: {  	s3 =	sadd.s32 s3, s9;
	s6 =	sadd.s32 @!p0 $0x88, s6;
	s7 =	simm.s32 @p2 $0x1082  }
0x22: {  	[simem:s7], [sflag:s8] =	dma.local @!p0 [hbm:s6], $0xF7A  }
0x23: {  	s9 =	sor.u32 $0xD0000000, s2;
	s6 =	simm.s32 $0x108;
	_ =	swait.ge @!p0 [sflag:s8], $0x0  }
0x24: {  	s3 =	sadd.s32 $0x88, s3;
	s6 =	simm.s32 @!p1 $0x1082;
	[sflag:s4] =	ssyncset.s32 $0xFFFFF086  }
0x25: {  	[simem:s6], [sflag:s4] =	dma.local [hbm:s3], $0xF7A  }
0x26: {  	[smem:$0x3F99] =	sst s1;
	(tag) =	ssettag s2;
	_ =	strace s9  }
0x27: {  	s1 =	sld [smem:$0x3FA9]  }
0x28: {  	s2 =	sld [smem:$0x3FAA]  }
0x29: {  	s4 =	sld [smem:$0x3FAC]  }
0x2a: {  	p0 =	seq.s32 s5, $0x0;
	s5 =	sld [smem:$0x3FAD]  }
0x2b: {  	s6 =	sld [smem:$0x3FAE]  }
0x2c: {  	s7 =	sld [smem:$0x3FAF]  }
0x2d: {  	s3 =	simm.s32 $0x108;
	s8 =	sld [smem:$0x3FB0]  }
0x2e: {  	s3 =	simm.s32 @!p0 $0x1082;
	s9 =	sld [smem:$0x3FB1]  }
0x2f: {  	lr =	sadd.s32 s0, s3;
	s0 =	sld [smem:$0x3FA8]  }
0x30: {  	s3 =	sld [smem:$0x3FAB]  }
0x31: {  	[smem:$0x3FB4] =	sst s10  }
0x32: {  	s10 =	sld [smem:$0x3FB2];
	_ =	sdelay $0x3  }
0x33: {  	p0 =	seq.s32 s10, $0x1;
	s10 =	sld [smem:$0x3FB4];
	_ =	sdelay $0x3  }
0x34: {  	[smem:$0x3FB4] =	sst s10  }
0x35: {  	s10 =	sld [smem:$0x3FB3];
	_ =	sdelay $0x3  }
0x36: {  	p1 =	seq.s32 s10, $0x1;
	s10 =	sld [smem:$0x3FB4];
	_ =	sdelay $0x3  }
0x37: {  	[smem:$0x3FB4] =	sst s10  }
0x38: {  	s10 =	sld [smem:$0x3FB5]  }
0x39: {  	_ = 	snop;
	(pc) =	sbr.ind lr, $3  }
0x3a: {  	_ = 	snop  }
0x3b: {  	_ = 	snop  }
0x3c: {  	p2 =	seq.s32 s10, $0x1;
	s10 =	sld [smem:$0x3FB4]  }
0x3d: {  	_ =	shalt  }
0x3e: {  	_ =	shalt  }
0x3f: {  	_ =	shalt  }
0x40: {  	_ =	shalt  }
0x41: {  	_ =	shalt  }
0x42: {  	_ =	shalt  }
0x43: {  	_ =	shalt  }
0x44: {  	_ =	shalt  }
0x45: {  	_ =	shalt  }
0x46: {  	_ =	shalt  }
0x47: {  	_ =	shalt  }
0x48: {  	_ =	shalt  }
0x49: {  	_ =	shalt  }
0x4a: {  	_ =	shalt  }
0x4b: {  	_ =	shalt  }
0x4c: {  	_ =	shalt  }
0x4d: {  	_ =	shalt  }
0x4e: {  	_ =	shalt  }
0x4f: {  	_ =	shalt  }
0x50: {  	_ =	shalt  }
0x51: {  	_ =	shalt  }
0x52: {  	_ =	shalt  }
0x53: {  	_ =	shalt  }
0x54: {  	_ =	shalt  }
0x55: {  	_ =	shalt  }
0x56: {  	_ =	shalt  }
0x57: {  	_ =	shalt  }
0x58: {  	_ =	shalt  }
0x59: {  	_ =	shalt  }
0x5a: {  	_ =	shalt  }
0x5b: {  	_ =	shalt  }
0x5c: {  	_ =	shalt  }
0x5d: {  	_ =	shalt  }
0x5e: {  	_ =	shalt  }
0x5f: {  	_ =	shalt  }
0x60: {  	_ =	shalt  }
0x61: {  	_ =	shalt  }
0x62: {  	_ =	shalt  }
0x63: {  	_ =	shalt  }
0x64: {  	_ =	shalt  }
0x65: {  	_ =	shalt  }
0x66: {  	_ =	shalt  }
0x67: {  	_ =	shalt  }
0x68: {  	_ =	shalt  }
0x69: {  	_ =	shalt  }
0x6a: {  	_ =	shalt  }
0x6b: {  	_ =	shalt  }
0x6c: {  	_ =	shalt  }
0x6d: {  	_ =	shalt  }
0x6e: {  	_ =	shalt  }
0x6f: {  	_ =	shalt  }
0x70: {  	_ =	shalt  }
0x71: {  	_ =	shalt  }
0x72: {  	_ =	shalt  }
0x73: {  	_ =	shalt  }
0x74: {  	_ =	shalt  }
0x75: {  	_ =	shalt  }
0x76: {  	_ =	shalt  }
0x77: {  	_ =	shalt  }
0x78: {  	_ =	shalt  }
0x79: {  	_ =	shalt  }
0x7a: {  	_ =	shalt  }
0x7b: {  	_ =	shalt  }
0x7c: {  	_ =	shalt  }
0x7d: {  	_ =	shalt  }
0x7e: {  	_ =	shalt  }
0x7f: {  	_ =	shalt  }
0x80: {  	_ =	shalt  }
0x81: {  	_ =	shalt  }
0x82: {  	_ =	shalt  }
0x83: {  	_ =	shalt  }
0x84: {  	_ =	shalt  }
0x85: {  	_ =	shalt  }
0x86: {  	_ =	shalt  }
0x87: {  	_ =	shalt  }
.Lfunc_end0:
.L_simem_size_0:
called_computation_lowered:
.L_overlay_start_0:
0x88: {  	s2 =	sld [smem:$0x3FD9]  }
0x89: {  	s3 =	sld [smem:$0x3FFE];
	_ =	sdelay $0x1  }
0x8a: {  	s1 =	srdreg.scid  }
0x8b: {  	s0 =	sand.u32 $0x1, s1  }
0x8c: {  	s18 =	sshll.u32 s0, $0xA;
	s2 =	sadd.s32 s3, s2  }
0x8d: {  	s2 =	sadd.s32 s2, s18  }
0x8e: {  	[smem:$0x3FC0] =	sst s2  }
0x8f: {  	_ = 	snop  }
0x90: {  	s2 =	sld [smem:$0x3FC8]  }
0x91: {  	s19 =	sld [smem:$0x3FC7]  }
0x92: {  	s4 =	sld [smem:$0x3FC6]  }
0x93: {  	s5 =	sld [smem:$0x3FD0];
	(tm) =	ssettm $0x1  }
0x94: {  	s6 =	sld [smem:$0x3FFB];
	_ =	sdelay $0x3  }
0x95: {  	_ =	strace s6  }
0x96: {  	s6 =	sld [smem:$0x3FFC];
	_ =	sdelay $0x3  }
0x97: {  	_ =	strace s6  }
0x98: {  	s6 =	sld [smem:$0x3FFD];
	_ =	sdelay $0x3  }
0x99: {  	_ =	strace s6  }
0x9a: {  	_ =	strace $0x8FFFFFFF  }
0x9b: {  	s20 =	sld [smem:$0x3FDB];
	_ =	sdelay $0x1  }
0x9c: {  	s7 =	simm.s32 $_scs_section_size  }
0x9d: {  	s8 =	simm.s32 $_size__tile_overlayer_lowered;
	s9 =	simm.s32 $_tile_overlayer_lowered  }
0x9e: {  	s23 =	simm.s32 $0x1BFF;
	s22 =	sshll.u32 s9, $0x1;
	s6 =	sadd.s32 s7, s20  }
0x9f: {  	s10 =	simm.s32 $0x0;
	s21 =	sshll.u32 s8, $0x1;
	s8 =	sadd.s32 s22, s6  }
0xa0: {  	[timem:s10], [sflag:s23] =	dma.local [hbm:s8], s21  }
0xa1: {  	_ =	swait.ge [sflag:s23], s21  }
0xa2: {  	s7 =	ssub.s32 $0x0, s21;
	[sflag:s23] =	ssyncset.done $0x0  }
0xa3: {  	[sflag:s23] =	ssyncadd.s32 s7;
	_ =	sdelay $0x1  }
0xa4: {  	s24 =	simm.s32 $0x1B8B  }
0xa5: {  	_ =	swait.ge [sflag:s24], $0x1  }
0xa6: {  	[sflag:s24] =	ssyncset.done $0x0  }
0xa7: {  	s25 =	simm.s32 $0x1B8E;
	[sflag:s24] =	ssyncadd.s32 $0xFFFFFFFF  }
0xa8: {  	s26 =	simm.s32 $execute0_lowered;
	[smem:$0x3FD2] =	sst s25  }
0xa9: {  	s7 =	sshll.u32 s26, $0x1;
	_ =	strace $0x80000046;
	[dreg:$0x1] =	wrdreg $0xFFFFFFFF  }
0xaa: {  	s28 =	simm.s32 $_size_execute0_lowered;
	s6 =	sadd.s32 s6, s7;
	[dreg:$0x0] =	wrdreg $0x0  }
0xab: {  	s7 =	sshll.u32 s28, $0x1;
	[dreg:$0x2] =	wrdreg s6  }
0xac: {  	[dreg:$0x3] =	wrdreg s7  }
0xad: {  	[dreg:$0x4] =	wrdreg $0xC0  }
0xae: {  	_ =	task [dreg:s10], $0x5FFFF  }
0xaf: {  	[dreg:$0x1] =	wrdreg $0xFFFFFFFF  }
0xb0: {  	[dreg:$0x0] =	wrdreg $0x60  }
0xb1: {  	[dreg:$0x2] =	wrdreg s2  }
0xb2: {  	[dreg:$0x3] =	wrdreg s19  }
0xb3: {  	[dreg:$0x4] =	wrdreg s4  }
0xb4: {  	[dreg:$0x5] =	wrdreg s5  }
0xb5: {  	[dreg:$0x6] =	wrdreg $0x9  }
0xb6: {  	_ =	task.clear_ibuf [dreg:s10], $0x7FFFF;
	_ =	strace $0x90000046  }
0xb7: {  	s29 =	simm.s32 $0x9;
	_ =	strace $0x80000048  }
0xb8: {  	_ =	swait.ge [sflag:s29], $0x1  }
0xb9: {  	[sflag:s29] =	ssyncadd.s32 $0xFFFFFFFF  }
0xba: {  	_ =	strace $0x90000048  }
0xbb: {  	_ =	sfence  }
0xbc: {  	s30 =	sld [smem:$0x0];
	_ =	sdelay $0x2  }
0xbd: {  	s31 =	sshll.u32 s1, $0xD;
	s1 =	sshrl.u32 s1, $0x2  }
0xbe: {  	s3 =	sand.u32 $0x4000, s31;
	s1 =	sadd.s32 s1, s30  }
0xbf: {  	s0 =	sor.u32 s3, s0;
	s1 =	sshll.u32 s1, $0x11  }
0xc0: {  	s0 =	sor.u32 s1, s0  }
0xc1: {  	s0 =	sadd.s32 $0x8F2B, s0  }
0xc2: {  	[sflag:s0] =	ssyncadd.remote.s32 $0x1  }
0xc3: {  	_ =	sfence.sel $0xFFFF  }
0xc4: {  	[dreg:$0x0] =	wrdreg $0xFFFFFFFF;
	(pc) =	sbr.abs _section_cstart, $3  }
0xc5: {  	[dreg:$0x1] =	wrdreg $0xFFFFFFFF  }
0xc6: {  	_ =	task.clear_ibuf [dreg:s10], $0x2FFFF;
	_ =	strace $0x9FFFFFFF  }
0xc7: {  	(tm) =	ssettm $0x7FFFFFFF  }
tec
execute0_lowered:
.L_overlay_start_1:
0x0: {  	(tag) =	ssettag $0x1  }
0x1: {  	s1 =	rddreg [dreg:$0x0]  }
0x2: {  	s4 =	rddreg [dreg:$0x1]  }
0x3: {  	s5 =	rddreg [dreg:$0x2]  }
0x4: {  	s6 =	rddreg [dreg:$0x3];
	s3 =	srdreg.scid  }
0x5: {  	s2 =	stileid.u32;
	s0 =	rddreg [dreg:$0x4];
	s10 =	simm.s32 $0x4F00  }
0x6: {  	s11 =	simm.s32 $0x7680;
	s7 =	sand.u32 $0x1, s3;
	s8 =	sshll.u32 s2, $0x1  }
0x7: {  	s3 =	simm.s32 $0x0;
	s9 =	ssub.s32 $0x2, s7;
	s7 =	sor.u32 s7, s8  }
0x8: {  	[smem:$0x7FF] =	sst s3;
	s31 =	sshrl.u32 s9, $0x1;
	s7 =	smul.u32 $0x4E2, s7  }
0x9: {  	s12 =	simm.s32 $0x0;
	_ =	strace $0x80000047;
	s8 =	ssub.s32 s9, s31  }
0xa: {  	s9 =	simm.s32 $0x2780;
	s4 =	sadd.s32 s4, s7;
	s5 =	sadd.s32 s5, s7  }
0xb: {  	s6 =	sadd.s32 s6, s7;
	s7 =	smax.u32 s8, $0x1;
	s8 =	simm.s32 $0x1  }
.LBB2_1:
0xc: {  	[tilespmem:s3], [sflag:$0x1] =	stream.linear.gather [hbm4b:s1+s3], $0x2780, $0x38;
	[tilespmem:$0x9E00] =	vst v63  }
0xd: {  	_ =	swait.ge [sflag:s8], $0x2780  }
0xe: {  	[sflag:s8] =	ssyncset.done $0x0  }
0xf: {  	[sflag:s8] =	ssyncadd.s32 $0xFFFFD880  }
0x10: {  	[tilespmem:s9], [sflag:$0x1] =	stream.linear.gather [hbm4b:s4+s3], $0x2710, $0x38;
	[tilespmem:$0x9E00] =	vst v63  }
0x11: {  	_ =	swait.ge [sflag:s8], $0x2710  }
0x12: {  	[sflag:s8] =	ssyncset.done $0x0  }
0x13: {  	[sflag:s8] =	ssyncadd.s32 $0xFFFFD8F0  }
0x14: {  	[tilespmem:s10], [sflag:$0x1] =	stream.linear.gather [hbm4b:s5+s3], $0x2710, $0x38;
	[tilespmem:$0x9E00] =	vst v63  }
0x15: {  	_ =	swait.ge [sflag:s8], $0x2710  }
0x16: {  	[sflag:s8] =	ssyncset.done $0x0  }
0x17: {  	s14 =	simm.s32 $0x4F40;
	[sflag:s8] =	ssyncadd.s32 $0xFFFFD8F0  }
0x18: {  	s13 =	simm.s32 $0x27C0;
	v0 =	vld [tilespmem:s14+$0x30]  }
0x19: {  	v1 =	vld [tilespmem:s13+$0x30]  }
0x1a: {  	v2 =	vld [tilespmem:s14+$0xFFFFFFC0]  }
0x1b: {  	v3 =	vld [tilespmem:s14+$0xFFFFFFD0]  }
0x1c: {  	v4 =	vld [tilespmem:s14+$0xFFFFFFE0]  }
0x1d: {  	v5 =	vld [tilespmem:s14+$0xFFFFFFF0]  }
0x1e: {  	v6 =	vld [tilespmem:s14+$0x0]  }
0x1f: {  	v7 =	vld [tilespmem:s14+$0x10]  }
0x20: {  	v9 =	vld [tilespmem:s13+$0xFFFFFFD0]  }
0x21: {  	v10 =	vld [tilespmem:s13+$0xFFFFFFE0]  }
0x22: {  	v11 =	vld [tilespmem:s13+$0xFFFFFFF0]  }
0x23: {  	v12 =	vld [tilespmem:s13+$0x0]  }
0x24: {  	v13 =	vld [tilespmem:s13+$0x10]  }
0x25: {  	v14 =	vld [tilespmem:s13+$0x20]  }
0x26: {  	v15 =	vld [tilespmem:s13+$0xFFFFFFC0]  }
0x27: {  	v0 =	vld.idx.msk [tilespmem:v0+s3+$0x0], $0xffff  }
0x28: {  	v8 =	vld.idx.msk [tilespmem:v1+s3+$0x0], $0xffff  }
0x29: {  	v1 =	vld [tilespmem:s14+$0x20]  }
0x2a: {  	v2 =	vld.idx.msk [tilespmem:v2+s3+$0x0], $0xffff  }
0x2b: {  	v3 =	vld.idx.msk [tilespmem:v3+s3+$0x0], $0xffff  }
0x2c: {  	v4 =	vld.idx.msk [tilespmem:v4+s3+$0x0], $0xffff  }
0x2d: {  	v5 =	vld.idx.msk [tilespmem:v5+s3+$0x0], $0xffff  }
0x2e: {  	v6 =	vld.idx.msk [tilespmem:v6+s3+$0x0], $0xffff  }
0x2f: {  	v16 =	vld.idx.msk [tilespmem:v7+s3+$0x0], $0xffff  }
0x30: {  	v15 =	vld.idx.msk [tilespmem:v15+s3+$0x0], $0xffff  }
0x31: {  	v7 =	vld.idx.msk [tilespmem:v9+s3+$0x0], $0xffff  }
0x32: {  	v17 =	vld.idx.msk [tilespmem:v1+s3+$0x0], $0xffff  }
0x33: {  	v9 =	vshll.u32 v0, $0x8;
	v0 =	vld.idx.msk [tilespmem:v11+s3+$0x0], $0xffff  }
0x34: {  	v18 =	vshll.u32 v2, $0x8;
	v1 =	vld.idx.msk [tilespmem:v10+s3+$0x0], $0xffff  }
0x35: {  	v11 =	vshll.u32 v3, $0x8;
	v2 =	vld.idx.msk [tilespmem:v12+s3+$0x0], $0xffff;
	v12 =	vor.u32 v15, v18  }
0x36: {  	s14 =	simm.s32 $0x76C0;
	v10 =	vor.u32 v8, v9;
	v9 =	vshll.u32 v4, $0x8;
	v8 =	vshll.u32 v5, $0x8;
	v5 =	vld.idx.msk [tilespmem:v13+s3+$0x0], $0xffff  }
0x37: {  	s15 =	simm.s32 $0x0;
	s16 =	simm.s32 $0x4FC0;
	v4 =	vshll.u32 v6, $0x8;
	v6 =	vshll.u32 v16, $0x8;
	[tilespmem:s14+$0x30] =	vst v10;
	v10 =	vld.idx.msk [tilespmem:v14+s3+$0x0], $0xffff;
	v3 =	vshll.u32 v17, $0x8  }
.LBB2_2:
0x38: {  	v13 =	vld [tilespmem:s16+$0x30];
	s15 =	sadd.s32 $0x80, s15;
	[tilespmem:s14+$0xFFFFFFC0] =	vst v12;
	v7 =	vor.u32 v7, v11;
	s13 =	sadd.s32 $0x80, s13  }
0x39: {  	v1 =	vor.u32 v1, v9;
	v11 =	vld [tilespmem:s13+$0x30];
	p0 =	slt.u32 s15, $0x2680;
	[tilespmem:s14+$0xFFFFFFD0] =	vst v7  }
0x3a: {  	v0 =	vor.u32 v0, v8;
	v7 =	vld [tilespmem:s16+$0xFFFFFFC0];
	[tilespmem:s14+$0xFFFFFFE0] =	vst v1  }
0x3b: {  	v1 =	vld [tilespmem:s16+$0xFFFFFFD0];
	[tilespmem:s14+$0xFFFFFFF0] =	vst v0;
	v0 =	vor.u32 v2, v4  }
0x3c: {  	v2 =	vld [tilespmem:s16+$0xFFFFFFE0];
	[tilespmem:s14+$0x0] =	vst v0;
	v0 =	vor.u32 v5, v6  }
0x3d: {  	v4 =	vld [tilespmem:s16+$0xFFFFFFF0];
	[tilespmem:s14+$0x10] =	vst v0;
	v0 =	vor.u32 v10, v3  }
0x3e: {  	v3 =	vld [tilespmem:s16+$0x0];
	[tilespmem:s14+$0x20] =	vst v0  }
0x3f: {  	v0 =	vld [tilespmem:s16+$0x10]  }
0x40: {  	v5 =	vld.idx.msk [tilespmem:v13+s3+$0x0], $0xffff  }
0x41: {  	v6 =	vld.idx.msk [tilespmem:v11+s3+$0x0], $0xffff  }
0x42: {  	v8 =	vld [tilespmem:s16+$0x20]  }
0x43: {  	v9 =	vld [tilespmem:s13+$0xFFFFFFD0]  }
0x44: {  	v10 =	vld [tilespmem:s13+$0xFFFFFFE0]  }
0x45: {  	v12 =	vld [tilespmem:s13+$0xFFFFFFF0]  }
0x46: {  	v5 =	vshll.u32 v5, $0x8;
	v13 =	vld [tilespmem:s13+$0x0]  }
0x47: {  	s14 =	sadd.s32 $0x80, s14;
	v5 =	vor.u32 v6, v5;
	v14 =	vld [tilespmem:s13+$0x10]  }
0x48: {  	v15 =	vld [tilespmem:s13+$0x20];
	[tilespmem:s14+$0x30] =	vst v5  }
0x49: {  	v5 =	vld [tilespmem:s13+$0xFFFFFFC0]  }
0x4a: {  	v6 =	vld.idx.msk [tilespmem:v7+s3+$0x0], $0xffff  }
0x4b: {  	v1 =	vld.idx.msk [tilespmem:v1+s3+$0x0], $0xffff  }
0x4c: {  	v2 =	vld.idx.msk [tilespmem:v2+s3+$0x0], $0xffff  }
0x4d: {  	v4 =	vld.idx.msk [tilespmem:v4+s3+$0x0], $0xffff  }
0x4e: {  	v3 =	vld.idx.msk [tilespmem:v3+s3+$0x0], $0xffff  }
0x4f: {  	v16 =	vld.idx.msk [tilespmem:v0+s3+$0x0], $0xffff  }
0x50: {  	v17 =	vshll.u32 v6, $0x8;
	v18 =	vld.idx.msk [tilespmem:v8+s3+$0x0], $0xffff  }
0x51: {  	v11 =	vshll.u32 v1, $0x8;
	v19 =	vld.idx.msk [tilespmem:v5+s3+$0x0], $0xffff  }
0x52: {  	v7 =	vld.idx.msk [tilespmem:v9+s3+$0x0], $0xffff;
	v9 =	vshll.u32 v2, $0x8  }
.Ltmp0:
0x53: {  	v8 =	vshll.u32 v4, $0x8;
	v1 =	vld.idx.msk [tilespmem:v10+s3+$0x0], $0xffff;
	(pc) =	sbr.rel @p0 .LBB2_2-.Ltmp0, $4  }
0x54: {  	v4 =	vshll.u32 v3, $0x8;
	v0 =	vld.idx.msk [tilespmem:v12+s3+$0x0], $0xffff  }
0x55: {  	v6 =	vshll.u32 v16, $0x8;
	v2 =	vld.idx.msk [tilespmem:v13+s3+$0x0], $0xffff  }
0x56: {  	v3 =	vshll.u32 v18, $0x8;
	v5 =	vld.idx.msk [tilespmem:v14+s3+$0x0], $0xffff  }
0x57: {  	s16 =	sadd.s32 $0x80, s16;
	v12 =	vor.u32 v19, v17;
	v10 =	vld.idx.msk [tilespmem:v15+s3+$0x0], $0xffff  }
0x58: {  	[tilespmem:s14+$0xFFFFFFC0] =	vst v12;
	v7 =	vor.u32 v7, v11  }
0x59: {  	v1 =	vor.u32 v1, v9;
	[tilespmem:s14+$0xFFFFFFD0] =	vst v7  }
0x5a: {  	[tilespmem:s14+$0xFFFFFFE0] =	vst v1;
	v0 =	vor.u32 v0, v8  }
0x5b: {  	[tilespmem:s14+$0xFFFFFFF0] =	vst v0;
	v61 =	vor.u32 v2, v4  }
0x5c: {  	[tilespmem:s14+$0x0] =	vst v61;
	v62 =	vor.u32 v5, v6  }
0x5d: {  	[tilespmem:s14+$0x10] =	vst v62;
	v63 =	vor.u32 v10, v3  }
0x5e: {  	[tilespmem:s14+$0x20] =	vst v63  }
0x5f: {  	v0 =	vld [tilespmem:$0x7600]  }
0x60: {  	v1 =	vld [tilespmem:$0x4E80];
	_ =	sdelay $0x6  }
0x61: {  	v0 =	vld.idx.msk [tilespmem:v0+s3+$0x0], $0xffff  }
0x62: {  	v1 =	vld.idx.msk [tilespmem:v1+s3+$0x0], $0xffff;
	_ =	sdelay $0x3  }
0x63: {  	s12 =	sadd.s32 $0x1, s12;
	v0 =	vshll.u32 v0, $0x8  }
0x64: {  	p0 =	sne.s32 s12, s7;
	v0 =	vor.u32 v1, v0  }
.Ltmp1:
0x65: {  	[tilespmem:$0x9D80] =	vst v0;
	(pc) =	sbr.rel @p0 .LBB2_1-.Ltmp1, $4  }
0x66: {  	[hbm4b:s6+s3] =	stream.linear.scatter [tilespmem:s11], [sflag:$0x1], $0x2710, $0x38;
	[tilespmem:$0x9E00] =	vst v63  }
0x67: {  	_ =	swait.ge [sflag:s8], $0x2710  }
0x68: {  	[sflag:s8] =	ssyncset.done $0x0  }
0x69: {  	[sflag:s8] =	ssyncadd.s32 $0xFFFFD8F0  }
0x6a: {  	_ =	sfence.sel $0x180000  }
0x6b: {  	[bflag:$0x0] =	sbarrier.arrive $0xFFFF  }
0x6c: {  	p0 =	sne.s32 s2, $0x0;
	_ =	strace $0x90000047  }
0x6d: {  	s0 =	sadd.s32 @!p0 $0x100000, s0;
	[bflag:$0x2] =	sbarrier.arrive $0xFFFF  }
0x6e: {  	[sflag:s0] =	ssyncadd.tile.s32 @!p0 $0x1;
	_ =	shalt  }
.Lfunc_end2:
_tile_overlayer_lowered:
.L_overlay_start_2:
0x6f: {  	(tag) =	ssettag $0x2  }
0x70: {  	s0 =	rddreg [dreg:$0x0];
	s2 =	stileid.u32  }
0x71: {  	s1 =	rddreg [dreg:$0x1];
	p0 =	sne.s32 s2, $0x0  }
0x72: {  	s3 =	rddreg [dreg:$0x2];
	[bflag:$0x3] =	sbarrier.arrive $0xFFFF;
	s2 =	simm.s32 @!p0 $0x1C01  }
0x73: {  	[timem:s3], [sflag:s2] =	dma.local @!p0 [hbm:s0], s1  }
0x74: {  	s0 =	simm.s32 @!p0 $0x1  }
0x75: {  	_ =	swait.ge @!p0 [sflag:s0], s1  }
0x76: {  	s1 =	ssub.s32 @!p0 $0x0, s1;
	[sflag:s0] =	ssyncset.done @!p0 $0x0  }
0x77: {  	[sflag:s0] =	ssyncadd.s32 @!p0 s1  }
0x78: {  	[bflag:$0x3] =	sbarrier.arrive $0xFFFF  }
0x79: {  	_ =	shalt  }

</sc_bundles>
